<compile_context>
chip_gen: v7x
topology: tpu7x:2x2x1
jax: 0.10.2.dev20260603
libtpu: 0.0.44.dev20260713+nightly
codegen_flags: <defaults>
</compile_context>

<pallas_src>
import functools

import jax
import jax.numpy as jnp
from jax import lax
from jax.experimental import pallas as pl
from jax.experimental.pallas import tpu as pltpu
from jax.experimental.pallas import tpu_sc as plsc

N_NODES = 10000
N_EDGES = 320000
N_GRAPHS = 256
ATOM_EMBED = 64
HIDDEN = 128
N_RBF = 16
MAX_RADIUS = 5.0

E_PAD = 327680
NC = 2
NS = 16
NW = NC * NS
EPW = N_EDGES // NW



def _sc_gather_body(row_h, col_h, z_h, px_h, py_h, pz_h, d2_h, zc_h,
                    row_v, col_v, z_v, px_v, py_v, pz_v, d2_v, zc_v):
    c = lax.axis_index("c")
    s = lax.axis_index("s")
    wid = s * NC + c
    base = wid * EPW
    pltpu.sync_copy(row_h.at[pl.ds(base, EPW)], row_v)
    pltpu.sync_copy(col_h.at[pl.ds(base, EPW)], col_v)
    pltpu.sync_copy(z_h, z_v)
    pltpu.sync_copy(px_h, px_v)
    pltpu.sync_copy(py_h, py_v)
    pltpu.sync_copy(pz_h, pz_v)

    def body(i, carry):
        sl = pl.ds(i * 16, 16)
        r = row_v[sl]
        cc = col_v[sl]
        ax = plsc.load_gather(px_v, [r])
        bx = plsc.load_gather(px_v, [cc])
        ay = plsc.load_gather(py_v, [r])
        by = plsc.load_gather(py_v, [cc])
        az = plsc.load_gather(pz_v, [r])
        bz = plsc.load_gather(pz_v, [cc])
        dx = ax - bx
        dy = ay - by
        dz = az - bz
        d2_v[sl] = dx * dx + dy * dy + dz * dz
        zc_v[sl] = plsc.load_gather(z_v, [cc])
        return carry

    lax.fori_loop(0, EPW // 16, body, 0)
    pltpu.sync_copy(d2_v, d2_h.at[pl.ds(base, EPW)])
    pltpu.sync_copy(zc_v, zc_h.at[pl.ds(base, EPW)])


@functools.cache
def _make_sc_gather():
    mesh = plsc.VectorSubcoreMesh(core_axis_name="c", subcore_axis_name="s")
    return functools.partial(
        pl.kernel,
        mesh=mesh,
        out_type=(jax.ShapeDtypeStruct((E_PAD,), jnp.float32),
                  jax.ShapeDtypeStruct((E_PAD,), jnp.int32)),
        scratch_types=[
            pltpu.VMEM((EPW,), jnp.int32),
            pltpu.VMEM((EPW,), jnp.int32),
            pltpu.VMEM((N_NODES,), jnp.int32),
            pltpu.VMEM((N_NODES,), jnp.float32),
            pltpu.VMEM((N_NODES,), jnp.float32),
            pltpu.VMEM((N_NODES,), jnp.float32),
            pltpu.VMEM((EPW,), jnp.float32),
            pltpu.VMEM((EPW,), jnp.int32),
        ],
        compiler_params=pltpu.CompilerParams(needs_layout_passes=False),
    )(_sc_gather_body)


def _sc_gather(row, col, z, px, py, pz):
    return _make_sc_gather()(row, col, z, px, py, pz)


E_HALF = N_EDGES // 2
EH_PAD = E_PAD // 2
SEPW = E_HALF // NW
_CHUNK = 128
_NFULL = SEPW // _CHUNK
_TAIL = SEPW - _NFULL * _CHUNK


def _sc_scatter_body(row_h, msg_h, agg_h, idx0, msg0, idx1, msg1, idx2, msg2,
                     idxt_v, msgt_v, si0, sm0, si1, sm1, si2, sm2, acc_sh):
    c = lax.axis_index("c")
    s = lax.axis_index("s")
    base = (c * NS + s) * SEPW
    bufs = ((idx0, msg0, si0, sm0), (idx1, msg1, si1, sm1),
            (idx2, msg2, si2, sm2))

    def zbody(r, carry):
        for q in range(HIDDEN // 16):
            msg0[r, pl.ds(q * 16, 16)] = jnp.zeros((16,), jnp.float32)
        return carry

    lax.fori_loop(0, _CHUNK, zbody, 0)
    off = 0
    for nrows in (128, 128, 128, 128, 112):
        pltpu.sync_copy(msg0.at[pl.ds(0, nrows)],
                        acc_sh.at[pl.ds(s * 624 + off, nrows)])
        off += nrows

    @pl.when(s == NS - 1)
    def _():
        pltpu.sync_copy(msg0.at[pl.ds(0, 16)],
                        acc_sh.at[pl.ds(N_NODES - 16, 16)])

    plsc.subcore_barrier()

    def _start(j, b):
        idx_b, msg_b, si, sm = b
        o = base + j * _CHUNK
        pltpu.async_copy(row_h.at[pl.ds(o, _CHUNK)], idx_b, si)
        pltpu.async_copy(msg_h.at[pl.ds(o, _CHUNK), :], msg_b, sm)

    def _wait(b):
        idx_b, msg_b, si, sm = b
        pltpu.make_async_copy(row_h.at[pl.ds(base, _CHUNK)], idx_b, si).wait()
        pltpu.make_async_copy(msg_h.at[pl.ds(base, _CHUNK), :], msg_b, sm).wait()

    _start(0, bufs[0])
    _start(1, bufs[1])
    _start(2, bufs[2])

    def body(jj, carry):
        for k in range(3):
            j = jj * 3 + k
            b = bufs[k]
            _wait(b)
            pltpu.sync_copy(b[1], acc_sh.at[b[0]], add=True)

            @pl.when(j + 3 < _NFULL)
            def _():
                _start(j + 3, b)
        return carry

    lax.fori_loop(0, _NFULL // 3, body, 0)
    o = base + _NFULL * _CHUNK
    pltpu.sync_copy(row_h.at[pl.ds(o, _TAIL)], idxt_v)
    pltpu.sync_copy(msg_h.at[pl.ds(o, _TAIL), :], msgt_v)
    pltpu.sync_copy(msgt_v, acc_sh.at[idxt_v], add=True)
    plsc.subcore_barrier()

    off = 0
    for nrows in (128, 128, 128, 128, 112):
        r0 = s * 624 + off
        pltpu.sync_copy(acc_sh.at[pl.ds(r0, nrows)], msg0.at[pl.ds(0, nrows)])
        pltpu.sync_copy(msg0.at[pl.ds(0, nrows)], agg_h.at[c, pl.ds(r0, nrows), :])
        off += nrows

    @pl.when(s == NS - 1)
    def _():
        r0 = N_NODES - 16
        pltpu.sync_copy(acc_sh.at[pl.ds(r0, 16)], msg0.at[pl.ds(0, 16)])
        pltpu.sync_copy(msg0.at[pl.ds(0, 16)], agg_h.at[c, pl.ds(r0, 16), :])


@functools.cache
def _make_sc_scatter():
    mesh = plsc.VectorSubcoreMesh(core_axis_name="c", subcore_axis_name="s")
    return functools.partial(
        pl.kernel,
        mesh=mesh,
        out_type=jax.ShapeDtypeStruct((NC, N_NODES, HIDDEN), jnp.float32),
        scratch_types=[
            pltpu.VMEM((_CHUNK,), jnp.int32),
            pltpu.VMEM((_CHUNK, HIDDEN), jnp.float32),
            pltpu.VMEM((_CHUNK,), jnp.int32),
            pltpu.VMEM((_CHUNK, HIDDEN), jnp.float32),
            pltpu.VMEM((_CHUNK,), jnp.int32),
            pltpu.VMEM((_CHUNK, HIDDEN), jnp.float32),
            pltpu.VMEM((_TAIL,), jnp.int32),
            pltpu.VMEM((_TAIL, HIDDEN), jnp.float32),
            pltpu.SemaphoreType.DMA,
            pltpu.SemaphoreType.DMA,
            pltpu.SemaphoreType.DMA,
            pltpu.SemaphoreType.DMA,
            pltpu.SemaphoreType.DMA,
            pltpu.SemaphoreType.DMA,
            pltpu.VMEM_SHARED((N_NODES, HIDDEN), jnp.float32),
        ],
        compiler_params=pltpu.CompilerParams(needs_layout_passes=False),
    )(_sc_scatter_body)


def _sc_scatter(row, msgs):
    return _make_sc_scatter()(row, msgs)




BE = 4096


def _edge_body(d2_ref, zc_ref, at_ref, mw1_ref, b1_ref, mw2_ref, b2_ref,
               gam_ref, cen_ref, msg_ref):
    d2 = d2_ref[...][None, :]
    elen = jnp.sqrt(d2 + 1e-12)
    diff = elen - cen_ref[...]
    rbfT = jnp.exp(-gam_ref[0, 0] * (diff * diff))
    zc = zc_ref[...][None, :]
    ohT = (zc == lax.broadcasted_iota(jnp.int32, (HIDDEN, BE), 0)
           ).astype(jnp.float32)
    xT = jnp.dot(at_ref[...].T, ohT, preferred_element_type=jnp.float32)
    msg_inT = jnp.concatenate([xT, rbfT], axis=0)
    pre = jnp.dot(mw1_ref[...].T, msg_inT,
                  preferred_element_type=jnp.float32)
    hT = jnp.maximum(pre + b1_ref[...], 0.0)
    out = lax.dot_general(hT, mw2_ref[...], (((0,), (0,)), ((), ())),
                          preferred_element_type=jnp.float32)
    msg_ref[...] = jnp.maximum(out + b2_ref[...], 0.0)



BN = 2000
NB = N_NODES // BN


def _node_body(z_ref, agg_ref, aggb_ref, bat_ref, at_ref, nw1_ref, b1_ref,
               nw2_ref, b2_ref, rw1_ref, rb1_ref, rw2_ref, rb2_ref,
               out_ref, mol_ref):
    i = pl.program_id(0)
    zr = z_ref[0]
    ohzT = (zr == lax.broadcasted_iota(jnp.int32, (HIDDEN, BN), 0)
            ).astype(jnp.float32)
    xT = jnp.dot(at_ref[...].T, ohzT, preferred_element_type=jnp.float32)
    aggT = ((agg_ref[0] + agg_ref[1])
            + (aggb_ref[0] + aggb_ref[1])).T
    nfT = jnp.concatenate([xT, aggT], axis=0)
    pre = jnp.dot(nw1_ref[...].T, nfT, preferred_element_type=jnp.float32)
    h2T = jnp.maximum(pre + b1_ref[...], 0.0)
    nout = lax.dot_general(h2T, nw2_ref[...], (((0,), (0,)), ((), ())),
                           preferred_element_type=jnp.float32)
    nout = jnp.maximum(nout + b2_ref[...], 0.0)
    bt = bat_ref[0]
    ohb = (lax.broadcasted_iota(jnp.int32, (N_GRAPHS, BN), 0) == bt
           ).astype(jnp.float32)
    part = jnp.dot(ohb, nout, preferred_element_type=jnp.float32, precision=lax.Precision.HIGHEST)

    @pl.when(i == 0)
    def _():
        mol_ref[...] = part

    @pl.when(i > 0)
    def _():
        mol_ref[...] = mol_ref[...] + part

    @pl.when(i == NB - 1)
    def _():
        h3 = jnp.dot(mol_ref[...], rw1_ref[...],
                     preferred_element_type=jnp.float32)
        h3 = jnp.maximum(h3 + rb1_ref[...], 0.0)
        o = jnp.dot(h3, rw2_ref[...], preferred_element_type=jnp.float32)
        out_ref[...] = o + rb2_ref[...]




def kernel(pos, z, batch, edge_index, atom_table, gamma,
           msg_W1, msg_b1, msg_W2, msg_b2,
           node_W1, node_b1, node_W2, node_b2,
           ro_W1, ro_b1, ro_W2, ro_b2):
    row = edge_index[0]
    col = edge_index[1]
    px = pos[:, 0]
    py = pos[:, 1]
    pz = pos[:, 2]

    d2, zcol = _sc_gather(row, col, z, px, py, pz)

    at_pad = jnp.pad(atom_table, ((0, HIDDEN - atom_table.shape[0]), (0, 0)))
    centers = jnp.linspace(0.0, MAX_RADIUS, N_RBF,
                           dtype=jnp.float32).reshape(N_RBF, 1)

    def edge_half(d2h, zch):
        return pl.pallas_call(
            _edge_body,
            grid=(EH_PAD // BE,),
            in_specs=[
                pl.BlockSpec((BE,), lambda i: (i,)),
                pl.BlockSpec((BE,), lambda i: (i,)),
                pl.BlockSpec((HIDDEN, ATOM_EMBED), lambda i: (0, 0)),
                pl.BlockSpec((ATOM_EMBED + N_RBF, HIDDEN), lambda i: (0, 0)),
                pl.BlockSpec((HIDDEN, 1), lambda i: (0, 0)),
                pl.BlockSpec((HIDDEN, HIDDEN), lambda i: (0, 0)),
                pl.BlockSpec((1, HIDDEN), lambda i: (0, 0)),
                pl.BlockSpec((1, 1), lambda i: (0, 0)),
                pl.BlockSpec((N_RBF, 1), lambda i: (0, 0)),
            ],
            out_specs=pl.BlockSpec((BE, HIDDEN), lambda i: (i, 0)),
            out_shape=jax.ShapeDtypeStruct((EH_PAD, HIDDEN), jnp.float32),
            compiler_params=pltpu.CompilerParams(
                dimension_semantics=("arbitrary",)),
        )(d2h, zch, at_pad, msg_W1, msg_b1.reshape(HIDDEN, 1), msg_W2,
          msg_b2.reshape(1, HIDDEN), gamma.reshape(1, 1), centers)

    msgs_a = edge_half(d2[:EH_PAD], zcol[:EH_PAD])
    msgs_b = edge_half(d2[E_HALF:E_HALF + EH_PAD],
                       zcol[E_HALF:E_HALF + EH_PAD])
    agg_a = _sc_scatter(row[:E_HALF], msgs_a)
    agg_b = _sc_scatter(row[E_HALF:], msgs_b)

    out = pl.pallas_call(
        _node_body,
        grid=(NB,),
        in_specs=[
            pl.BlockSpec((1, 1, BN), lambda i: (i, 0, 0)),
            pl.BlockSpec((NC, BN, HIDDEN), lambda i: (0, i, 0)),
            pl.BlockSpec((NC, BN, HIDDEN), lambda i: (0, i, 0)),
            pl.BlockSpec((1, 1, BN), lambda i: (i, 0, 0)),
            pl.BlockSpec((HIDDEN, ATOM_EMBED), lambda i: (0, 0)),
            pl.BlockSpec((ATOM_EMBED + HIDDEN, HIDDEN), lambda i: (0, 0)),
            pl.BlockSpec((HIDDEN, 1), lambda i: (0, 0)),
            pl.BlockSpec((HIDDEN, HIDDEN), lambda i: (0, 0)),
            pl.BlockSpec((1, HIDDEN), lambda i: (0, 0)),
            pl.BlockSpec((HIDDEN, HIDDEN // 2), lambda i: (0, 0)),
            pl.BlockSpec((1, HIDDEN // 2), lambda i: (0, 0)),
            pl.BlockSpec((HIDDEN // 2, 1), lambda i: (0, 0)),
            pl.BlockSpec((1, 1), lambda i: (0, 0)),
        ],
        out_specs=pl.BlockSpec((N_GRAPHS, 1), lambda i: (0, 0)),
        out_shape=jax.ShapeDtypeStruct((N_GRAPHS, 1), jnp.float32),
        scratch_shapes=[pltpu.VMEM((N_GRAPHS, HIDDEN), jnp.float32)],
        compiler_params=pltpu.CompilerParams(
            dimension_semantics=("arbitrary",)),
    )(z.reshape(NB, 1, BN), agg_a, agg_b, batch.reshape(NB, 1, BN), at_pad,
      node_W1, node_b1.reshape(HIDDEN, 1), node_W2,
      node_b2.reshape(1, HIDDEN), ro_W1, ro_b1.reshape(1, HIDDEN // 2),
      ro_W2, ro_b2.reshape(1, 1))

    return out.reshape(N_GRAPHS)

# --- scband reference (transcript-rebuilt; emitter-appended) ---
"""Pipeline reference for scband-baseline-invariant-gnn-1563368095922 (READ-ONLY COPY).

The authoritative reference and input builder live on the scoring server;
editing this copy changes nothing except your own understanding.
"""

import jax, jax.numpy as jnp
import numpy as np

N_NODES = 10000
N_EDGES = 320000
N_GRAPHS = 256
ATOM_EMBED = 64
HIDDEN = 128
N_RBF = 16
MAX_RADIUS = 5.0


def setup_inputs(seed: int = 0):
    key = jax.random.key(seed)
    ks = jax.random.split(key, 20)
    pos = jax.random.normal(ks[0], (N_NODES, 3), dtype=jnp.float32) * 3.0
    z = jax.random.randint(ks[1], (N_NODES,), 0, 100, dtype=jnp.int32)
    batch = jnp.sort(jax.random.randint(ks[2], (N_NODES,), 0, N_GRAPHS, dtype=jnp.int32))
    edge_index = jax.random.randint(ks[3], (2, N_EDGES), 0, N_NODES, dtype=jnp.int32)
    atom_table = jax.random.normal(ks[4], (100, ATOM_EMBED), dtype=jnp.float32) * 0.1
    gamma = jnp.array(10.0, dtype=jnp.float32)
    msg_W1 = jax.random.normal(ks[5], (ATOM_EMBED + N_RBF, HIDDEN), dtype=jnp.float32) * 0.05
    msg_b1 = jnp.zeros((HIDDEN,), dtype=jnp.float32)
    msg_W2 = jax.random.normal(ks[6], (HIDDEN, HIDDEN), dtype=jnp.float32) * 0.05
    msg_b2 = jnp.zeros((HIDDEN,), dtype=jnp.float32)
    node_W1 = jax.random.normal(ks[7], (ATOM_EMBED + HIDDEN, HIDDEN), dtype=jnp.float32) * 0.05
    node_b1 = jnp.zeros((HIDDEN,), dtype=jnp.float32)
    node_W2 = jax.random.normal(ks[8], (HIDDEN, HIDDEN), dtype=jnp.float32) * 0.05
    node_b2 = jnp.zeros((HIDDEN,), dtype=jnp.float32)
    ro_W1 = jax.random.normal(ks[9], (HIDDEN, HIDDEN // 2), dtype=jnp.float32) * 0.05
    ro_b1 = jnp.zeros((HIDDEN // 2,), dtype=jnp.float32)
    ro_W2 = jax.random.normal(ks[10], (HIDDEN // 2, 1), dtype=jnp.float32) * 0.05
    ro_b2 = jnp.zeros((1,), dtype=jnp.float32)
    return {"pos": pos, "z": z, "batch": batch, "edge_index": edge_index,
            "atom_table": atom_table, "gamma": gamma,
            "msg_W1": msg_W1, "msg_b1": msg_b1, "msg_W2": msg_W2, "msg_b2": msg_b2,
            "node_W1": node_W1, "node_b1": node_b1, "node_W2": node_W2, "node_b2": node_b2,
            "ro_W1": ro_W1, "ro_b1": ro_b1, "ro_W2": ro_W2, "ro_b2": ro_b2}


def reference(pos, z, batch, edge_index, atom_table, gamma,
              msg_W1, msg_b1, msg_W2, msg_b2,
              node_W1, node_b1, node_W2, node_b2,
              ro_W1, ro_b1, ro_W2, ro_b2):
    centers = jnp.linspace(0.0, MAX_RADIUS, N_RBF)
    x = jnp.take(atom_table, z, axis=0)
    row = edge_index[0]
    col = edge_index[1]
    edge_vec = pos[row] - pos[col]
    edge_len = jnp.sqrt(jnp.sum(edge_vec * edge_vec, axis=-1) + 1e-12)
    diff = edge_len[:, None] - centers[None, :]
    edge_rbf = jnp.exp(-gamma * diff ** 2)
    node_j = x[col]
    msg_in = jnp.concatenate([node_j, edge_rbf], axis=-1)
    h = jax.nn.relu(msg_in @ msg_W1 + msg_b1)
    messages = jax.nn.relu(h @ msg_W2 + msg_b2)
    agg = jax.ops.segment_sum(messages, row, num_segments=pos.shape[0])
    node_feat = jnp.concatenate([x, agg], axis=-1)
    h2 = jax.nn.relu(node_feat @ node_W1 + node_b1)
    node_out = jax.nn.relu(h2 @ node_W2 + node_b2)
    mol_feat = jax.ops.segment_sum(node_out, batch, num_segments=N_GRAPHS)
    h3 = jax.nn.relu(mol_feat @ ro_W1 + ro_b1)
    out = (h3 @ ro_W2 + ro_b2).squeeze(-1)
    return out

if __name__ == "__main__":
    import jax
    _d = setup_inputs()
    print(jax.jit(kernel)(*tuple(_d.values())))

</pallas_src>

<mosaic_0001>
#map = affine_map<(d0, d1) -> (0)>
#map1 = affine_map<(d0, d1) -> (0, 0)>
#map2 = affine_map<(d0, d1) -> (0, 0, 0)>
module attributes {stable_mosaic.version = 14 : i64} {
  func.func @_sc_scatter_body(%arg0: i32, %arg1: i32, %arg2: memref<160000xi32, #tpu.memory_space<hbm>>, %arg3: memref<163840x128xf32, #tpu.memory_space<hbm>>, %arg4: memref<2x10000x128xf32, #tpu.memory_space<hbm>>, %arg5: memref<128xi32, #tpu.memory_space<vmem>>, %arg6: memref<128x128xf32, #tpu.memory_space<vmem>>, %arg7: memref<128xi32, #tpu.memory_space<vmem>>, %arg8: memref<128x128xf32, #tpu.memory_space<vmem>>, %arg9: memref<128xi32, #tpu.memory_space<vmem>>, %arg10: memref<128x128xf32, #tpu.memory_space<vmem>>, %arg11: memref<8xi32, #tpu.memory_space<vmem>>, %arg12: memref<8x128xf32, #tpu.memory_space<vmem>>, %arg13: memref<!tpu.dma_semaphore, #tpu.memory_space<semaphore_mem>>, %arg14: memref<!tpu.dma_semaphore, #tpu.memory_space<semaphore_mem>>, %arg15: memref<!tpu.dma_semaphore, #tpu.memory_space<semaphore_mem>>, %arg16: memref<!tpu.dma_semaphore, #tpu.memory_space<semaphore_mem>>, %arg17: memref<!tpu.dma_semaphore, #tpu.memory_space<semaphore_mem>>, %arg18: memref<!tpu.dma_semaphore, #tpu.memory_space<semaphore_mem>>, %arg19: memref<10000x128xf32, #tpu.memory_space<vmem_shared>>) attributes {dimension_semantics = [#tpu.dimension_semantics<core_parallel>, #tpu.dimension_semantics<subcore_parallel>], iteration_bounds = array<i64: 2, 16>, scalar_prefetch = 0 : i64, scratch_operands = 15 : i64, tpu.core_type = #tpu.core_type<sc_vector_subcore>, window_params = [{transform_indices = #map}, {transform_indices = #map1}, {transform_indices = #map2}]} {
    %mul3A = arith.constant 16 : i32
    %mul3A_0 = arith.muli %arg0, %mul3A : i32
    %add3A = arith.addi %mul3A_0, %arg1 : i32
    %mul3A_1 = arith.constant 5000 : i32
    %mul3A_2 = arith.muli %add3A, %mul3A_1 : i32
    %scan3A = arith.constant 0 : i32
    %scan3A_3 = arith.constant 0 : i32
    %scan3A_4 = arith.constant 128 : i32
    %scan3A_5 = arith.addi %scan3A_3, %scan3A_4 : i32
    %scan3A_6 = arith.constant 1 : i32
    scf.for %scan3A_87 = %scan3A_3 to %scan3A_5 step %scan3A_6  : i32 {
      %broadcast_in_dim3A = arith.constant 0.000000e+00 : f32
      %broadcast_in_dim3A_88 = vector.broadcast %broadcast_in_dim3A : f32 to vector<16xf32>
      %swap3A = arith.index_cast %scan3A_87 : i32 to index
      %swap3A_89 = arith.constant 0 : index
      %swap3A_90 = tpu.vector_load %arg6[%swap3A, %swap3A_89] {strides = array<i32>} : memref<128x128xf32, #tpu.memory_space<vmem>>, vector<16xf32>,
      tpu.vector_store %arg6[%swap3A, %swap3A_89], %broadcast_in_dim3A_88 {strides = array<i32>} : memref<128x128xf32, #tpu.memory_space<vmem>>, vector<16xf32>,
      %broadcast_in_dim3A_91 = arith.constant 0.000000e+00 : f32
      %broadcast_in_dim3A_92 = vector.broadcast %broadcast_in_dim3A_91 : f32 to vector<16xf32>
      %swap3A_93 = arith.index_cast %scan3A_87 : i32 to index
      %swap3A_94 = arith.constant 16 : index
      %swap3A_95 = tpu.vector_load %arg6[%swap3A_93, %swap3A_94] {strides = array<i32>} : memref<128x128xf32, #tpu.memory_space<vmem>>, vector<16xf32>,
      tpu.vector_store %arg6[%swap3A_93, %swap3A_94], %broadcast_in_dim3A_92 {strides = array<i32>} : memref<128x128xf32, #tpu.memory_space<vmem>>, vector<16xf32>,
      %broadcast_in_dim3A_96 = arith.constant 0.000000e+00 : f32
      %broadcast_in_dim3A_97 = vector.broadcast %broadcast_in_dim3A_96 : f32 to vector<16xf32>
      %swap3A_98 = arith.index_cast %scan3A_87 : i32 to index
      %swap3A_99 = arith.constant 32 : index
      %swap3A_100 = tpu.vector_load %arg6[%swap3A_98, %swap3A_99] {strides = array<i32>} : memref<128x128xf32, #tpu.memory_space<vmem>>, vector<16xf32>,
      tpu.vector_store %arg6[%swap3A_98, %swap3A_99], %broadcast_in_dim3A_97 {strides = array<i32>} : memref<128x128xf32, #tpu.memory_space<vmem>>, vector<16xf32>,
      %broadcast_in_dim3A_101 = arith.constant 0.000000e+00 : f32
      %broadcast_in_dim3A_102 = vector.broadcast %broadcast_in_dim3A_101 : f32 to vector<16xf32>
      %swap3A_103 = arith.index_cast %scan3A_87 : i32 to index
      %swap3A_104 = arith.constant 48 : index
      %swap3A_105 = tpu.vector_load %arg6[%swap3A_103, %swap3A_104] {strides = array<i32>} : memref<128x128xf32, #tpu.memory_space<vmem>>, vector<16xf32>,
      tpu.vector_store %arg6[%swap3A_103, %swap3A_104], %broadcast_in_dim3A_102 {strides = array<i32>} : memref<128x128xf32, #tpu.memory_space<vmem>>, vector<16xf32>,
      %broadcast_in_dim3A_106 = arith.constant 0.000000e+00 : f32
      %broadcast_in_dim3A_107 = vector.broadcast %broadcast_in_dim3A_106 : f32 to vector<16xf32>
      %swap3A_108 = arith.index_cast %scan3A_87 : i32 to index
      %swap3A_109 = arith.constant 64 : index
      %swap3A_110 = tpu.vector_load %arg6[%swap3A_108, %swap3A_109] {strides = array<i32>} : memref<128x128xf32, #tpu.memory_space<vmem>>, vector<16xf32>,
      tpu.vector_store %arg6[%swap3A_108, %swap3A_109], %broadcast_in_dim3A_107 {strides = array<i32>} : memref<128x128xf32, #tpu.memory_space<vmem>>, vector<16xf32>,
      %broadcast_in_dim3A_111 = arith.constant 0.000000e+00 : f32
      %broadcast_in_dim3A_112 = vector.broadcast %broadcast_in_dim3A_111 : f32 to vector<16xf32>
      %swap3A_113 = arith.index_cast %scan3A_87 : i32 to index
      %swap3A_114 = arith.constant 80 : index
      %swap3A_115 = tpu.vector_load %arg6[%swap3A_113, %swap3A_114] {strides = array<i32>} : memref<128x128xf32, #tpu.memory_space<vmem>>, vector<16xf32>,
      tpu.vector_store %arg6[%swap3A_113, %swap3A_114], %broadcast_in_dim3A_112 {strides = array<i32>} : memref<128x128xf32, #tpu.memory_space<vmem>>, vector<16xf32>,
      %broadcast_in_dim3A_116 = arith.constant 0.000000e+00 : f32
      %broadcast_in_dim3A_117 = vector.broadcast %broadcast_in_dim3A_116 : f32 to vector<16xf32>
      %swap3A_118 = arith.index_cast %scan3A_87 : i32 to index
      %swap3A_119 = arith.constant 96 : index
      %swap3A_120 = tpu.vector_load %arg6[%swap3A_118, %swap3A_119] {strides = array<i32>} : memref<128x128xf32, #tpu.memory_space<vmem>>, vector<16xf32>,
      tpu.vector_store %arg6[%swap3A_118, %swap3A_119], %broadcast_in_dim3A_117 {strides = array<i32>} : memref<128x128xf32, #tpu.memory_space<vmem>>, vector<16xf32>,
      %broadcast_in_dim3A_121 = arith.constant 0.000000e+00 : f32
      %broadcast_in_dim3A_122 = vector.broadcast %broadcast_in_dim3A_121 : f32 to vector<16xf32>
      %swap3A_123 = arith.index_cast %scan3A_87 : i32 to index
      %swap3A_124 = arith.constant 112 : index
      %swap3A_125 = tpu.vector_load %arg6[%swap3A_123, %swap3A_124] {strides = array<i32>} : memref<128x128xf32, #tpu.memory_space<vmem>>, vector<16xf32>,
      tpu.vector_store %arg6[%swap3A_123, %swap3A_124], %broadcast_in_dim3A_122 {strides = array<i32>} : memref<128x128xf32, #tpu.memory_space<vmem>>, vector<16xf32>,
    }
    %scan3A_7 = arith.constant 128 : i32
    %mul3A_8 = arith.constant 624 : i32
    %mul3A_9 = arith.muli %arg1, %mul3A_8 : i32
    %add3A_10 = arith.constant 0 : i32
    %add3A_11 = arith.addi %mul3A_9, %add3A_10 : i32
    "tpu.region"() ({
      %run_scoped3A = tpu.sem_alloc : memref<!tpu.dma_semaphore, #tpu.memory_space<semaphore_mem>>
      %dma_start3A_87 = arith.constant 0 : i32
      %dma_start3A_88 = arith.constant 0 : i32
      %dma_start3A_89 = tpu.memref_slice %arg6[%dma_start3A_87, %dma_start3A_88] : memref<128x128xf32, #tpu.memory_space<vmem>> -> memref<128x128xf32, #tpu.memory_space<vmem>>
      %dma_start3A_90 = arith.constant 0 : i32
      %dma_start3A_91 = tpu.memref_slice %arg19[%add3A_11, %dma_start3A_90] : memref<10000x128xf32, #tpu.memory_space<vmem_shared>> -> memref<128x128xf32, #tpu.memory_space<vmem_shared>>
      %dma_start3A_92 = arith.constant 0 : i32
      %dma_start3A_93 = tpu.memref_slice %arg19[%add3A_11, %dma_start3A_92] : memref<10000x128xf32, #tpu.memory_space<vmem_shared>> -> memref<128x128xf32, #tpu.memory_space<vmem_shared>>
      %dma_start3A_94 = arith.constant 0 : i32
      %dma_start3A_95 = arith.constant 0 : i32
      %dma_start3A_96 = tpu.memref_slice %arg6[%dma_start3A_94, %dma_start3A_95] : memref<128x128xf32, #tpu.memory_space<vmem>> -> memref<128x128xf32, #tpu.memory_space<vmem>>
      tpu.enqueue_dma source(%dma_start3A_96 : memref<128x128xf32, #tpu.memory_space<vmem>>) target(%dma_start3A_93 : memref<128x128xf32, #tpu.memory_space<vmem_shared>>) target_semaphore(%run_scoped3A : memref<!tpu.dma_semaphore, #tpu.memory_space<semaphore_mem>>)
      %dma_wait3A = arith.constant 0 : i32
      %dma_wait3A_97 = arith.constant 0 : i32
      %dma_wait3A_98 = tpu.memref_slice %arg6[%dma_wait3A, %dma_wait3A_97] : memref<128x128xf32, #tpu.memory_space<vmem>> -> memref<128x128xf32, #tpu.memory_space<vmem>>
      %dma_wait3A_99 = arith.constant 0 : i32
      %dma_wait3A_100 = tpu.memref_slice %arg19[%add3A_11, %dma_wait3A_99] : memref<10000x128xf32, #tpu.memory_space<vmem_shared>> -> memref<128x128xf32, #tpu.memory_space<vmem_shared>>
      %dma_wait3A_101 = arith.constant 0 : i32
      %dma_wait3A_102 = tpu.memref_slice %arg19[%add3A_11, %dma_wait3A_101] : memref<10000x128xf32, #tpu.memory_space<vmem_shared>> -> memref<128x128xf32, #tpu.memory_space<vmem_shared>>
      %dma_wait3A_103 = arith.constant 0 : i32
      %dma_wait3A_104 = arith.constant 0 : i32
      %dma_wait3A_105 = tpu.memref_slice %arg6[%dma_wait3A_103, %dma_wait3A_104] : memref<128x128xf32, #tpu.memory_space<vmem>> -> memref<128x128xf32, #tpu.memory_space<vmem>>
      tpu.wait_dma2 semaphore(%run_scoped3A : memref<!tpu.dma_semaphore, #tpu.memory_space<semaphore_mem>>) src(%dma_wait3A_105 : memref<128x128xf32, #tpu.memory_space<vmem>>) dst(%dma_wait3A_102 : memref<128x128xf32, #tpu.memory_space<vmem_shared>>)
      tpu.yield
    }) : () -> ()
    %mul3A_12 = arith.constant 624 : i32
    %mul3A_13 = arith.muli %arg1, %mul3A_12 : i32
    %add3A_14 = arith.constant 128 : i32
    %add3A_15 = arith.addi %mul3A_13, %add3A_14 : i32
    "tpu.region"() ({
      %run_scoped3A = tpu.sem_alloc : memref<!tpu.dma_semaphore, #tpu.memory_space<semaphore_mem>>
      %dma_start3A_87 = arith.constant 0 : i32
      %dma_start3A_88 = arith.constant 0 : i32
      %dma_start3A_89 = tpu.memref_slice %arg6[%dma_start3A_87, %dma_start3A_88] : memref<128x128xf32, #tpu.memory_space<vmem>> -> memref<128x128xf32, #tpu.memory_space<vmem>>
      %dma_start3A_90 = arith.constant 0 : i32
      %dma_start3A_91 = tpu.memref_slice %arg19[%add3A_15, %dma_start3A_90] : memref<10000x128xf32, #tpu.memory_space<vmem_shared>> -> memref<128x128xf32, #tpu.memory_space<vmem_shared>>
      %dma_start3A_92 = arith.constant 0 : i32
      %dma_start3A_93 = tpu.memref_slice %arg19[%add3A_15, %dma_start3A_92] : memref<10000x128xf32, #tpu.memory_space<vmem_shared>> -> memref<128x128xf32, #tpu.memory_space<vmem_shared>>
      %dma_start3A_94 = arith.constant 0 : i32
      %dma_start3A_95 = arith.constant 0 : i32
      %dma_start3A_96 = tpu.memref_slice %arg6[%dma_start3A_94, %dma_start3A_95] : memref<128x128xf32, #tpu.memory_space<vmem>> -> memref<128x128xf32, #tpu.memory_space<vmem>>
      tpu.enqueue_dma source(%dma_start3A_96 : memref<128x128xf32, #tpu.memory_space<vmem>>) target(%dma_start3A_93 : memref<128x128xf32, #tpu.memory_space<vmem_shared>>) target_semaphore(%run_scoped3A : memref<!tpu.dma_semaphore, #tpu.memory_space<semaphore_mem>>)
      %dma_wait3A = arith.constant 0 : i32
      %dma_wait3A_97 = arith.constant 0 : i32
      %dma_wait3A_98 = tpu.memref_slice %arg6[%dma_wait3A, %dma_wait3A_97] : memref<128x128xf32, #tpu.memory_space<vmem>> -> memref<128x128xf32, #tpu.memory_space<vmem>>
      %dma_wait3A_99 = arith.constant 0 : i32
      %dma_wait3A_100 = tpu.memref_slice %arg19[%add3A_15, %dma_wait3A_99] : memref<10000x128xf32, #tpu.memory_space<vmem_shared>> -> memref<128x128xf32, #tpu.memory_space<vmem_shared>>
      %dma_wait3A_101 = arith.constant 0 : i32
      %dma_wait3A_102 = tpu.memref_slice %arg19[%add3A_15, %dma_wait3A_101] : memref<10000x128xf32, #tpu.memory_space<vmem_shared>> -> memref<128x128xf32, #tpu.memory_space<vmem_shared>>
      %dma_wait3A_103 = arith.constant 0 : i32
      %dma_wait3A_104 = arith.constant 0 : i32
      %dma_wait3A_105 = tpu.memref_slice %arg6[%dma_wait3A_103, %dma_wait3A_104] : memref<128x128xf32, #tpu.memory_space<vmem>> -> memref<128x128xf32, #tpu.memory_space<vmem>>
      tpu.wait_dma2 semaphore(%run_scoped3A : memref<!tpu.dma_semaphore, #tpu.memory_space<semaphore_mem>>) src(%dma_wait3A_105 : memref<128x128xf32, #tpu.memory_space<vmem>>) dst(%dma_wait3A_102 : memref<128x128xf32, #tpu.memory_space<vmem_shared>>)
      tpu.yield
    }) : () -> ()
    %mul3A_16 = arith.constant 624 : i32
    %mul3A_17 = arith.muli %arg1, %mul3A_16 : i32
    %add3A_18 = arith.constant 256 : i32
    %add3A_19 = arith.addi %mul3A_17, %add3A_18 : i32
    "tpu.region"() ({
      %run_scoped3A = tpu.sem_alloc : memref<!tpu.dma_semaphore, #tpu.memory_space<semaphore_mem>>
      %dma_start3A_87 = arith.constant 0 : i32
      %dma_start3A_88 = arith.constant 0 : i32
      %dma_start3A_89 = tpu.memref_slice %arg6[%dma_start3A_87, %dma_start3A_88] : memref<128x128xf32, #tpu.memory_space<vmem>> -> memref<128x128xf32, #tpu.memory_space<vmem>>
      %dma_start3A_90 = arith.constant 0 : i32
      %dma_start3A_91 = tpu.memref_slice %arg19[%add3A_19, %dma_start3A_90] : memref<10000x128xf32, #tpu.memory_space<vmem_shared>> -> memref<128x128xf32, #tpu.memory_space<vmem_shared>>
      %dma_start3A_92 = arith.constant 0 : i32
      %dma_start3A_93 = tpu.memref_slice %arg19[%add3A_19, %dma_start3A_92] : memref<10000x128xf32, #tpu.memory_space<vmem_shared>> -> memref<128x128xf32, #tpu.memory_space<vmem_shared>>
      %dma_start3A_94 = arith.constant 0 : i32
      %dma_start3A_95 = arith.constant 0 : i32
      %dma_start3A_96 = tpu.memref_slice %arg6[%dma_start3A_94, %dma_start3A_95] : memref<128x128xf32, #tpu.memory_space<vmem>> -> memref<128x128xf32, #tpu.memory_space<vmem>>
      tpu.enqueue_dma source(%dma_start3A_96 : memref<128x128xf32, #tpu.memory_space<vmem>>) target(%dma_start3A_93 : memref<128x128xf32, #tpu.memory_space<vmem_shared>>) target_semaphore(%run_scoped3A : memref<!tpu.dma_semaphore, #tpu.memory_space<semaphore_mem>>)
      %dma_wait3A = arith.constant 0 : i32
      %dma_wait3A_97 = arith.constant 0 : i32
      %dma_wait3A_98 = tpu.memref_slice %arg6[%dma_wait3A, %dma_wait3A_97] : memref<128x128xf32, #tpu.memory_space<vmem>> -> memref<128x128xf32, #tpu.memory_space<vmem>>
      %dma_wait3A_99 = arith.constant 0 : i32
      %dma_wait3A_100 = tpu.memref_slice %arg19[%add3A_19, %dma_wait3A_99] : memref<10000x128xf32, #tpu.memory_space<vmem_shared>> -> memref<128x128xf32, #tpu.memory_space<vmem_shared>>
      %dma_wait3A_101 = arith.constant 0 : i32
      %dma_wait3A_102 = tpu.memref_slice %arg19[%add3A_19, %dma_wait3A_101] : memref<10000x128xf32, #tpu.memory_space<vmem_shared>> -> memref<128x128xf32, #tpu.memory_space<vmem_shared>>
      %dma_wait3A_103 = arith.constant 0 : i32
      %dma_wait3A_104 = arith.constant 0 : i32
      %dma_wait3A_105 = tpu.memref_slice %arg6[%dma_wait3A_103, %dma_wait3A_104] : memref<128x128xf32, #tpu.memory_space<vmem>> -> memref<128x128xf32, #tpu.memory_space<vmem>>
      tpu.wait_dma2 semaphore(%run_scoped3A : memref<!tpu.dma_semaphore, #tpu.memory_space<semaphore_mem>>) src(%dma_wait3A_105 : memref<128x128xf32, #tpu.memory_space<vmem>>) dst(%dma_wait3A_102 : memref<128x128xf32, #tpu.memory_space<vmem_shared>>)
      tpu.yield
    }) : () -> ()
    %mul3A_20 = arith.constant 624 : i32
    %mul3A_21 = arith.muli %arg1, %mul3A_20 : i32
    %add3A_22 = arith.constant 384 : i32
    %add3A_23 = arith.addi %mul3A_21, %add3A_22 : i32
    "tpu.region"() ({
      %run_scoped3A = tpu.sem_alloc : memref<!tpu.dma_semaphore, #tpu.memory_space<semaphore_mem>>
      %dma_start3A_87 = arith.constant 0 : i32
      %dma_start3A_88 = arith.constant 0 : i32
      %dma_start3A_89 = tpu.memref_slice %arg6[%dma_start3A_87, %dma_start3A_88] : memref<128x128xf32, #tpu.memory_space<vmem>> -> memref<128x128xf32, #tpu.memory_space<vmem>>
      %dma_start3A_90 = arith.constant 0 : i32
      %dma_start3A_91 = tpu.memref_slice %arg19[%add3A_23, %dma_start3A_90] : memref<10000x128xf32, #tpu.memory_space<vmem_shared>> -> memref<128x128xf32, #tpu.memory_space<vmem_shared>>
      %dma_start3A_92 = arith.constant 0 : i32
      %dma_start3A_93 = tpu.memref_slice %arg19[%add3A_23, %dma_start3A_92] : memref<10000x128xf32, #tpu.memory_space<vmem_shared>> -> memref<128x128xf32, #tpu.memory_space<vmem_shared>>
      %dma_start3A_94 = arith.constant 0 : i32
      %dma_start3A_95 = arith.constant 0 : i32
      %dma_start3A_96 = tpu.memref_slice %arg6[%dma_start3A_94, %dma_start3A_95] : memref<128x128xf32, #tpu.memory_space<vmem>> -> memref<128x128xf32, #tpu.memory_space<vmem>>
      tpu.enqueue_dma source(%dma_start3A_96 : memref<128x128xf32, #tpu.memory_space<vmem>>) target(%dma_start3A_93 : memref<128x128xf32, #tpu.memory_space<vmem_shared>>) target_semaphore(%run_scoped3A : memref<!tpu.dma_semaphore, #tpu.memory_space<semaphore_mem>>)
      %dma_wait3A = arith.constant 0 : i32
      %dma_wait3A_97 = arith.constant 0 : i32
      %dma_wait3A_98 = tpu.memref_slice %arg6[%dma_wait3A, %dma_wait3A_97] : memref<128x128xf32, #tpu.memory_space<vmem>> -> memref<128x128xf32, #tpu.memory_space<vmem>>
      %dma_wait3A_99 = arith.constant 0 : i32
      %dma_wait3A_100 = tpu.memref_slice %arg19[%add3A_23, %dma_wait3A_99] : memref<10000x128xf32, #tpu.memory_space<vmem_shared>> -> memref<128x128xf32, #tpu.memory_space<vmem_shared>>
      %dma_wait3A_101 = arith.constant 0 : i32
      %dma_wait3A_102 = tpu.memref_slice %arg19[%add3A_23, %dma_wait3A_101] : memref<10000x128xf32, #tpu.memory_space<vmem_shared>> -> memref<128x128xf32, #tpu.memory_space<vmem_shared>>
      %dma_wait3A_103 = arith.constant 0 : i32
      %dma_wait3A_104 = arith.constant 0 : i32
      %dma_wait3A_105 = tpu.memref_slice %arg6[%dma_wait3A_103, %dma_wait3A_104] : memref<128x128xf32, #tpu.memory_space<vmem>> -> memref<128x128xf32, #tpu.memory_space<vmem>>
      tpu.wait_dma2 semaphore(%run_scoped3A : memref<!tpu.dma_semaphore, #tpu.memory_space<semaphore_mem>>) src(%dma_wait3A_105 : memref<128x128xf32, #tpu.memory_space<vmem>>) dst(%dma_wait3A_102 : memref<128x128xf32, #tpu.memory_space<vmem_shared>>)
      tpu.yield
    }) : () -> ()
    %mul3A_24 = arith.constant 624 : i32
    %mul3A_25 = arith.muli %arg1, %mul3A_24 : i32
    %add3A_26 = arith.constant 512 : i32
    %add3A_27 = arith.addi %mul3A_25, %add3A_26 : i32
    "tpu.region"() ({
      %run_scoped3A = tpu.sem_alloc : memref<!tpu.dma_semaphore, #tpu.memory_space<semaphore_mem>>
      %dma_start3A_87 = arith.constant 0 : i32
      %dma_start3A_88 = arith.constant 0 : i32
      %dma_start3A_89 = tpu.memref_slice %arg6[%dma_start3A_87, %dma_start3A_88] : memref<128x128xf32, #tpu.memory_space<vmem>> -> memref<112x128xf32, #tpu.memory_space<vmem>>
      %dma_start3A_90 = arith.constant 0 : i32
      %dma_start3A_91 = tpu.memref_slice %arg19[%add3A_27, %dma_start3A_90] : memref<10000x128xf32, #tpu.memory_space<vmem_shared>> -> memref<112x128xf32, #tpu.memory_space<vmem_shared>>
      %dma_start3A_92 = arith.constant 0 : i32
      %dma_start3A_93 = tpu.memref_slice %arg19[%add3A_27, %dma_start3A_92] : memref<10000x128xf32, #tpu.memory_space<vmem_shared>> -> memref<112x128xf32, #tpu.memory_space<vmem_shared>>
      %dma_start3A_94 = arith.constant 0 : i32
      %dma_start3A_95 = arith.constant 0 : i32
      %dma_start3A_96 = tpu.memref_slice %arg6[%dma_start3A_94, %dma_start3A_95] : memref<128x128xf32, #tpu.memory_space<vmem>> -> memref<112x128xf32, #tpu.memory_space<vmem>>
      tpu.enqueue_dma source(%dma_start3A_96 : memref<112x128xf32, #tpu.memory_space<vmem>>) target(%dma_start3A_93 : memref<112x128xf32, #tpu.memory_space<vmem_shared>>) target_semaphore(%run_scoped3A : memref<!tpu.dma_semaphore, #tpu.memory_space<semaphore_mem>>)
      %dma_wait3A = arith.constant 0 : i32
      %dma_wait3A_97 = arith.constant 0 : i32
      %dma_wait3A_98 = tpu.memref_slice %arg6[%dma_wait3A, %dma_wait3A_97] : memref<128x128xf32, #tpu.memory_space<vmem>> -> memref<112x128xf32, #tpu.memory_space<vmem>>
      %dma_wait3A_99 = arith.constant 0 : i32
      %dma_wait3A_100 = tpu.memref_slice %arg19[%add3A_27, %dma_wait3A_99] : memref<10000x128xf32, #tpu.memory_space<vmem_shared>> -> memref<112x128xf32, #tpu.memory_space<vmem_shared>>
      %dma_wait3A_101 = arith.constant 0 : i32
      %dma_wait3A_102 = tpu.memref_slice %arg19[%add3A_27, %dma_wait3A_101] : memref<10000x128xf32, #tpu.memory_space<vmem_shared>> -> memref<112x128xf32, #tpu.memory_space<vmem_shared>>
      %dma_wait3A_103 = arith.constant 0 : i32
      %dma_wait3A_104 = arith.constant 0 : i32
      %dma_wait3A_105 = tpu.memref_slice %arg6[%dma_wait3A_103, %dma_wait3A_104] : memref<128x128xf32, #tpu.memory_space<vmem>> -> memref<112x128xf32, #tpu.memory_space<vmem>>
      tpu.wait_dma2 semaphore(%run_scoped3A : memref<!tpu.dma_semaphore, #tpu.memory_space<semaphore_mem>>) src(%dma_wait3A_105 : memref<112x128xf32, #tpu.memory_space<vmem>>) dst(%dma_wait3A_102 : memref<112x128xf32, #tpu.memory_space<vmem_shared>>)
      tpu.yield
    }) : () -> ()
    %eq3A = arith.constant 15 : i32
    %eq3A_28 = arith.cmpi eq, %arg1, %eq3A : i32
    %convert_element_type3A = arith.extui %eq3A_28 : i1 to i32
    %cond3A = arith.constant 0 : i32
    %cond3A_29 = arith.cmpi ne, %convert_element_type3A, %cond3A : i32
    scf.if %cond3A_29 {
      "tpu.region"() ({
        %run_scoped3A = tpu.sem_alloc : memref<!tpu.dma_semaphore, #tpu.memory_space<semaphore_mem>>
        %dma_start3A_87 = arith.constant 0 : i32
        %dma_start3A_88 = arith.constant 0 : i32
        %dma_start3A_89 = tpu.memref_slice %arg6[%dma_start3A_87, %dma_start3A_88] : memref<128x128xf32, #tpu.memory_space<vmem>> -> memref<16x128xf32, #tpu.memory_space<vmem>>
        %dma_start3A_90 = arith.constant 9984 : i32
        %dma_start3A_91 = arith.constant 0 : i32
        %dma_start3A_92 = tpu.memref_slice %arg19[%dma_start3A_90, %dma_start3A_91] : memref<10000x128xf32, #tpu.memory_space<vmem_shared>> -> memref<16x128xf32, #tpu.memory_space<vmem_shared>>
        %dma_start3A_93 = arith.constant 9984 : i32
        %dma_start3A_94 = arith.constant 0 : i32
        %dma_start3A_95 = tpu.memref_slice %arg19[%dma_start3A_93, %dma_start3A_94] : memref<10000x128xf32, #tpu.memory_space<vmem_shared>> -> memref<16x128xf32, #tpu.memory_space<vmem_shared>>
        %dma_start3A_96 = arith.constant 0 : i32
        %dma_start3A_97 = arith.constant 0 : i32
        %dma_start3A_98 = tpu.memref_slice %arg6[%dma_start3A_96, %dma_start3A_97] : memref<128x128xf32, #tpu.memory_space<vmem>> -> memref<16x128xf32, #tpu.memory_space<vmem>>
        tpu.enqueue_dma source(%dma_start3A_98 : memref<16x128xf32, #tpu.memory_space<vmem>>) target(%dma_start3A_95 : memref<16x128xf32, #tpu.memory_space<vmem_shared>>) target_semaphore(%run_scoped3A : memref<!tpu.dma_semaphore, #tpu.memory_space<semaphore_mem>>)
        %dma_wait3A = arith.constant 0 : i32
        %dma_wait3A_99 = arith.constant 0 : i32
        %dma_wait3A_100 = tpu.memref_slice %arg6[%dma_wait3A, %dma_wait3A_99] : memref<128x128xf32, #tpu.memory_space<vmem>> -> memref<16x128xf32, #tpu.memory_space<vmem>>
        %dma_wait3A_101 = arith.constant 9984 : i32
        %dma_wait3A_102 = arith.constant 0 : i32
        %dma_wait3A_103 = tpu.memref_slice %arg19[%dma_wait3A_101, %dma_wait3A_102] : memref<10000x128xf32, #tpu.memory_space<vmem_shared>> -> memref<16x128xf32, #tpu.memory_space<vmem_shared>>
        %dma_wait3A_104 = arith.constant 9984 : i32
        %dma_wait3A_105 = arith.constant 0 : i32
        %dma_wait3A_106 = tpu.memref_slice %arg19[%dma_wait3A_104, %dma_wait3A_105] : memref<10000x128xf32, #tpu.memory_space<vmem_shared>> -> memref<16x128xf32, #tpu.memory_space<vmem_shared>>
        %dma_wait3A_107 = arith.constant 0 : i32
        %dma_wait3A_108 = arith.constant 0 : i32
        %dma_wait3A_109 = tpu.memref_slice %arg6[%dma_wait3A_107, %dma_wait3A_108] : memref<128x128xf32, #tpu.memory_space<vmem>> -> memref<16x128xf32, #tpu.memory_space<vmem>>
        tpu.wait_dma2 semaphore(%run_scoped3A : memref<!tpu.dma_semaphore, #tpu.memory_space<semaphore_mem>>) src(%dma_wait3A_109 : memref<16x128xf32, #tpu.memory_space<vmem>>) dst(%dma_wait3A_106 : memref<16x128xf32, #tpu.memory_space<vmem_shared>>)
        tpu.yield
      }) : () -> ()
    } else {
    }
    %barrier3A = arith.constant 0 : index
    tpu.barrier barrier_id(%barrier3A)
    %add3A_30 = arith.constant 0 : i32
    %add3A_31 = arith.addi %mul3A_2, %add3A_30 : i32
    %dma_start3A = tpu.memref_slice %arg2[%add3A_31] : memref<160000xi32, #tpu.memory_space<hbm>> -> memref<128xi32, #tpu.memory_space<hbm>>
    %dma_start3A_32 = tpu.memref_slice %arg2[%add3A_31] : memref<160000xi32, #tpu.memory_space<hbm>> -> memref<128xi32, #tpu.memory_space<hbm>>
    tpu.enqueue_dma source(%dma_start3A_32 : memref<128xi32, #tpu.memory_space<hbm>>) target(%arg5 : memref<128xi32, #tpu.memory_space<vmem>>) target_semaphore(%arg13 : memref<!tpu.dma_semaphore, #tpu.memory_space<semaphore_mem>>)
    %dma_start3A_33 = arith.constant 0 : i32
    %dma_start3A_34 = tpu.memref_slice %arg3[%add3A_31, %dma_start3A_33] : memref<163840x128xf32, #tpu.memory_space<hbm>> -> memref<128x128xf32, #tpu.memory_space<hbm>>
    %dma_start3A_35 = arith.constant 0 : i32
    %dma_start3A_36 = tpu.memref_slice %arg3[%add3A_31, %dma_start3A_35] : memref<163840x128xf32, #tpu.memory_space<hbm>> -> memref<128x128xf32, #tpu.memory_space<hbm>>
    tpu.enqueue_dma source(%dma_start3A_36 : memref<128x128xf32, #tpu.memory_space<hbm>>) target(%arg6 : memref<128x128xf32, #tpu.memory_space<vmem>>) target_semaphore(%arg14 : memref<!tpu.dma_semaphore, #tpu.memory_space<semaphore_mem>>)
    %add3A_37 = arith.constant 128 : i32
    %add3A_38 = arith.addi %mul3A_2, %add3A_37 : i32
    %dma_start3A_39 = tpu.memref_slice %arg2[%add3A_38] : memref<160000xi32, #tpu.memory_space<hbm>> -> memref<128xi32, #tpu.memory_space<hbm>>
    %dma_start3A_40 = tpu.memref_slice %arg2[%add3A_38] : memref<160000xi32, #tpu.memory_space<hbm>> -> memref<128xi32, #tpu.memory_space<hbm>>
    tpu.enqueue_dma source(%dma_start3A_40 : memref<128xi32, #tpu.memory_space<hbm>>) target(%arg7 : memref<128xi32, #tpu.memory_space<vmem>>) target_semaphore(%arg15 : memref<!tpu.dma_semaphore, #tpu.memory_space<semaphore_mem>>)
    %dma_start3A_41 = arith.constant 0 : i32
    %dma_start3A_42 = tpu.memref_slice %arg3[%add3A_38, %dma_start3A_41] : memref<163840x128xf32, #tpu.memory_space<hbm>> -> memref<128x128xf32, #tpu.memory_space<hbm>>
    %dma_start3A_43 = arith.constant 0 : i32
    %dma_start3A_44 = tpu.memref_slice %arg3[%add3A_38, %dma_start3A_43] : memref<163840x128xf32, #tpu.memory_space<hbm>> -> memref<128x128xf32, #tpu.memory_space<hbm>>
    tpu.enqueue_dma source(%dma_start3A_44 : memref<128x128xf32, #tpu.memory_space<hbm>>) target(%arg8 : memref<128x128xf32, #tpu.memory_space<vmem>>) target_semaphore(%arg16 : memref<!tpu.dma_semaphore, #tpu.memory_space<semaphore_mem>>)
    %add3A_45 = arith.constant 256 : i32
    %add3A_46 = arith.addi %mul3A_2, %add3A_45 : i32
    %dma_start3A_47 = tpu.memref_slice %arg2[%add3A_46] : memref<160000xi32, #tpu.memory_space<hbm>> -> memref<128xi32, #tpu.memory_space<hbm>>
    %dma_start3A_48 = tpu.memref_slice %arg2[%add3A_46] : memref<160000xi32, #tpu.memory_space<hbm>> -> memref<128xi32, #tpu.memory_space<hbm>>
    tpu.enqueue_dma source(%dma_start3A_48 : memref<128xi32, #tpu.memory_space<hbm>>) target(%arg9 : memref<128xi32, #tpu.memory_space<vmem>>) target_semaphore(%arg17 : memref<!tpu.dma_semaphore, #tpu.memory_space<semaphore_mem>>)
    %dma_start3A_49 = arith.constant 0 : i32
    %dma_start3A_50 = tpu.memref_slice %arg3[%add3A_46, %dma_start3A_49] : memref<163840x128xf32, #tpu.memory_space<hbm>> -> memref<128x128xf32, #tpu.memory_space<hbm>>
    %dma_start3A_51 = arith.constant 0 : i32
    %dma_start3A_52 = tpu.memref_slice %arg3[%add3A_46, %dma_start3A_51] : memref<163840x128xf32, #tpu.memory_space<hbm>> -> memref<128x128xf32, #tpu.memory_space<hbm>>
    tpu.enqueue_dma source(%dma_start3A_52 : memref<128x128xf32, #tpu.memory_space<hbm>>) target(%arg10 : memref<128x128xf32, #tpu.memory_space<vmem>>) target_semaphore(%arg18 : memref<!tpu.dma_semaphore, #tpu.memory_space<semaphore_mem>>)
    %scan3A_53 = arith.constant 0 : i32
    %scan3A_54 = arith.constant 0 : i32
    %scan3A_55 = arith.constant 13 : i32
    %scan3A_56 = arith.addi %scan3A_54, %scan3A_55 : i32
    %scan3A_57 = arith.constant 1 : i32
    scf.for %scan3A_87 = %scan3A_54 to %scan3A_56 step %scan3A_57  : i32 {
      %mul3A_88 = arith.constant 3 : i32
      %mul3A_89 = arith.muli %scan3A_87, %mul3A_88 : i32
      %add3A_90 = arith.constant 0 : i32
      %add3A_91 = arith.addi %mul3A_89, %add3A_90 : i32
      %dma_wait3A = tpu.memref_slice %arg2[%mul3A_2] : memref<160000xi32, #tpu.memory_space<hbm>> -> memref<128xi32, #tpu.memory_space<hbm>>
      %dma_wait3A_92 = tpu.memref_slice %arg2[%mul3A_2] : memref<160000xi32, #tpu.memory_space<hbm>> -> memref<128xi32, #tpu.memory_space<hbm>>
      tpu.wait_dma2 semaphore(%arg13 : memref<!tpu.dma_semaphore, #tpu.memory_space<semaphore_mem>>) src(%dma_wait3A_92 : memref<128xi32, #tpu.memory_space<hbm>>) dst(%arg5 : memref<128xi32, #tpu.memory_space<vmem>>)
      %dma_wait3A_93 = arith.constant 0 : i32
      %dma_wait3A_94 = tpu.memref_slice %arg3[%mul3A_2, %dma_wait3A_93] : memref<163840x128xf32, #tpu.memory_space<hbm>> -> memref<128x128xf32, #tpu.memory_space<hbm>>
      %dma_wait3A_95 = arith.constant 0 : i32
      %dma_wait3A_96 = tpu.memref_slice %arg3[%mul3A_2, %dma_wait3A_95] : memref<163840x128xf32, #tpu.memory_space<hbm>> -> memref<128x128xf32, #tpu.memory_space<hbm>>
      tpu.wait_dma2 semaphore(%arg14 : memref<!tpu.dma_semaphore, #tpu.memory_space<semaphore_mem>>) src(%dma_wait3A_96 : memref<128x128xf32, #tpu.memory_space<hbm>>) dst(%arg6 : memref<128x128xf32, #tpu.memory_space<vmem>>)
      "tpu.region"() ({
        %run_scoped3A = tpu.sem_alloc : memref<!tpu.dma_semaphore, #tpu.memory_space<semaphore_mem>>
        %dma_start3A_137 = arith.constant 0 : i32
        %dma_start3A_138 = arith.constant 0 : i32
        %dma_start3A_139 = tpu.memref_slice %arg19[%dma_start3A_137, %dma_start3A_138] : memref<10000x128xf32, #tpu.memory_space<vmem_shared>> -> memref<10000x128xf32, #tpu.memory_space<vmem_shared>>
        tpu.enqueue_indirect_dma source(%arg6 : memref<128x128xf32, #tpu.memory_space<vmem>>) target(%dma_start3A_139 : memref<10000x128xf32, #tpu.memory_space<vmem_shared>>) offsets(%arg5 : memref<128xi32, #tpu.memory_space<vmem>>) semaphore(%run_scoped3A : memref<!tpu.dma_semaphore, #tpu.memory_space<semaphore_mem>>) {add = true}
        %dma_wait3A_140 = arith.constant 0 : i32
        %dma_wait3A_141 = arith.constant 0 : i32
        %dma_wait3A_142 = tpu.memref_slice %arg19[%dma_wait3A_140, %dma_wait3A_141] : memref<10000x128xf32, #tpu.memory_space<vmem_shared>> -> memref<10000x128xf32, #tpu.memory_space<vmem_shared>>
        tpu.wait_indirect_dma semaphore(%run_scoped3A : memref<!tpu.dma_semaphore, #tpu.memory_space<semaphore_mem>>) src(%arg6 : memref<128x128xf32, #tpu.memory_space<vmem>>) dst(%dma_wait3A_142 : memref<10000x128xf32, #tpu.memory_space<vmem_shared>>)
        tpu.yield
      }) : () -> ()
      %add3A_97 = arith.constant 3 : i32
      %add3A_98 = arith.addi %add3A_91, %add3A_97 : i32
      %lt3A = arith.constant 39 : i32
      %lt3A_99 = arith.cmpi slt, %add3A_98, %lt3A : i32
      %convert_element_type3A_100 = arith.extui %lt3A_99 : i1 to i32
      %cond3A_101 = arith.constant 0 : i32
      %cond3A_102 = arith.cmpi ne, %convert_element_type3A_100, %cond3A_101 : i32
      scf.if %cond3A_102 {
        %add3A_137 = arith.constant 3 : i32
        %add3A_138 = arith.addi %add3A_91, %add3A_137 : i32
        %mul3A_139 = arith.constant 128 : i32
        %mul3A_140 = arith.muli %add3A_138, %mul3A_139 : i32
        %add3A_141 = arith.addi %mul3A_2, %mul3A_140 : i32
        %dma_start3A_142 = tpu.memref_slice %arg2[%add3A_141] : memref<160000xi32, #tpu.memory_space<hbm>> -> memref<128xi32, #tpu.memory_space<hbm>>
        %dma_start3A_143 = tpu.memref_slice %arg2[%add3A_141] : memref<160000xi32, #tpu.memory_space<hbm>> -> memref<128xi32, #tpu.memory_space<hbm>>
        tpu.enqueue_dma source(%dma_start3A_143 : memref<128xi32, #tpu.memory_space<hbm>>) target(%arg5 : memref<128xi32, #tpu.memory_space<vmem>>) target_semaphore(%arg13 : memref<!tpu.dma_semaphore, #tpu.memory_space<semaphore_mem>>)
        %dma_start3A_144 = arith.constant 0 : i32
        %dma_start3A_145 = tpu.memref_slice %arg3[%add3A_141, %dma_start3A_144] : memref<163840x128xf32, #tpu.memory_space<hbm>> -> memref<128x128xf32, #tpu.memory_space<hbm>>
        %dma_start3A_146 = arith.constant 0 : i32
        %dma_start3A_147 = tpu.memref_slice %arg3[%add3A_141, %dma_start3A_146] : memref<163840x128xf32, #tpu.memory_space<hbm>> -> memref<128x128xf32, #tpu.memory_space<hbm>>
        tpu.enqueue_dma source(%dma_start3A_147 : memref<128x128xf32, #tpu.memory_space<hbm>>) target(%arg6 : memref<128x128xf32, #tpu.memory_space<vmem>>) target_semaphore(%arg14 : memref<!tpu.dma_semaphore, #tpu.memory_space<semaphore_mem>>)
      } else {
      }
      %mul3A_103 = arith.constant 3 : i32
      %mul3A_104 = arith.muli %scan3A_87, %mul3A_103 : i32
      %add3A_105 = arith.constant 1 : i32
      %add3A_106 = arith.addi %mul3A_104, %add3A_105 : i32
      %dma_wait3A_107 = tpu.memref_slice %arg2[%mul3A_2] : memref<160000xi32, #tpu.memory_space<hbm>> -> memref<128xi32, #tpu.memory_space<hbm>>
      %dma_wait3A_108 = tpu.memref_slice %arg2[%mul3A_2] : memref<160000xi32, #tpu.memory_space<hbm>> -> memref<128xi32, #tpu.memory_space<hbm>>
      tpu.wait_dma2 semaphore(%arg15 : memref<!tpu.dma_semaphore, #tpu.memory_space<semaphore_mem>>) src(%dma_wait3A_108 : memref<128xi32, #tpu.memory_space<hbm>>) dst(%arg7 : memref<128xi32, #tpu.memory_space<vmem>>)
      %dma_wait3A_109 = arith.constant 0 : i32
      %dma_wait3A_110 = tpu.memref_slice %arg3[%mul3A_2, %dma_wait3A_109] : memref<163840x128xf32, #tpu.memory_space<hbm>> -> memref<128x128xf32, #tpu.memory_space<hbm>>
      %dma_wait3A_111 = arith.constant 0 : i32
      %dma_wait3A_112 = tpu.memref_slice %arg3[%mul3A_2, %dma_wait3A_111] : memref<163840x128xf32, #tpu.memory_space<hbm>> -> memref<128x128xf32, #tpu.memory_space<hbm>>
      tpu.wait_dma2 semaphore(%arg16 : memref<!tpu.dma_semaphore, #tpu.memory_space<semaphore_mem>>) src(%dma_wait3A_112 : memref<128x128xf32, #tpu.memory_space<hbm>>) dst(%arg8 : memref<128x128xf32, #tpu.memory_space<vmem>>)
      "tpu.region"() ({
        %run_scoped3A = tpu.sem_alloc : memref<!tpu.dma_semaphore, #tpu.memory_space<semaphore_mem>>
        %dma_start3A_137 = arith.constant 0 : i32
        %dma_start3A_138 = arith.constant 0 : i32
        %dma_start3A_139 = tpu.memref_slice %arg19[%dma_start3A_137, %dma_start3A_138] : memref<10000x128xf32, #tpu.memory_space<vmem_shared>> -> memref<10000x128xf32, #tpu.memory_space<vmem_shared>>
        tpu.enqueue_indirect_dma source(%arg8 : memref<128x128xf32, #tpu.memory_space<vmem>>) target(%dma_start3A_139 : memref<10000x128xf32, #tpu.memory_space<vmem_shared>>) offsets(%arg7 : memref<128xi32, #tpu.memory_space<vmem>>) semaphore(%run_scoped3A : memref<!tpu.dma_semaphore, #tpu.memory_space<semaphore_mem>>) {add = true}
        %dma_wait3A_140 = arith.constant 0 : i32
        %dma_wait3A_141 = arith.constant 0 : i32
        %dma_wait3A_142 = tpu.memref_slice %arg19[%dma_wait3A_140, %dma_wait3A_141] : memref<10000x128xf32, #tpu.memory_space<vmem_shared>> -> memref<10000x128xf32, #tpu.memory_space<vmem_shared>>
        tpu.wait_indirect_dma semaphore(%run_scoped3A : memref<!tpu.dma_semaphore, #tpu.memory_space<semaphore_mem>>) src(%arg8 : memref<128x128xf32, #tpu.memory_space<vmem>>) dst(%dma_wait3A_142 : memref<10000x128xf32, #tpu.memory_space<vmem_shared>>)
        tpu.yield
      }) : () -> ()
      %add3A_113 = arith.constant 3 : i32
      %add3A_114 = arith.addi %add3A_106, %add3A_113 : i32
      %lt3A_115 = arith.constant 39 : i32
      %lt3A_116 = arith.cmpi slt, %add3A_114, %lt3A_115 : i32
      %convert_element_type3A_117 = arith.extui %lt3A_116 : i1 to i32
      %cond3A_118 = arith.constant 0 : i32
      %cond3A_119 = arith.cmpi ne, %convert_element_type3A_117, %cond3A_118 : i32
      scf.if %cond3A_119 {
        %add3A_137 = arith.constant 3 : i32
        %add3A_138 = arith.addi %add3A_106, %add3A_137 : i32
        %mul3A_139 = arith.constant 128 : i32
        %mul3A_140 = arith.muli %add3A_138, %mul3A_139 : i32
        %add3A_141 = arith.addi %mul3A_2, %mul3A_140 : i32
        %dma_start3A_142 = tpu.memref_slice %arg2[%add3A_141] : memref<160000xi32, #tpu.memory_space<hbm>> -> memref<128xi32, #tpu.memory_space<hbm>>
        %dma_start3A_143 = tpu.memref_slice %arg2[%add3A_141] : memref<160000xi32, #tpu.memory_space<hbm>> -> memref<128xi32, #tpu.memory_space<hbm>>
        tpu.enqueue_dma source(%dma_start3A_143 : memref<128xi32, #tpu.memory_space<hbm>>) target(%arg7 : memref<128xi32, #tpu.memory_space<vmem>>) target_semaphore(%arg15 : memref<!tpu.dma_semaphore, #tpu.memory_space<semaphore_mem>>)
        %dma_start3A_144 = arith.constant 0 : i32
        %dma_start3A_145 = tpu.memref_slice %arg3[%add3A_141, %dma_start3A_144] : memref<163840x128xf32, #tpu.memory_space<hbm>> -> memref<128x128xf32, #tpu.memory_space<hbm>>
        %dma_start3A_146 = arith.constant 0 : i32
        %dma_start3A_147 = tpu.memref_slice %arg3[%add3A_141, %dma_start3A_146] : memref<163840x128xf32, #tpu.memory_space<hbm>> -> memref<128x128xf32, #tpu.memory_space<hbm>>
        tpu.enqueue_dma source(%dma_start3A_147 : memref<128x128xf32, #tpu.memory_space<hbm>>) target(%arg8 : memref<128x128xf32, #tpu.memory_space<vmem>>) target_semaphore(%arg16 : memref<!tpu.dma_semaphore, #tpu.memory_space<semaphore_mem>>)
      } else {
      }
      %mul3A_120 = arith.constant 3 : i32
      %mul3A_121 = arith.muli %scan3A_87, %mul3A_120 : i32
      %add3A_122 = arith.constant 2 : i32
      %add3A_123 = arith.addi %mul3A_121, %add3A_122 : i32
      %dma_wait3A_124 = tpu.memref_slice %arg2[%mul3A_2] : memref<160000xi32, #tpu.memory_space<hbm>> -> memref<128xi32, #tpu.memory_space<hbm>>
      %dma_wait3A_125 = tpu.memref_slice %arg2[%mul3A_2] : memref<160000xi32, #tpu.memory_space<hbm>> -> memref<128xi32, #tpu.memory_space<hbm>>
      tpu.wait_dma2 semaphore(%arg17 : memref<!tpu.dma_semaphore, #tpu.memory_space<semaphore_mem>>) src(%dma_wait3A_125 : memref<128xi32, #tpu.memory_space<hbm>>) dst(%arg9 : memref<128xi32, #tpu.memory_space<vmem>>)
      %dma_wait3A_126 = arith.constant 0 : i32
      %dma_wait3A_127 = tpu.memref_slice %arg3[%mul3A_2, %dma_wait3A_126] : memref<163840x128xf32, #tpu.memory_space<hbm>> -> memref<128x128xf32, #tpu.memory_space<hbm>>
      %dma_wait3A_128 = arith.constant 0 : i32
      %dma_wait3A_129 = tpu.memref_slice %arg3[%mul3A_2, %dma_wait3A_128] : memref<163840x128xf32, #tpu.memory_space<hbm>> -> memref<128x128xf32, #tpu.memory_space<hbm>>
      tpu.wait_dma2 semaphore(%arg18 : memref<!tpu.dma_semaphore, #tpu.memory_space<semaphore_mem>>) src(%dma_wait3A_129 : memref<128x128xf32, #tpu.memory_space<hbm>>) dst(%arg10 : memref<128x128xf32, #tpu.memory_space<vmem>>)
      "tpu.region"() ({
        %run_scoped3A = tpu.sem_alloc : memref<!tpu.dma_semaphore, #tpu.memory_space<semaphore_mem>>
        %dma_start3A_137 = arith.constant 0 : i32
        %dma_start3A_138 = arith.constant 0 : i32
        %dma_start3A_139 = tpu.memref_slice %arg19[%dma_start3A_137, %dma_start3A_138] : memref<10000x128xf32, #tpu.memory_space<vmem_shared>> -> memref<10000x128xf32, #tpu.memory_space<vmem_shared>>
        tpu.enqueue_indirect_dma source(%arg10 : memref<128x128xf32, #tpu.memory_space<vmem>>) target(%dma_start3A_139 : memref<10000x128xf32, #tpu.memory_space<vmem_shared>>) offsets(%arg9 : memref<128xi32, #tpu.memory_space<vmem>>) semaphore(%run_scoped3A : memref<!tpu.dma_semaphore, #tpu.memory_space<semaphore_mem>>) {add = true}
        %dma_wait3A_140 = arith.constant 0 : i32
        %dma_wait3A_141 = arith.constant 0 : i32
        %dma_wait3A_142 = tpu.memref_slice %arg19[%dma_wait3A_140, %dma_wait3A_141] : memref<10000x128xf32, #tpu.memory_space<vmem_shared>> -> memref<10000x128xf32, #tpu.memory_space<vmem_shared>>
        tpu.wait_indirect_dma semaphore(%run_scoped3A : memref<!tpu.dma_semaphore, #tpu.memory_space<semaphore_mem>>) src(%arg10 : memref<128x128xf32, #tpu.memory_space<vmem>>) dst(%dma_wait3A_142 : memref<10000x128xf32, #tpu.memory_space<vmem_shared>>)
        tpu.yield
      }) : () -> ()
      %add3A_130 = arith.constant 3 : i32
      %add3A_131 = arith.addi %add3A_123, %add3A_130 : i32
      %lt3A_132 = arith.constant 39 : i32
      %lt3A_133 = arith.cmpi slt, %add3A_131, %lt3A_132 : i32
      %convert_element_type3A_134 = arith.extui %lt3A_133 : i1 to i32
      %cond3A_135 = arith.constant 0 : i32
      %cond3A_136 = arith.cmpi ne, %convert_element_type3A_134, %cond3A_135 : i32
      scf.if %cond3A_136 {
        %add3A_137 = arith.constant 3 : i32
        %add3A_138 = arith.addi %add3A_123, %add3A_137 : i32
        %mul3A_139 = arith.constant 128 : i32
        %mul3A_140 = arith.muli %add3A_138, %mul3A_139 : i32
        %add3A_141 = arith.addi %mul3A_2, %mul3A_140 : i32
        %dma_start3A_142 = tpu.memref_slice %arg2[%add3A_141] : memref<160000xi32, #tpu.memory_space<hbm>> -> memref<128xi32, #tpu.memory_space<hbm>>
        %dma_start3A_143 = tpu.memref_slice %arg2[%add3A_141] : memref<160000xi32, #tpu.memory_space<hbm>> -> memref<128xi32, #tpu.memory_space<hbm>>
        tpu.enqueue_dma source(%dma_start3A_143 : memref<128xi32, #tpu.memory_space<hbm>>) target(%arg9 : memref<128xi32, #tpu.memory_space<vmem>>) target_semaphore(%arg17 : memref<!tpu.dma_semaphore, #tpu.memory_space<semaphore_mem>>)
        %dma_start3A_144 = arith.constant 0 : i32
        %dma_start3A_145 = tpu.memref_slice %arg3[%add3A_141, %dma_start3A_144] : memref<163840x128xf32, #tpu.memory_space<hbm>> -> memref<128x128xf32, #tpu.memory_space<hbm>>
        %dma_start3A_146 = arith.constant 0 : i32
        %dma_start3A_147 = tpu.memref_slice %arg3[%add3A_141, %dma_start3A_146] : memref<163840x128xf32, #tpu.memory_space<hbm>> -> memref<128x128xf32, #tpu.memory_space<hbm>>
        tpu.enqueue_dma source(%dma_start3A_147 : memref<128x128xf32, #tpu.memory_space<hbm>>) target(%arg10 : memref<128x128xf32, #tpu.memory_space<vmem>>) target_semaphore(%arg18 : memref<!tpu.dma_semaphore, #tpu.memory_space<semaphore_mem>>)
      } else {
      }
    }
    %scan3A_58 = arith.constant 13 : i32
    %add3A_59 = arith.constant 4992 : i32
    %add3A_60 = arith.addi %mul3A_2, %add3A_59 : i32
    "tpu.region"() ({
      %run_scoped3A = tpu.sem_alloc : memref<!tpu.dma_semaphore, #tpu.memory_space<semaphore_mem>>
      %dma_start3A_87 = tpu.memref_slice %arg2[%add3A_60] : memref<160000xi32, #tpu.memory_space<hbm>> -> memref<8xi32, #tpu.memory_space<hbm>>
      %dma_start3A_88 = tpu.memref_slice %arg2[%add3A_60] : memref<160000xi32, #tpu.memory_space<hbm>> -> memref<8xi32, #tpu.memory_space<hbm>>
      tpu.enqueue_dma source(%dma_start3A_88 : memref<8xi32, #tpu.memory_space<hbm>>) target(%arg11 : memref<8xi32, #tpu.memory_space<vmem>>) target_semaphore(%run_scoped3A : memref<!tpu.dma_semaphore, #tpu.memory_space<semaphore_mem>>)
      %dma_wait3A = tpu.memref_slice %arg2[%add3A_60] : memref<160000xi32, #tpu.memory_space<hbm>> -> memref<8xi32, #tpu.memory_space<hbm>>
      %dma_wait3A_89 = tpu.memref_slice %arg2[%add3A_60] : memref<160000xi32, #tpu.memory_space<hbm>> -> memref<8xi32, #tpu.memory_space<hbm>>
      tpu.wait_dma2 semaphore(%run_scoped3A : memref<!tpu.dma_semaphore, #tpu.memory_space<semaphore_mem>>) src(%dma_wait3A_89 : memref<8xi32, #tpu.memory_space<hbm>>) dst(%arg11 : memref<8xi32, #tpu.memory_space<vmem>>)
      tpu.yield
    }) : () -> ()
    "tpu.region"() ({
      %run_scoped3A = tpu.sem_alloc : memref<!tpu.dma_semaphore, #tpu.memory_space<semaphore_mem>>
      %dma_start3A_87 = arith.constant 0 : i32
      %dma_start3A_88 = tpu.memref_slice %arg3[%add3A_60, %dma_start3A_87] : memref<163840x128xf32, #tpu.memory_space<hbm>> -> memref<8x128xf32, #tpu.memory_space<hbm>>
      %dma_start3A_89 = arith.constant 0 : i32
      %dma_start3A_90 = tpu.memref_slice %arg3[%add3A_60, %dma_start3A_89] : memref<163840x128xf32, #tpu.memory_space<hbm>> -> memref<8x128xf32, #tpu.memory_space<hbm>>
      tpu.enqueue_dma source(%dma_start3A_90 : memref<8x128xf32, #tpu.memory_space<hbm>>) target(%arg12 : memref<8x128xf32, #tpu.memory_space<vmem>>) target_semaphore(%run_scoped3A : memref<!tpu.dma_semaphore, #tpu.memory_space<semaphore_mem>>)
      %dma_wait3A = arith.constant 0 : i32
      %dma_wait3A_91 = tpu.memref_slice %arg3[%add3A_60, %dma_wait3A] : memref<163840x128xf32, #tpu.memory_space<hbm>> -> memref<8x128xf32, #tpu.memory_space<hbm>>
      %dma_wait3A_92 = arith.constant 0 : i32
      %dma_wait3A_93 = tpu.memref_slice %arg3[%add3A_60, %dma_wait3A_92] : memref<163840x128xf32, #tpu.memory_space<hbm>> -> memref<8x128xf32, #tpu.memory_space<hbm>>
      tpu.wait_dma2 semaphore(%run_scoped3A : memref<!tpu.dma_semaphore, #tpu.memory_space<semaphore_mem>>) src(%dma_wait3A_93 : memref<8x128xf32, #tpu.memory_space<hbm>>) dst(%arg12 : memref<8x128xf32, #tpu.memory_space<vmem>>)
      tpu.yield
    }) : () -> ()
    "tpu.region"() ({
      %run_scoped3A = tpu.sem_alloc : memref<!tpu.dma_semaphore, #tpu.memory_space<semaphore_mem>>
      %dma_start3A_87 = arith.constant 0 : i32
      %dma_start3A_88 = arith.constant 0 : i32
      %dma_start3A_89 = tpu.memref_slice %arg19[%dma_start3A_87, %dma_start3A_88] : memref<10000x128xf32, #tpu.memory_space<vmem_shared>> -> memref<10000x128xf32, #tpu.memory_space<vmem_shared>>
      tpu.enqueue_indirect_dma source(%arg12 : memref<8x128xf32, #tpu.memory_space<vmem>>) target(%dma_start3A_89 : memref<10000x128xf32, #tpu.memory_space<vmem_shared>>) offsets(%arg11 : memref<8xi32, #tpu.memory_space<vmem>>) semaphore(%run_scoped3A : memref<!tpu.dma_semaphore, #tpu.memory_space<semaphore_mem>>) {add = true}
      %dma_wait3A = arith.constant 0 : i32
      %dma_wait3A_90 = arith.constant 0 : i32
      %dma_wait3A_91 = tpu.memref_slice %arg19[%dma_wait3A, %dma_wait3A_90] : memref<10000x128xf32, #tpu.memory_space<vmem_shared>> -> memref<10000x128xf32, #tpu.memory_space<vmem_shared>>
      tpu.wait_indirect_dma semaphore(%run_scoped3A : memref<!tpu.dma_semaphore, #tpu.memory_space<semaphore_mem>>) src(%arg12 : memref<8x128xf32, #tpu.memory_space<vmem>>) dst(%dma_wait3A_91 : memref<10000x128xf32, #tpu.memory_space<vmem_shared>>)
      tpu.yield
    }) : () -> ()
    %barrier3A_61 = arith.constant 0 : index
    tpu.barrier barrier_id(%barrier3A_61)
    %mul3A_62 = arith.constant 624 : i32
    %mul3A_63 = arith.muli %arg1, %mul3A_62 : i32
    %add3A_64 = arith.constant 0 : i32
    %add3A_65 = arith.addi %mul3A_63, %add3A_64 : i32
    "tpu.region"() ({
      %run_scoped3A = tpu.sem_alloc : memref<!tpu.dma_semaphore, #tpu.memory_space<semaphore_mem>>
      %dma_start3A_87 = arith.constant 0 : i32
      %dma_start3A_88 = arith.constant 0 : i32
      %dma_start3A_89 = tpu.memref_slice %arg6[%dma_start3A_87, %dma_start3A_88] : memref<128x128xf32, #tpu.memory_space<vmem>> -> memref<128x128xf32, #tpu.memory_space<vmem>>
      %dma_start3A_90 = arith.constant 0 : i32
      %dma_start3A_91 = tpu.memref_slice %arg19[%add3A_65, %dma_start3A_90] : memref<10000x128xf32, #tpu.memory_space<vmem_shared>> -> memref<128x128xf32, #tpu.memory_space<vmem_shared>>
      %dma_start3A_92 = arith.constant 0 : i32
      %dma_start3A_93 = arith.constant 0 : i32
      %dma_start3A_94 = tpu.memref_slice %arg6[%dma_start3A_92, %dma_start3A_93] : memref<128x128xf32, #tpu.memory_space<vmem>> -> memref<128x128xf32, #tpu.memory_space<vmem>>
      %dma_start3A_95 = arith.constant 0 : i32
      %dma_start3A_96 = tpu.memref_slice %arg19[%add3A_65, %dma_start3A_95] : memref<10000x128xf32, #tpu.memory_space<vmem_shared>> -> memref<128x128xf32, #tpu.memory_space<vmem_shared>>
      tpu.enqueue_dma source(%dma_start3A_96 : memref<128x128xf32, #tpu.memory_space<vmem_shared>>) target(%dma_start3A_94 : memref<128x128xf32, #tpu.memory_space<vmem>>) target_semaphore(%run_scoped3A : memref<!tpu.dma_semaphore, #tpu.memory_space<semaphore_mem>>)
      %dma_wait3A = arith.constant 0 : i32
      %dma_wait3A_97 = arith.constant 0 : i32
      %dma_wait3A_98 = tpu.memref_slice %arg6[%dma_wait3A, %dma_wait3A_97] : memref<128x128xf32, #tpu.memory_space<vmem>> -> memref<128x128xf32, #tpu.memory_space<vmem>>
      %dma_wait3A_99 = arith.constant 0 : i32
      %dma_wait3A_100 = tpu.memref_slice %arg19[%add3A_65, %dma_wait3A_99] : memref<10000x128xf32, #tpu.memory_space<vmem_shared>> -> memref<128x128xf32, #tpu.memory_space<vmem_shared>>
      %dma_wait3A_101 = arith.constant 0 : i32
      %dma_wait3A_102 = arith.constant 0 : i32
      %dma_wait3A_103 = tpu.memref_slice %arg6[%dma_wait3A_101, %dma_wait3A_102] : memref<128x128xf32, #tpu.memory_space<vmem>> -> memref<128x128xf32, #tpu.memory_space<vmem>>
      %dma_wait3A_104 = arith.constant 0 : i32
      %dma_wait3A_105 = tpu.memref_slice %arg19[%add3A_65, %dma_wait3A_104] : memref<10000x128xf32, #tpu.memory_space<vmem_shared>> -> memref<128x128xf32, #tpu.memory_space<vmem_shared>>
      tpu.wait_dma2 semaphore(%run_scoped3A : memref<!tpu.dma_semaphore, #tpu.memory_space<semaphore_mem>>) src(%dma_wait3A_105 : memref<128x128xf32, #tpu.memory_space<vmem_shared>>) dst(%dma_wait3A_103 : memref<128x128xf32, #tpu.memory_space<vmem>>)
      tpu.yield
    }) : () -> ()
    "tpu.region"() ({
      %run_scoped3A = tpu.sem_alloc : memref<!tpu.dma_semaphore, #tpu.memory_space<semaphore_mem>>
      %dma_start3A_87 = arith.constant 0 : i32
      %dma_start3A_88 = arith.constant 0 : i32
      %dma_start3A_89 = tpu.memref_slice %arg6[%dma_start3A_87, %dma_start3A_88] : memref<128x128xf32, #tpu.memory_space<vmem>> -> memref<128x128xf32, #tpu.memory_space<vmem>>
      %dma_start3A_90 = arith.constant 0 : i32
      %dma_start3A_91 = tpu.memref_slice %arg4[%arg0, %add3A_65, %dma_start3A_90] : memref<2x10000x128xf32, #tpu.memory_space<hbm>> -> memref<1x128x128xf32, #tpu.memory_space<hbm>>
      %dma_start3A_92 = tpu.memref_squeeze %dma_start3A_91 : memref<1x128x128xf32, #tpu.memory_space<hbm>> -> memref<128x128xf32, #tpu.memory_space<hbm>>
      %dma_start3A_93 = arith.constant 0 : i32
      %dma_start3A_94 = tpu.memref_slice %arg4[%arg0, %add3A_65, %dma_start3A_93] : memref<2x10000x128xf32, #tpu.memory_space<hbm>> -> memref<1x128x128xf32, #tpu.memory_space<hbm>>
      %dma_start3A_95 = tpu.memref_squeeze %dma_start3A_94 : memref<1x128x128xf32, #tpu.memory_space<hbm>> -> memref<128x128xf32, #tpu.memory_space<hbm>>
      %dma_start3A_96 = arith.constant 0 : i32
      %dma_start3A_97 = arith.constant 0 : i32
      %dma_start3A_98 = tpu.memref_slice %arg6[%dma_start3A_96, %dma_start3A_97] : memref<128x128xf32, #tpu.memory_space<vmem>> -> memref<128x128xf32, #tpu.memory_space<vmem>>
      tpu.enqueue_dma source(%dma_start3A_98 : memref<128x128xf32, #tpu.memory_space<vmem>>) target(%dma_start3A_95 : memref<128x128xf32, #tpu.memory_space<hbm>>) target_semaphore(%run_scoped3A : memref<!tpu.dma_semaphore, #tpu.memory_space<semaphore_mem>>)
      %dma_wait3A = arith.constant 0 : i32
      %dma_wait3A_99 = arith.constant 0 : i32
      %dma_wait3A_100 = tpu.memref_slice %arg6[%dma_wait3A, %dma_wait3A_99] : memref<128x128xf32, #tpu.memory_space<vmem>> -> memref<128x128xf32, #tpu.memory_space<vmem>>
      %dma_wait3A_101 = arith.constant 0 : i32
      %dma_wait3A_102 = tpu.memref_slice %arg4[%arg0, %add3A_65, %dma_wait3A_101] : memref<2x10000x128xf32, #tpu.memory_space<hbm>> -> memref<1x128x128xf32, #tpu.memory_space<hbm>>
      %dma_wait3A_103 = tpu.memref_squeeze %dma_wait3A_102 : memref<1x128x128xf32, #tpu.memory_space<hbm>> -> memref<128x128xf32, #tpu.memory_space<hbm>>
      %dma_wait3A_104 = arith.constant 0 : i32
      %dma_wait3A_105 = tpu.memref_slice %arg4[%arg0, %add3A_65, %dma_wait3A_104] : memref<2x10000x128xf32, #tpu.memory_space<hbm>> -> memref<1x128x128xf32, #tpu.memory_space<hbm>>
      %dma_wait3A_106 = tpu.memref_squeeze %dma_wait3A_105 : memref<1x128x128xf32, #tpu.memory_space<hbm>> -> memref<128x128xf32, #tpu.memory_space<hbm>>
      %dma_wait3A_107 = arith.constant 0 : i32
      %dma_wait3A_108 = arith.constant 0 : i32
      %dma_wait3A_109 = tpu.memref_slice %arg6[%dma_wait3A_107, %dma_wait3A_108] : memref<128x128xf32, #tpu.memory_space<vmem>> -> memref<128x128xf32, #tpu.memory_space<vmem>>
      tpu.wait_dma2 semaphore(%run_scoped3A : memref<!tpu.dma_semaphore, #tpu.memory_space<semaphore_mem>>) src(%dma_wait3A_109 : memref<128x128xf32, #tpu.memory_space<vmem>>) dst(%dma_wait3A_106 : memref<128x128xf32, #tpu.memory_space<hbm>>)
      tpu.yield
    }) : () -> ()
    %mul3A_66 = arith.constant 624 : i32
    %mul3A_67 = arith.muli %arg1, %mul3A_66 : i32
    %add3A_68 = arith.constant 128 : i32
    %add3A_69 = arith.addi %mul3A_67, %add3A_68 : i32
    "tpu.region"() ({
      %run_scoped3A = tpu.sem_alloc : memref<!tpu.dma_semaphore, #tpu.memory_space<semaphore_mem>>
      %dma_start3A_87 = arith.constant 0 : i32
      %dma_start3A_88 = arith.constant 0 : i32
      %dma_start3A_89 = tpu.memref_slice %arg6[%dma_start3A_87, %dma_start3A_88] : memref<128x128xf32, #tpu.memory_space<vmem>> -> memref<128x128xf32, #tpu.memory_space<vmem>>
      %dma_start3A_90 = arith.constant 0 : i32
      %dma_start3A_91 = tpu.memref_slice %arg19[%add3A_69, %dma_start3A_90] : memref<10000x128xf32, #tpu.memory_space<vmem_shared>> -> memref<128x128xf32, #tpu.memory_space<vmem_shared>>
      %dma_start3A_92 = arith.constant 0 : i32
      %dma_start3A_93 = arith.constant 0 : i32
      %dma_start3A_94 = tpu.memref_slice %arg6[%dma_start3A_92, %dma_start3A_93] : memref<128x128xf32, #tpu.memory_space<vmem>> -> memref<128x128xf32, #tpu.memory_space<vmem>>
      %dma_start3A_95 = arith.constant 0 : i32
      %dma_start3A_96 = tpu.memref_slice %arg19[%add3A_69, %dma_start3A_95] : memref<10000x128xf32, #tpu.memory_space<vmem_shared>> -> memref<128x128xf32, #tpu.memory_space<vmem_shared>>
      tpu.enqueue_dma source(%dma_start3A_96 : memref<128x128xf32, #tpu.memory_space<vmem_shared>>) target(%dma_start3A_94 : memref<128x128xf32, #tpu.memory_space<vmem>>) target_semaphore(%run_scoped3A : memref<!tpu.dma_semaphore, #tpu.memory_space<semaphore_mem>>)
      %dma_wait3A = arith.constant 0 : i32
      %dma_wait3A_97 = arith.constant 0 : i32
      %dma_wait3A_98 = tpu.memref_slice %arg6[%dma_wait3A, %dma_wait3A_97] : memref<128x128xf32, #tpu.memory_space<vmem>> -> memref<128x128xf32, #tpu.memory_space<vmem>>
      %dma_wait3A_99 = arith.constant 0 : i32
      %dma_wait3A_100 = tpu.memref_slice %arg19[%add3A_69, %dma_wait3A_99] : memref<10000x128xf32, #tpu.memory_space<vmem_shared>> -> memref<128x128xf32, #tpu.memory_space<vmem_shared>>
      %dma_wait3A_101 = arith.constant 0 : i32
      %dma_wait3A_102 = arith.constant 0 : i32
      %dma_wait3A_103 = tpu.memref_slice %arg6[%dma_wait3A_101, %dma_wait3A_102] : memref<128x128xf32, #tpu.memory_space<vmem>> -> memref<128x128xf32, #tpu.memory_space<vmem>>
      %dma_wait3A_104 = arith.constant 0 : i32
      %dma_wait3A_105 = tpu.memref_slice %arg19[%add3A_69, %dma_wait3A_104] : memref<10000x128xf32, #tpu.memory_space<vmem_shared>> -> memref<128x128xf32, #tpu.memory_space<vmem_shared>>
      tpu.wait_dma2 semaphore(%run_scoped3A : memref<!tpu.dma_semaphore, #tpu.memory_space<semaphore_mem>>) src(%dma_wait3A_105 : memref<128x128xf32, #tpu.memory_space<vmem_shared>>) dst(%dma_wait3A_103 : memref<128x128xf32, #tpu.memory_space<vmem>>)
      tpu.yield
    }) : () -> ()
    "tpu.region"() ({
      %run_scoped3A = tpu.sem_alloc : memref<!tpu.dma_semaphore, #tpu.memory_space<semaphore_mem>>
      %dma_start3A_87 = arith.constant 0 : i32
      %dma_start3A_88 = arith.constant 0 : i32
      %dma_start3A_89 = tpu.memref_slice %arg6[%dma_start3A_87, %dma_start3A_88] : memref<128x128xf32, #tpu.memory_space<vmem>> -> memref<128x128xf32, #tpu.memory_space<vmem>>
      %dma_start3A_90 = arith.constant 0 : i32
      %dma_start3A_91 = tpu.memref_slice %arg4[%arg0, %add3A_69, %dma_start3A_90] : memref<2x10000x128xf32, #tpu.memory_space<hbm>> -> memref<1x128x128xf32, #tpu.memory_space<hbm>>
      %dma_start3A_92 = tpu.memref_squeeze %dma_start3A_91 : memref<1x128x128xf32, #tpu.memory_space<hbm>> -> memref<128x128xf32, #tpu.memory_space<hbm>>
      %dma_start3A_93 = arith.constant 0 : i32
      %dma_start3A_94 = tpu.memref_slice %arg4[%arg0, %add3A_69, %dma_start3A_93] : memref<2x10000x128xf32, #tpu.memory_space<hbm>> -> memref<1x128x128xf32, #tpu.memory_space<hbm>>
      %dma_start3A_95 = tpu.memref_squeeze %dma_start3A_94 : memref<1x128x128xf32, #tpu.memory_space<hbm>> -> memref<128x128xf32, #tpu.memory_space<hbm>>
      %dma_start3A_96 = arith.constant 0 : i32
      %dma_start3A_97 = arith.constant 0 : i32
      %dma_start3A_98 = tpu.memref_slice %arg6[%dma_start3A_96, %dma_start3A_97] : memref<128x128xf32, #tpu.memory_space<vmem>> -> memref<128x128xf32, #tpu.memory_space<vmem>>
      tpu.enqueue_dma source(%dma_start3A_98 : memref<128x128xf32, #tpu.memory_space<vmem>>) target(%dma_start3A_95 : memref<128x128xf32, #tpu.memory_space<hbm>>) target_semaphore(%run_scoped3A : memref<!tpu.dma_semaphore, #tpu.memory_space<semaphore_mem>>)
      %dma_wait3A = arith.constant 0 : i32
      %dma_wait3A_99 = arith.constant 0 : i32
      %dma_wait3A_100 = tpu.memref_slice %arg6[%dma_wait3A, %dma_wait3A_99] : memref<128x128xf32, #tpu.memory_space<vmem>> -> memref<128x128xf32, #tpu.memory_space<vmem>>
      %dma_wait3A_101 = arith.constant 0 : i32
      %dma_wait3A_102 = tpu.memref_slice %arg4[%arg0, %add3A_69, %dma_wait3A_101] : memref<2x10000x128xf32, #tpu.memory_space<hbm>> -> memref<1x128x128xf32, #tpu.memory_space<hbm>>
      %dma_wait3A_103 = tpu.memref_squeeze %dma_wait3A_102 : memref<1x128x128xf32, #tpu.memory_space<hbm>> -> memref<128x128xf32, #tpu.memory_space<hbm>>
      %dma_wait3A_104 = arith.constant 0 : i32
      %dma_wait3A_105 = tpu.memref_slice %arg4[%arg0, %add3A_69, %dma_wait3A_104] : memref<2x10000x128xf32, #tpu.memory_space<hbm>> -> memref<1x128x128xf32, #tpu.memory_space<hbm>>
      %dma_wait3A_106 = tpu.memref_squeeze %dma_wait3A_105 : memref<1x128x128xf32, #tpu.memory_space<hbm>> -> memref<128x128xf32, #tpu.memory_space<hbm>>
      %dma_wait3A_107 = arith.constant 0 : i32
      %dma_wait3A_108 = arith.constant 0 : i32
      %dma_wait3A_109 = tpu.memref_slice %arg6[%dma_wait3A_107, %dma_wait3A_108] : memref<128x128xf32, #tpu.memory_space<vmem>> -> memref<128x128xf32, #tpu.memory_space<vmem>>
      tpu.wait_dma2 semaphore(%run_scoped3A : memref<!tpu.dma_semaphore, #tpu.memory_space<semaphore_mem>>) src(%dma_wait3A_109 : memref<128x128xf32, #tpu.memory_space<vmem>>) dst(%dma_wait3A_106 : memref<128x128xf32, #tpu.memory_space<hbm>>)
      tpu.yield
    }) : () -> ()
    %mul3A_70 = arith.constant 624 : i32
    %mul3A_71 = arith.muli %arg1, %mul3A_70 : i32
    %add3A_72 = arith.constant 256 : i32
    %add3A_73 = arith.addi %mul3A_71, %add3A_72 : i32
    "tpu.region"() ({
      %run_scoped3A = tpu.sem_alloc : memref<!tpu.dma_semaphore, #tpu.memory_space<semaphore_mem>>
      %dma_start3A_87 = arith.constant 0 : i32
      %dma_start3A_88 = arith.constant 0 : i32
      %dma_start3A_89 = tpu.memref_slice %arg6[%dma_start3A_87, %dma_start3A_88] : memref<128x128xf32, #tpu.memory_space<vmem>> -> memref<128x128xf32, #tpu.memory_space<vmem>>
      %dma_start3A_90 = arith.constant 0 : i32
      %dma_start3A_91 = tpu.memref_slice %arg19[%add3A_73, %dma_start3A_90] : memref<10000x128xf32, #tpu.memory_space<vmem_shared>> -> memref<128x128xf32, #tpu.memory_space<vmem_shared>>
      %dma_start3A_92 = arith.constant 0 : i32
      %dma_start3A_93 = arith.constant 0 : i32
      %dma_start3A_94 = tpu.memref_slice %arg6[%dma_start3A_92, %dma_start3A_93] : memref<128x128xf32, #tpu.memory_space<vmem>> -> memref<128x128xf32, #tpu.memory_space<vmem>>
      %dma_start3A_95 = arith.constant 0 : i32
      %dma_start3A_96 = tpu.memref_slice %arg19[%add3A_73, %dma_start3A_95] : memref<10000x128xf32, #tpu.memory_space<vmem_shared>> -> memref<128x128xf32, #tpu.memory_space<vmem_shared>>
      tpu.enqueue_dma source(%dma_start3A_96 : memref<128x128xf32, #tpu.memory_space<vmem_shared>>) target(%dma_start3A_94 : memref<128x128xf32, #tpu.memory_space<vmem>>) target_semaphore(%run_scoped3A : memref<!tpu.dma_semaphore, #tpu.memory_space<semaphore_mem>>)
      %dma_wait3A = arith.constant 0 : i32
      %dma_wait3A_97 = arith.constant 0 : i32
      %dma_wait3A_98 = tpu.memref_slice %arg6[%dma_wait3A, %dma_wait3A_97] : memref<128x128xf32, #tpu.memory_space<vmem>> -> memref<128x128xf32, #tpu.memory_space<vmem>>
      %dma_wait3A_99 = arith.constant 0 : i32
      %dma_wait3A_100 = tpu.memref_slice %arg19[%add3A_73, %dma_wait3A_99] : memref<10000x128xf32, #tpu.memory_space<vmem_shared>> -> memref<128x128xf32, #tpu.memory_space<vmem_shared>>
      %dma_wait3A_101 = arith.constant 0 : i32
      %dma_wait3A_102 = arith.constant 0 : i32
      %dma_wait3A_103 = tpu.memref_slice %arg6[%dma_wait3A_101, %dma_wait3A_102] : memref<128x128xf32, #tpu.memory_space<vmem>> -> memref<128x128xf32, #tpu.memory_space<vmem>>
      %dma_wait3A_104 = arith.constant 0 : i32
      %dma_wait3A_105 = tpu.memref_slice %arg19[%add3A_73, %dma_wait3A_104] : memref<10000x128xf32, #tpu.memory_space<vmem_shared>> -> memref<128x128xf32, #tpu.memory_space<vmem_shared>>
      tpu.wait_dma2 semaphore(%run_scoped3A : memref<!tpu.dma_semaphore, #tpu.memory_space<semaphore_mem>>) src(%dma_wait3A_105 : memref<128x128xf32, #tpu.memory_space<vmem_shared>>) dst(%dma_wait3A_103 : memref<128x128xf32, #tpu.memory_space<vmem>>)
      tpu.yield
    }) : () -> ()
    "tpu.region"() ({
      %run_scoped3A = tpu.sem_alloc : memref<!tpu.dma_semaphore, #tpu.memory_space<semaphore_mem>>
      %dma_start3A_87 = arith.constant 0 : i32
      %dma_start3A_88 = arith.constant 0 : i32
      %dma_start3A_89 = tpu.memref_slice %arg6[%dma_start3A_87, %dma_start3A_88] : memref<128x128xf32, #tpu.memory_space<vmem>> -> memref<128x128xf32, #tpu.memory_space<vmem>>
      %dma_start3A_90 = arith.constant 0 : i32
      %dma_start3A_91 = tpu.memref_slice %arg4[%arg0, %add3A_73, %dma_start3A_90] : memref<2x10000x128xf32, #tpu.memory_space<hbm>> -> memref<1x128x128xf32, #tpu.memory_space<hbm>>
      %dma_start3A_92 = tpu.memref_squeeze %dma_start3A_91 : memref<1x128x128xf32, #tpu.memory_space<hbm>> -> memref<128x128xf32, #tpu.memory_space<hbm>>
      %dma_start3A_93 = arith.constant 0 : i32
      %dma_start3A_94 = tpu.memref_slice %arg4[%arg0, %add3A_73, %dma_start3A_93] : memref<2x10000x128xf32, #tpu.memory_space<hbm>> -> memref<1x128x128xf32, #tpu.memory_space<hbm>>
      %dma_start3A_95 = tpu.memref_squeeze %dma_start3A_94 : memref<1x128x128xf32, #tpu.memory_space<hbm>> -> memref<128x128xf32, #tpu.memory_space<hbm>>
      %dma_start3A_96 = arith.constant 0 : i32
      %dma_start3A_97 = arith.constant 0 : i32
      %dma_start3A_98 = tpu.memref_slice %arg6[%dma_start3A_96, %dma_start3A_97] : memref<128x128xf32, #tpu.memory_space<vmem>> -> memref<128x128xf32, #tpu.memory_space<vmem>>
      tpu.enqueue_dma source(%dma_start3A_98 : memref<128x128xf32, #tpu.memory_space<vmem>>) target(%dma_start3A_95 : memref<128x128xf32, #tpu.memory_space<hbm>>) target_semaphore(%run_scoped3A : memref<!tpu.dma_semaphore, #tpu.memory_space<semaphore_mem>>)
      %dma_wait3A = arith.constant 0 : i32
      %dma_wait3A_99 = arith.constant 0 : i32
      %dma_wait3A_100 = tpu.memref_slice %arg6[%dma_wait3A, %dma_wait3A_99] : memref<128x128xf32, #tpu.memory_space<vmem>> -> memref<128x128xf32, #tpu.memory_space<vmem>>
      %dma_wait3A_101 = arith.constant 0 : i32
      %dma_wait3A_102 = tpu.memref_slice %arg4[%arg0, %add3A_73, %dma_wait3A_101] : memref<2x10000x128xf32, #tpu.memory_space<hbm>> -> memref<1x128x128xf32, #tpu.memory_space<hbm>>
      %dma_wait3A_103 = tpu.memref_squeeze %dma_wait3A_102 : memref<1x128x128xf32, #tpu.memory_space<hbm>> -> memref<128x128xf32, #tpu.memory_space<hbm>>
      %dma_wait3A_104 = arith.constant 0 : i32
      %dma_wait3A_105 = tpu.memref_slice %arg4[%arg0, %add3A_73, %dma_wait3A_104] : memref<2x10000x128xf32, #tpu.memory_space<hbm>> -> memref<1x128x128xf32, #tpu.memory_space<hbm>>
      %dma_wait3A_106 = tpu.memref_squeeze %dma_wait3A_105 : memref<1x128x128xf32, #tpu.memory_space<hbm>> -> memref<128x128xf32, #tpu.memory_space<hbm>>
      %dma_wait3A_107 = arith.constant 0 : i32
      %dma_wait3A_108 = arith.constant 0 : i32
      %dma_wait3A_109 = tpu.memref_slice %arg6[%dma_wait3A_107, %dma_wait3A_108] : memref<128x128xf32, #tpu.memory_space<vmem>> -> memref<128x128xf32, #tpu.memory_space<vmem>>
      tpu.wait_dma2 semaphore(%run_scoped3A : memref<!tpu.dma_semaphore, #tpu.memory_space<semaphore_mem>>) src(%dma_wait3A_109 : memref<128x128xf32, #tpu.memory_space<vmem>>) dst(%dma_wait3A_106 : memref<128x128xf32, #tpu.memory_space<hbm>>)
      tpu.yield
    }) : () -> ()
    %mul3A_74 = arith.constant 624 : i32
    %mul3A_75 = arith.muli %arg1, %mul3A_74 : i32
    %add3A_76 = arith.constant 384 : i32
    %add3A_77 = arith.addi %mul3A_75, %add3A_76 : i32
    "tpu.region"() ({
      %run_scoped3A = tpu.sem_alloc : memref<!tpu.dma_semaphore, #tpu.memory_space<semaphore_mem>>
      %dma_start3A_87 = arith.constant 0 : i32
      %dma_start3A_88 = arith.constant 0 : i32
      %dma_start3A_89 = tpu.memref_slice %arg6[%dma_start3A_87, %dma_start3A_88] : memref<128x128xf32, #tpu.memory_space<vmem>> -> memref<128x128xf32, #tpu.memory_space<vmem>>
      %dma_start3A_90 = arith.constant 0 : i32
      %dma_start3A_91 = tpu.memref_slice %arg19[%add3A_77, %dma_start3A_90] : memref<10000x128xf32, #tpu.memory_space<vmem_shared>> -> memref<128x128xf32, #tpu.memory_space<vmem_shared>>
      %dma_start3A_92 = arith.constant 0 : i32
      %dma_start3A_93 = arith.constant 0 : i32
      %dma_start3A_94 = tpu.memref_slice %arg6[%dma_start3A_92, %dma_start3A_93] : memref<128x128xf32, #tpu.memory_space<vmem>> -> memref<128x128xf32, #tpu.memory_space<vmem>>
      %dma_start3A_95 = arith.constant 0 : i32
      %dma_start3A_96 = tpu.memref_slice %arg19[%add3A_77, %dma_start3A_95] : memref<10000x128xf32, #tpu.memory_space<vmem_shared>> -> memref<128x128xf32, #tpu.memory_space<vmem_shared>>
      tpu.enqueue_dma source(%dma_start3A_96 : memref<128x128xf32, #tpu.memory_space<vmem_shared>>) target(%dma_start3A_94 : memref<128x128xf32, #tpu.memory_space<vmem>>) target_semaphore(%run_scoped3A : memref<!tpu.dma_semaphore, #tpu.memory_space<semaphore_mem>>)
      %dma_wait3A = arith.constant 0 : i32
      %dma_wait3A_97 = arith.constant 0 : i32
      %dma_wait3A_98 = tpu.memref_slice %arg6[%dma_wait3A, %dma_wait3A_97] : memref<128x128xf32, #tpu.memory_space<vmem>> -> memref<128x128xf32, #tpu.memory_space<vmem>>
      %dma_wait3A_99 = arith.constant 0 : i32
      %dma_wait3A_100 = tpu.memref_slice %arg19[%add3A_77, %dma_wait3A_99] : memref<10000x128xf32, #tpu.memory_space<vmem_shared>> -> memref<128x128xf32, #tpu.memory_space<vmem_shared>>
      %dma_wait3A_101 = arith.constant 0 : i32
      %dma_wait3A_102 = arith.constant 0 : i32
      %dma_wait3A_103 = tpu.memref_slice %arg6[%dma_wait3A_101, %dma_wait3A_102] : memref<128x128xf32, #tpu.memory_space<vmem>> -> memref<128x128xf32, #tpu.memory_space<vmem>>
      %dma_wait3A_104 = arith.constant 0 : i32
      %dma_wait3A_105 = tpu.memref_slice %arg19[%add3A_77, %dma_wait3A_104] : memref<10000x128xf32, #tpu.memory_space<vmem_shared>> -> memref<128x128xf32, #tpu.memory_space<vmem_shared>>
      tpu.wait_dma2 semaphore(%run_scoped3A : memref<!tpu.dma_semaphore, #tpu.memory_space<semaphore_mem>>) src(%dma_wait3A_105 : memref<128x128xf32, #tpu.memory_space<vmem_shared>>) dst(%dma_wait3A_103 : memref<128x128xf32, #tpu.memory_space<vmem>>)
      tpu.yield
    }) : () -> ()
    "tpu.region"() ({
      %run_scoped3A = tpu.sem_alloc : memref<!tpu.dma_semaphore, #tpu.memory_space<semaphore_mem>>
      %dma_start3A_87 = arith.constant 0 : i32
      %dma_start3A_88 = arith.constant 0 : i32
      %dma_start3A_89 = tpu.memref_slice %arg6[%dma_start3A_87, %dma_start3A_88] : memref<128x128xf32, #tpu.memory_space<vmem>> -> memref<128x128xf32, #tpu.memory_space<vmem>>
      %dma_start3A_90 = arith.constant 0 : i32
      %dma_start3A_91 = tpu.memref_slice %arg4[%arg0, %add3A_77, %dma_start3A_90] : memref<2x10000x128xf32, #tpu.memory_space<hbm>> -> memref<1x128x128xf32, #tpu.memory_space<hbm>>
      %dma_start3A_92 = tpu.memref_squeeze %dma_start3A_91 : memref<1x128x128xf32, #tpu.memory_space<hbm>> -> memref<128x128xf32, #tpu.memory_space<hbm>>
      %dma_start3A_93 = arith.constant 0 : i32
      %dma_start3A_94 = tpu.memref_slice %arg4[%arg0, %add3A_77, %dma_start3A_93] : memref<2x10000x128xf32, #tpu.memory_space<hbm>> -> memref<1x128x128xf32, #tpu.memory_space<hbm>>
      %dma_start3A_95 = tpu.memref_squeeze %dma_start3A_94 : memref<1x128x128xf32, #tpu.memory_space<hbm>> -> memref<128x128xf32, #tpu.memory_space<hbm>>
      %dma_start3A_96 = arith.constant 0 : i32
      %dma_start3A_97 = arith.constant 0 : i32
      %dma_start3A_98 = tpu.memref_slice %arg6[%dma_start3A_96, %dma_start3A_97] : memref<128x128xf32, #tpu.memory_space<vmem>> -> memref<128x128xf32, #tpu.memory_space<vmem>>
      tpu.enqueue_dma source(%dma_start3A_98 : memref<128x128xf32, #tpu.memory_space<vmem>>) target(%dma_start3A_95 : memref<128x128xf32, #tpu.memory_space<hbm>>) target_semaphore(%run_scoped3A : memref<!tpu.dma_semaphore, #tpu.memory_space<semaphore_mem>>)
      %dma_wait3A = arith.constant 0 : i32
      %dma_wait3A_99 = arith.constant 0 : i32
      %dma_wait3A_100 = tpu.memref_slice %arg6[%dma_wait3A, %dma_wait3A_99] : memref<128x128xf32, #tpu.memory_space<vmem>> -> memref<128x128xf32, #tpu.memory_space<vmem>>
      %dma_wait3A_101 = arith.constant 0 : i32
      %dma_wait3A_102 = tpu.memref_slice %arg4[%arg0, %add3A_77, %dma_wait3A_101] : memref<2x10000x128xf32, #tpu.memory_space<hbm>> -> memref<1x128x128xf32, #tpu.memory_space<hbm>>
      %dma_wait3A_103 = tpu.memref_squeeze %dma_wait3A_102 : memref<1x128x128xf32, #tpu.memory_space<hbm>> -> memref<128x128xf32, #tpu.memory_space<hbm>>
      %dma_wait3A_104 = arith.constant 0 : i32
      %dma_wait3A_105 = tpu.memref_slice %arg4[%arg0, %add3A_77, %dma_wait3A_104] : memref<2x10000x128xf32, #tpu.memory_space<hbm>> -> memref<1x128x128xf32, #tpu.memory_space<hbm>>
      %dma_wait3A_106 = tpu.memref_squeeze %dma_wait3A_105 : memref<1x128x128xf32, #tpu.memory_space<hbm>> -> memref<128x128xf32, #tpu.memory_space<hbm>>
      %dma_wait3A_107 = arith.constant 0 : i32
      %dma_wait3A_108 = arith.constant 0 : i32
      %dma_wait3A_109 = tpu.memref_slice %arg6[%dma_wait3A_107, %dma_wait3A_108] : memref<128x128xf32, #tpu.memory_space<vmem>> -> memref<128x128xf32, #tpu.memory_space<vmem>>
      tpu.wait_dma2 semaphore(%run_scoped3A : memref<!tpu.dma_semaphore, #tpu.memory_space<semaphore_mem>>) src(%dma_wait3A_109 : memref<128x128xf32, #tpu.memory_space<vmem>>) dst(%dma_wait3A_106 : memref<128x128xf32, #tpu.memory_space<hbm>>)
      tpu.yield
    }) : () -> ()
    %mul3A_78 = arith.constant 624 : i32
    %mul3A_79 = arith.muli %arg1, %mul3A_78 : i32
    %add3A_80 = arith.constant 512 : i32
    %add3A_81 = arith.addi %mul3A_79, %add3A_80 : i32
    "tpu.region"() ({
      %run_scoped3A = tpu.sem_alloc : memref<!tpu.dma_semaphore, #tpu.memory_space<semaphore_mem>>
      %dma_start3A_87 = arith.constant 0 : i32
      %dma_start3A_88 = arith.constant 0 : i32
      %dma_start3A_89 = tpu.memref_slice %arg6[%dma_start3A_87, %dma_start3A_88] : memref<128x128xf32, #tpu.memory_space<vmem>> -> memref<112x128xf32, #tpu.memory_space<vmem>>
      %dma_start3A_90 = arith.constant 0 : i32
      %dma_start3A_91 = tpu.memref_slice %arg19[%add3A_81, %dma_start3A_90] : memref<10000x128xf32, #tpu.memory_space<vmem_shared>> -> memref<112x128xf32, #tpu.memory_space<vmem_shared>>
      %dma_start3A_92 = arith.constant 0 : i32
      %dma_start3A_93 = arith.constant 0 : i32
      %dma_start3A_94 = tpu.memref_slice %arg6[%dma_start3A_92, %dma_start3A_93] : memref<128x128xf32, #tpu.memory_space<vmem>> -> memref<112x128xf32, #tpu.memory_space<vmem>>
      %dma_start3A_95 = arith.constant 0 : i32
      %dma_start3A_96 = tpu.memref_slice %arg19[%add3A_81, %dma_start3A_95] : memref<10000x128xf32, #tpu.memory_space<vmem_shared>> -> memref<112x128xf32, #tpu.memory_space<vmem_shared>>
      tpu.enqueue_dma source(%dma_start3A_96 : memref<112x128xf32, #tpu.memory_space<vmem_shared>>) target(%dma_start3A_94 : memref<112x128xf32, #tpu.memory_space<vmem>>) target_semaphore(%run_scoped3A : memref<!tpu.dma_semaphore, #tpu.memory_space<semaphore_mem>>)
      %dma_wait3A = arith.constant 0 : i32
      %dma_wait3A_97 = arith.constant 0 : i32
      %dma_wait3A_98 = tpu.memref_slice %arg6[%dma_wait3A, %dma_wait3A_97] : memref<128x128xf32, #tpu.memory_space<vmem>> -> memref<112x128xf32, #tpu.memory_space<vmem>>
      %dma_wait3A_99 = arith.constant 0 : i32
      %dma_wait3A_100 = tpu.memref_slice %arg19[%add3A_81, %dma_wait3A_99] : memref<10000x128xf32, #tpu.memory_space<vmem_shared>> -> memref<112x128xf32, #tpu.memory_space<vmem_shared>>
      %dma_wait3A_101 = arith.constant 0 : i32
      %dma_wait3A_102 = arith.constant 0 : i32
      %dma_wait3A_103 = tpu.memref_slice %arg6[%dma_wait3A_101, %dma_wait3A_102] : memref<128x128xf32, #tpu.memory_space<vmem>> -> memref<112x128xf32, #tpu.memory_space<vmem>>
      %dma_wait3A_104 = arith.constant 0 : i32
      %dma_wait3A_105 = tpu.memref_slice %arg19[%add3A_81, %dma_wait3A_104] : memref<10000x128xf32, #tpu.memory_space<vmem_shared>> -> memref<112x128xf32, #tpu.memory_space<vmem_shared>>
      tpu.wait_dma2 semaphore(%run_scoped3A : memref<!tpu.dma_semaphore, #tpu.memory_space<semaphore_mem>>) src(%dma_wait3A_105 : memref<112x128xf32, #tpu.memory_space<vmem_shared>>) dst(%dma_wait3A_103 : memref<112x128xf32, #tpu.memory_space<vmem>>)
      tpu.yield
    }) : () -> ()
    "tpu.region"() ({
      %run_scoped3A = tpu.sem_alloc : memref<!tpu.dma_semaphore, #tpu.memory_space<semaphore_mem>>
      %dma_start3A_87 = arith.constant 0 : i32
      %dma_start3A_88 = arith.constant 0 : i32
      %dma_start3A_89 = tpu.memref_slice %arg6[%dma_start3A_87, %dma_start3A_88] : memref<128x128xf32, #tpu.memory_space<vmem>> -> memref<112x128xf32, #tpu.memory_space<vmem>>
      %dma_start3A_90 = arith.constant 0 : i32
      %dma_start3A_91 = tpu.memref_slice %arg4[%arg0, %add3A_81, %dma_start3A_90] : memref<2x10000x128xf32, #tpu.memory_space<hbm>> -> memref<1x112x128xf32, #tpu.memory_space<hbm>>
      %dma_start3A_92 = tpu.memref_squeeze %dma_start3A_91 : memref<1x112x128xf32, #tpu.memory_space<hbm>> -> memref<112x128xf32, #tpu.memory_space<hbm>>
      %dma_start3A_93 = arith.constant 0 : i32
      %dma_start3A_94 = tpu.memref_slice %arg4[%arg0, %add3A_81, %dma_start3A_93] : memref<2x10000x128xf32, #tpu.memory_space<hbm>> -> memref<1x112x128xf32, #tpu.memory_space<hbm>>
      %dma_start3A_95 = tpu.memref_squeeze %dma_start3A_94 : memref<1x112x128xf32, #tpu.memory_space<hbm>> -> memref<112x128xf32, #tpu.memory_space<hbm>>
      %dma_start3A_96 = arith.constant 0 : i32
      %dma_start3A_97 = arith.constant 0 : i32
      %dma_start3A_98 = tpu.memref_slice %arg6[%dma_start3A_96, %dma_start3A_97] : memref<128x128xf32, #tpu.memory_space<vmem>> -> memref<112x128xf32, #tpu.memory_space<vmem>>
      tpu.enqueue_dma source(%dma_start3A_98 : memref<112x128xf32, #tpu.memory_space<vmem>>) target(%dma_start3A_95 : memref<112x128xf32, #tpu.memory_space<hbm>>) target_semaphore(%run_scoped3A : memref<!tpu.dma_semaphore, #tpu.memory_space<semaphore_mem>>)
      %dma_wait3A = arith.constant 0 : i32
      %dma_wait3A_99 = arith.constant 0 : i32
      %dma_wait3A_100 = tpu.memref_slice %arg6[%dma_wait3A, %dma_wait3A_99] : memref<128x128xf32, #tpu.memory_space<vmem>> -> memref<112x128xf32, #tpu.memory_space<vmem>>
      %dma_wait3A_101 = arith.constant 0 : i32
      %dma_wait3A_102 = tpu.memref_slice %arg4[%arg0, %add3A_81, %dma_wait3A_101] : memref<2x10000x128xf32, #tpu.memory_space<hbm>> -> memref<1x112x128xf32, #tpu.memory_space<hbm>>
      %dma_wait3A_103 = tpu.memref_squeeze %dma_wait3A_102 : memref<1x112x128xf32, #tpu.memory_space<hbm>> -> memref<112x128xf32, #tpu.memory_space<hbm>>
      %dma_wait3A_104 = arith.constant 0 : i32
      %dma_wait3A_105 = tpu.memref_slice %arg4[%arg0, %add3A_81, %dma_wait3A_104] : memref<2x10000x128xf32, #tpu.memory_space<hbm>> -> memref<1x112x128xf32, #tpu.memory_space<hbm>>
      %dma_wait3A_106 = tpu.memref_squeeze %dma_wait3A_105 : memref<1x112x128xf32, #tpu.memory_space<hbm>> -> memref<112x128xf32, #tpu.memory_space<hbm>>
      %dma_wait3A_107 = arith.constant 0 : i32
      %dma_wait3A_108 = arith.constant 0 : i32
      %dma_wait3A_109 = tpu.memref_slice %arg6[%dma_wait3A_107, %dma_wait3A_108] : memref<128x128xf32, #tpu.memory_space<vmem>> -> memref<112x128xf32, #tpu.memory_space<vmem>>
      tpu.wait_dma2 semaphore(%run_scoped3A : memref<!tpu.dma_semaphore, #tpu.memory_space<semaphore_mem>>) src(%dma_wait3A_109 : memref<112x128xf32, #tpu.memory_space<vmem>>) dst(%dma_wait3A_106 : memref<112x128xf32, #tpu.memory_space<hbm>>)
      tpu.yield
    }) : () -> ()
    %eq3A_82 = arith.constant 15 : i32
    %eq3A_83 = arith.cmpi eq, %arg1, %eq3A_82 : i32
    %convert_element_type3A_84 = arith.extui %eq3A_83 : i1 to i32
    %cond3A_85 = arith.constant 0 : i32
    %cond3A_86 = arith.cmpi ne, %convert_element_type3A_84, %cond3A_85 : i32
    scf.if %cond3A_86 {
      "tpu.region"() ({
        %run_scoped3A = tpu.sem_alloc : memref<!tpu.dma_semaphore, #tpu.memory_space<semaphore_mem>>
        %dma_start3A_87 = arith.constant 0 : i32
        %dma_start3A_88 = arith.constant 0 : i32
        %dma_start3A_89 = tpu.memref_slice %arg6[%dma_start3A_87, %dma_start3A_88] : memref<128x128xf32, #tpu.memory_space<vmem>> -> memref<16x128xf32, #tpu.memory_space<vmem>>
        %dma_start3A_90 = arith.constant 9984 : i32
        %dma_start3A_91 = arith.constant 0 : i32
        %dma_start3A_92 = tpu.memref_slice %arg19[%dma_start3A_90, %dma_start3A_91] : memref<10000x128xf32, #tpu.memory_space<vmem_shared>> -> memref<16x128xf32, #tpu.memory_space<vmem_shared>>
        %dma_start3A_93 = arith.constant 0 : i32
        %dma_start3A_94 = arith.constant 0 : i32
        %dma_start3A_95 = tpu.memref_slice %arg6[%dma_start3A_93, %dma_start3A_94] : memref<128x128xf32, #tpu.memory_space<vmem>> -> memref<16x128xf32, #tpu.memory_space<vmem>>
        %dma_start3A_96 = arith.constant 9984 : i32
        %dma_start3A_97 = arith.constant 0 : i32
        %dma_start3A_98 = tpu.memref_slice %arg19[%dma_start3A_96, %dma_start3A_97] : memref<10000x128xf32, #tpu.memory_space<vmem_shared>> -> memref<16x128xf32, #tpu.memory_space<vmem_shared>>
        tpu.enqueue_dma source(%dma_start3A_98 : memref<16x128xf32, #tpu.memory_space<vmem_shared>>) target(%dma_start3A_95 : memref<16x128xf32, #tpu.memory_space<vmem>>) target_semaphore(%run_scoped3A : memref<!tpu.dma_semaphore, #tpu.memory_space<semaphore_mem>>)
        %dma_wait3A = arith.constant 0 : i32
        %dma_wait3A_99 = arith.constant 0 : i32
        %dma_wait3A_100 = tpu.memref_slice %arg6[%dma_wait3A, %dma_wait3A_99] : memref<128x128xf32, #tpu.memory_space<vmem>> -> memref<16x128xf32, #tpu.memory_space<vmem>>
        %dma_wait3A_101 = arith.constant 9984 : i32
        %dma_wait3A_102 = arith.constant 0 : i32
        %dma_wait3A_103 = tpu.memref_slice %arg19[%dma_wait3A_101, %dma_wait3A_102] : memref<10000x128xf32, #tpu.memory_space<vmem_shared>> -> memref<16x128xf32, #tpu.memory_space<vmem_shared>>
        %dma_wait3A_104 = arith.constant 0 : i32
        %dma_wait3A_105 = arith.constant 0 : i32
        %dma_wait3A_106 = tpu.memref_slice %arg6[%dma_wait3A_104, %dma_wait3A_105] : memref<128x128xf32, #tpu.memory_space<vmem>> -> memref<16x128xf32, #tpu.memory_space<vmem>>
        %dma_wait3A_107 = arith.constant 9984 : i32
        %dma_wait3A_108 = arith.constant 0 : i32
        %dma_wait3A_109 = tpu.memref_slice %arg19[%dma_wait3A_107, %dma_wait3A_108] : memref<10000x128xf32, #tpu.memory_space<vmem_shared>> -> memref<16x128xf32, #tpu.memory_space<vmem_shared>>
        tpu.wait_dma2 semaphore(%run_scoped3A : memref<!tpu.dma_semaphore, #tpu.memory_space<semaphore_mem>>) src(%dma_wait3A_109 : memref<16x128xf32, #tpu.memory_space<vmem_shared>>) dst(%dma_wait3A_106 : memref<16x128xf32, #tpu.memory_space<vmem>>)
        tpu.yield
      }) : () -> ()
      "tpu.region"() ({
        %run_scoped3A = tpu.sem_alloc : memref<!tpu.dma_semaphore, #tpu.memory_space<semaphore_mem>>
        %dma_start3A_87 = arith.constant 0 : i32
        %dma_start3A_88 = arith.constant 0 : i32
        %dma_start3A_89 = tpu.memref_slice %arg6[%dma_start3A_87, %dma_start3A_88] : memref<128x128xf32, #tpu.memory_space<vmem>> -> memref<16x128xf32, #tpu.memory_space<vmem>>
        %dma_start3A_90 = arith.constant 9984 : i32
        %dma_start3A_91 = arith.constant 0 : i32
        %dma_start3A_92 = tpu.memref_slice %arg4[%arg0, %dma_start3A_90, %dma_start3A_91] : memref<2x10000x128xf32, #tpu.memory_space<hbm>> -> memref<1x16x128xf32, #tpu.memory_space<hbm>>
        %dma_start3A_93 = tpu.memref_squeeze %dma_start3A_92 : memref<1x16x128xf32, #tpu.memory_space<hbm>> -> memref<16x128xf32, #tpu.memory_space<hbm>>
        %dma_start3A_94 = arith.constant 9984 : i32
        %dma_start3A_95 = arith.constant 0 : i32
        %dma_start3A_96 = tpu.memref_slice %arg4[%arg0, %dma_start3A_94, %dma_start3A_95] : memref<2x10000x128xf32, #tpu.memory_space<hbm>> -> memref<1x16x128xf32, #tpu.memory_space<hbm>>
        %dma_start3A_97 = tpu.memref_squeeze %dma_start3A_96 : memref<1x16x128xf32, #tpu.memory_space<hbm>> -> memref<16x128xf32, #tpu.memory_space<hbm>>
        %dma_start3A_98 = arith.constant 0 : i32
        %dma_start3A_99 = arith.constant 0 : i32
        %dma_start3A_100 = tpu.memref_slice %arg6[%dma_start3A_98, %dma_start3A_99] : memref<128x128xf32, #tpu.memory_space<vmem>> -> memref<16x128xf32, #tpu.memory_space<vmem>>
        tpu.enqueue_dma source(%dma_start3A_100 : memref<16x128xf32, #tpu.memory_space<vmem>>) target(%dma_start3A_97 : memref<16x128xf32, #tpu.memory_space<hbm>>) target_semaphore(%run_scoped3A : memref<!tpu.dma_semaphore, #tpu.memory_space<semaphore_mem>>)
        %dma_wait3A = arith.constant 0 : i32
        %dma_wait3A_101 = arith.constant 0 : i32
        %dma_wait3A_102 = tpu.memref_slice %arg6[%dma_wait3A, %dma_wait3A_101] : memref<128x128xf32, #tpu.memory_space<vmem>> -> memref<16x128xf32, #tpu.memory_space<vmem>>
        %dma_wait3A_103 = arith.constant 9984 : i32
        %dma_wait3A_104 = arith.constant 0 : i32
        %dma_wait3A_105 = tpu.memref_slice %arg4[%arg0, %dma_wait3A_103, %dma_wait3A_104] : memref<2x10000x128xf32, #tpu.memory_space<hbm>> -> memref<1x16x128xf32, #tpu.memory_space<hbm>>
        %dma_wait3A_106 = tpu.memref_squeeze %dma_wait3A_105 : memref<1x16x128xf32, #tpu.memory_space<hbm>> -> memref<16x128xf32, #tpu.memory_space<hbm>>
        %dma_wait3A_107 = arith.constant 9984 : i32
        %dma_wait3A_108 = arith.constant 0 : i32
        %dma_wait3A_109 = tpu.memref_slice %arg4[%arg0, %dma_wait3A_107, %dma_wait3A_108] : memref<2x10000x128xf32, #tpu.memory_space<hbm>> -> memref<1x16x128xf32, #tpu.memory_space<hbm>>
        %dma_wait3A_110 = tpu.memref_squeeze %dma_wait3A_109 : memref<1x16x128xf32, #tpu.memory_space<hbm>> -> memref<16x128xf32, #tpu.memory_space<hbm>>
        %dma_wait3A_111 = arith.constant 0 : i32
        %dma_wait3A_112 = arith.constant 0 : i32
        %dma_wait3A_113 = tpu.memref_slice %arg6[%dma_wait3A_111, %dma_wait3A_112] : memref<128x128xf32, #tpu.memory_space<vmem>> -> memref<16x128xf32, #tpu.memory_space<vmem>>
        tpu.wait_dma2 semaphore(%run_scoped3A : memref<!tpu.dma_semaphore, #tpu.memory_space<semaphore_mem>>) src(%dma_wait3A_113 : memref<16x128xf32, #tpu.memory_space<vmem>>) dst(%dma_wait3A_110 : memref<16x128xf32, #tpu.memory_space<hbm>>)
        tpu.yield
      }) : () -> ()
    } else {
    }
    return
  }
}

#map = affine_map<(d0, d1) -> (0)>
module attributes {stable_mosaic.version = 14 : i64} {
  func.func @_sc_gather_body(%arg0: i32, %arg1: i32, %arg2: memref<320000xi32, #tpu.memory_space<hbm>>, %arg3: memref<320000xi32, #tpu.memory_space<hbm>>, %arg4: memref<10000xi32, #tpu.memory_space<hbm>>, %arg5: memref<10000xf32, #tpu.memory_space<hbm>>, %arg6: memref<10000xf32, #tpu.memory_space<hbm>>, %arg7: memref<10000xf32, #tpu.memory_space<hbm>>, %arg8: memref<327680xf32, #tpu.memory_space<hbm>>, %arg9: memref<327680xi32, #tpu.memory_space<hbm>>, %arg10: memref<10000xi32, #tpu.memory_space<vmem>>, %arg11: memref<10000xi32, #tpu.memory_space<vmem>>, %arg12: memref<10000xi32, #tpu.memory_space<vmem>>, %arg13: memref<10000xf32, #tpu.memory_space<vmem>>, %arg14: memref<10000xf32, #tpu.memory_space<vmem>>, %arg15: memref<10000xf32, #tpu.memory_space<vmem>>, %arg16: memref<10000xf32, #tpu.memory_space<vmem>>, %arg17: memref<10000xi32, #tpu.memory_space<vmem>>) attributes {dimension_semantics = [#tpu.dimension_semantics<core_parallel>, #tpu.dimension_semantics<subcore_parallel>], iteration_bounds = array<i64: 2, 16>, scalar_prefetch = 0 : i64, scratch_operands = 8 : i64, tpu.core_type = #tpu.core_type<sc_vector_subcore>, window_params = [{transform_indices = #map}, {transform_indices = #map}, {transform_indices = #map}, {transform_indices = #map}, {transform_indices = #map}, {transform_indices = #map}, {transform_indices = #map}, {transform_indices = #map}]} {
    %mul3A = arith.constant 2 : i32
    %mul3A_0 = arith.muli %arg1, %mul3A : i32
    %add3A = arith.addi %mul3A_0, %arg0 : i32
    %mul3A_1 = arith.constant 10000 : i32
    %mul3A_2 = arith.muli %add3A, %mul3A_1 : i32
    "tpu.region"() ({
      %run_scoped3A = tpu.sem_alloc : memref<!tpu.dma_semaphore, #tpu.memory_space<semaphore_mem>>
      %dma_start3A = tpu.memref_slice %arg2[%mul3A_2] : memref<320000xi32, #tpu.memory_space<hbm>> -> memref<10000xi32, #tpu.memory_space<hbm>>
      %dma_start3A_8 = tpu.memref_slice %arg2[%mul3A_2] : memref<320000xi32, #tpu.memory_space<hbm>> -> memref<10000xi32, #tpu.memory_space<hbm>>
      tpu.enqueue_dma source(%dma_start3A_8 : memref<10000xi32, #tpu.memory_space<hbm>>) target(%arg10 : memref<10000xi32, #tpu.memory_space<vmem>>) target_semaphore(%run_scoped3A : memref<!tpu.dma_semaphore, #tpu.memory_space<semaphore_mem>>)
      %dma_wait3A = tpu.memref_slice %arg2[%mul3A_2] : memref<320000xi32, #tpu.memory_space<hbm>> -> memref<10000xi32, #tpu.memory_space<hbm>>
      %dma_wait3A_9 = tpu.memref_slice %arg2[%mul3A_2] : memref<320000xi32, #tpu.memory_space<hbm>> -> memref<10000xi32, #tpu.memory_space<hbm>>
      tpu.wait_dma2 semaphore(%run_scoped3A : memref<!tpu.dma_semaphore, #tpu.memory_space<semaphore_mem>>) src(%dma_wait3A_9 : memref<10000xi32, #tpu.memory_space<hbm>>) dst(%arg10 : memref<10000xi32, #tpu.memory_space<vmem>>)
      tpu.yield
    }) : () -> ()
    "tpu.region"() ({
      %run_scoped3A = tpu.sem_alloc : memref<!tpu.dma_semaphore, #tpu.memory_space<semaphore_mem>>
      %dma_start3A = tpu.memref_slice %arg3[%mul3A_2] : memref<320000xi32, #tpu.memory_space<hbm>> -> memref<10000xi32, #tpu.memory_space<hbm>>
      %dma_start3A_8 = tpu.memref_slice %arg3[%mul3A_2] : memref<320000xi32, #tpu.memory_space<hbm>> -> memref<10000xi32, #tpu.memory_space<hbm>>
      tpu.enqueue_dma source(%dma_start3A_8 : memref<10000xi32, #tpu.memory_space<hbm>>) target(%arg11 : memref<10000xi32, #tpu.memory_space<vmem>>) target_semaphore(%run_scoped3A : memref<!tpu.dma_semaphore, #tpu.memory_space<semaphore_mem>>)
      %dma_wait3A = tpu.memref_slice %arg3[%mul3A_2] : memref<320000xi32, #tpu.memory_space<hbm>> -> memref<10000xi32, #tpu.memory_space<hbm>>
      %dma_wait3A_9 = tpu.memref_slice %arg3[%mul3A_2] : memref<320000xi32, #tpu.memory_space<hbm>> -> memref<10000xi32, #tpu.memory_space<hbm>>
      tpu.wait_dma2 semaphore(%run_scoped3A : memref<!tpu.dma_semaphore, #tpu.memory_space<semaphore_mem>>) src(%dma_wait3A_9 : memref<10000xi32, #tpu.memory_space<hbm>>) dst(%arg11 : memref<10000xi32, #tpu.memory_space<vmem>>)
      tpu.yield
    }) : () -> ()
    "tpu.region"() ({
      %run_scoped3A = tpu.sem_alloc : memref<!tpu.dma_semaphore, #tpu.memory_space<semaphore_mem>>
      tpu.enqueue_dma source(%arg4 : memref<10000xi32, #tpu.memory_space<hbm>>) target(%arg12 : memref<10000xi32, #tpu.memory_space<vmem>>) target_semaphore(%run_scoped3A : memref<!tpu.dma_semaphore, #tpu.memory_space<semaphore_mem>>)
      tpu.wait_dma2 semaphore(%run_scoped3A : memref<!tpu.dma_semaphore, #tpu.memory_space<semaphore_mem>>) src(%arg4 : memref<10000xi32, #tpu.memory_space<hbm>>) dst(%arg12 : memref<10000xi32, #tpu.memory_space<vmem>>)
      tpu.yield
    }) : () -> ()
    "tpu.region"() ({
      %run_scoped3A = tpu.sem_alloc : memref<!tpu.dma_semaphore, #tpu.memory_space<semaphore_mem>>
      tpu.enqueue_dma source(%arg5 : memref<10000xf32, #tpu.memory_space<hbm>>) target(%arg13 : memref<10000xf32, #tpu.memory_space<vmem>>) target_semaphore(%run_scoped3A : memref<!tpu.dma_semaphore, #tpu.memory_space<semaphore_mem>>)
      tpu.wait_dma2 semaphore(%run_scoped3A : memref<!tpu.dma_semaphore, #tpu.memory_space<semaphore_mem>>) src(%arg5 : memref<10000xf32, #tpu.memory_space<hbm>>) dst(%arg13 : memref<10000xf32, #tpu.memory_space<vmem>>)
      tpu.yield
    }) : () -> ()
    "tpu.region"() ({
      %run_scoped3A = tpu.sem_alloc : memref<!tpu.dma_semaphore, #tpu.memory_space<semaphore_mem>>
      tpu.enqueue_dma source(%arg6 : memref<10000xf32, #tpu.memory_space<hbm>>) target(%arg14 : memref<10000xf32, #tpu.memory_space<vmem>>) target_semaphore(%run_scoped3A : memref<!tpu.dma_semaphore, #tpu.memory_space<semaphore_mem>>)
      tpu.wait_dma2 semaphore(%run_scoped3A : memref<!tpu.dma_semaphore, #tpu.memory_space<semaphore_mem>>) src(%arg6 : memref<10000xf32, #tpu.memory_space<hbm>>) dst(%arg14 : memref<10000xf32, #tpu.memory_space<vmem>>)
      tpu.yield
    }) : () -> ()
    "tpu.region"() ({
      %run_scoped3A = tpu.sem_alloc : memref<!tpu.dma_semaphore, #tpu.memory_space<semaphore_mem>>
      tpu.enqueue_dma source(%arg7 : memref<10000xf32, #tpu.memory_space<hbm>>) target(%arg15 : memref<10000xf32, #tpu.memory_space<vmem>>) target_semaphore(%run_scoped3A : memref<!tpu.dma_semaphore, #tpu.memory_space<semaphore_mem>>)
      tpu.wait_dma2 semaphore(%run_scoped3A : memref<!tpu.dma_semaphore, #tpu.memory_space<semaphore_mem>>) src(%arg7 : memref<10000xf32, #tpu.memory_space<hbm>>) dst(%arg15 : memref<10000xf32, #tpu.memory_space<vmem>>)
      tpu.yield
    }) : () -> ()
    %scan3A = arith.constant 0 : i32
    %scan3A_3 = arith.constant 0 : i32
    %scan3A_4 = arith.constant 625 : i32
    %scan3A_5 = arith.addi %scan3A_3, %scan3A_4 : i32
    %scan3A_6 = arith.constant 1 : i32
    scf.for %scan3A_8 = %scan3A_3 to %scan3A_5 step %scan3A_6  : i32 {
      %mul3A_9 = arith.constant 16 : i32
      %mul3A_10 = arith.muli %scan3A_8, %mul3A_9 : i32
      %get3A = arith.index_cast %mul3A_10 : i32 to index
      %get3A_11 = tpu.vector_load %arg10[%get3A] {strides = array<i32>} : memref<10000xi32, #tpu.memory_space<vmem>>, vector<16xi32>,
      %get3A_12 = arith.index_cast %mul3A_10 : i32 to index
      %get3A_13 = tpu.vector_load %arg11[%get3A_12] {strides = array<i32>} : memref<10000xi32, #tpu.memory_space<vmem>>, vector<16xi32>,
      %gather3A = tpu.vector_load_idx %arg13[%get3A_11] : memref<10000xf32, #tpu.memory_space<vmem>>[vector<16xi32>], vector<16xf32>,
      %gather3A_14 = tpu.vector_load_idx %arg13[%get3A_13] : memref<10000xf32, #tpu.memory_space<vmem>>[vector<16xi32>], vector<16xf32>,
      %gather3A_15 = tpu.vector_load_idx %arg14[%get3A_11] : memref<10000xf32, #tpu.memory_space<vmem>>[vector<16xi32>], vector<16xf32>,
      %gather3A_16 = tpu.vector_load_idx %arg14[%get3A_13] : memref<10000xf32, #tpu.memory_space<vmem>>[vector<16xi32>], vector<16xf32>,
      %gather3A_17 = tpu.vector_load_idx %arg15[%get3A_11] : memref<10000xf32, #tpu.memory_space<vmem>>[vector<16xi32>], vector<16xf32>,
      %gather3A_18 = tpu.vector_load_idx %arg15[%get3A_13] : memref<10000xf32, #tpu.memory_space<vmem>>[vector<16xi32>], vector<16xf32>,
      %sub3A = arith.subf %gather3A, %gather3A_14 : vector<16xf32>
      %sub3A_19 = arith.subf %gather3A_15, %gather3A_16 : vector<16xf32>
      %sub3A_20 = arith.subf %gather3A_17, %gather3A_18 : vector<16xf32>
      %mul3A_21 = arith.mulf %sub3A, %sub3A : vector<16xf32>
      %mul3A_22 = arith.mulf %sub3A_19, %sub3A_19 : vector<16xf32>
      %add3A_23 = arith.addf %mul3A_21, %mul3A_22 : vector<16xf32>
      %mul3A_24 = arith.mulf %sub3A_20, %sub3A_20 : vector<16xf32>
      %add3A_25 = arith.addf %add3A_23, %mul3A_24 : vector<16xf32>
      %swap3A = arith.index_cast %mul3A_10 : i32 to index
      %swap3A_26 = tpu.vector_load %arg16[%swap3A] {strides = array<i32>} : memref<10000xf32, #tpu.memory_space<vmem>>, vector<16xf32>,
      tpu.vector_store %arg16[%swap3A], %add3A_25 {strides = array<i32>} : memref<10000xf32, #tpu.memory_space<vmem>>, vector<16xf32>,
      %gather3A_27 = tpu.vector_load_idx %arg12[%get3A_13] : memref<10000xi32, #tpu.memory_space<vmem>>[vector<16xi32>], vector<16xi32>,
      %swap3A_28 = arith.index_cast %mul3A_10 : i32 to index
      %swap3A_29 = tpu.vector_load %arg17[%swap3A_28] {strides = array<i32>} : memref<10000xi32, #tpu.memory_space<vmem>>, vector<16xi32>,
      tpu.vector_store %arg17[%swap3A_28], %gather3A_27 {strides = array<i32>} : memref<10000xi32, #tpu.memory_space<vmem>>, vector<16xi32>,
    }
    %scan3A_7 = arith.constant 625 : i32
    "tpu.region"() ({
      %run_scoped3A = tpu.sem_alloc : memref<!tpu.dma_semaphore, #tpu.memory_space<semaphore_mem>>
      %dma_start3A = tpu.memref_slice %arg8[%mul3A_2] : memref<327680xf32, #tpu.memory_space<hbm>> -> memref<10000xf32, #tpu.memory_space<hbm>>
      %dma_start3A_8 = tpu.memref_slice %arg8[%mul3A_2] : memref<327680xf32, #tpu.memory_space<hbm>> -> memref<10000xf32, #tpu.memory_space<hbm>>
      tpu.enqueue_dma source(%arg16 : memref<10000xf32, #tpu.memory_space<vmem>>) target(%dma_start3A_8 : memref<10000xf32, #tpu.memory_space<hbm>>) target_semaphore(%run_scoped3A : memref<!tpu.dma_semaphore, #tpu.memory_space<semaphore_mem>>)
      %dma_wait3A = tpu.memref_slice %arg8[%mul3A_2] : memref<327680xf32, #tpu.memory_space<hbm>> -> memref<10000xf32, #tpu.memory_space<hbm>>
      %dma_wait3A_9 = tpu.memref_slice %arg8[%mul3A_2] : memref<327680xf32, #tpu.memory_space<hbm>> -> memref<10000xf32, #tpu.memory_space<hbm>>
      tpu.wait_dma2 semaphore(%run_scoped3A : memref<!tpu.dma_semaphore, #tpu.memory_space<semaphore_mem>>) src(%arg16 : memref<10000xf32, #tpu.memory_space<vmem>>) dst(%dma_wait3A_9 : memref<10000xf32, #tpu.memory_space<hbm>>)
      tpu.yield
    }) : () -> ()
    "tpu.region"() ({
      %run_scoped3A = tpu.sem_alloc : memref<!tpu.dma_semaphore, #tpu.memory_space<semaphore_mem>>
      %dma_start3A = tpu.memref_slice %arg9[%mul3A_2] : memref<327680xi32, #tpu.memory_space<hbm>> -> memref<10000xi32, #tpu.memory_space<hbm>>
      %dma_start3A_8 = tpu.memref_slice %arg9[%mul3A_2] : memref<327680xi32, #tpu.memory_space<hbm>> -> memref<10000xi32, #tpu.memory_space<hbm>>
      tpu.enqueue_dma source(%arg17 : memref<10000xi32, #tpu.memory_space<vmem>>) target(%dma_start3A_8 : memref<10000xi32, #tpu.memory_space<hbm>>) target_semaphore(%run_scoped3A : memref<!tpu.dma_semaphore, #tpu.memory_space<semaphore_mem>>)
      %dma_wait3A = tpu.memref_slice %arg9[%mul3A_2] : memref<327680xi32, #tpu.memory_space<hbm>> -> memref<10000xi32, #tpu.memory_space<hbm>>
      %dma_wait3A_9 = tpu.memref_slice %arg9[%mul3A_2] : memref<327680xi32, #tpu.memory_space<hbm>> -> memref<10000xi32, #tpu.memory_space<hbm>>
      tpu.wait_dma2 semaphore(%run_scoped3A : memref<!tpu.dma_semaphore, #tpu.memory_space<semaphore_mem>>) src(%arg17 : memref<10000xi32, #tpu.memory_space<vmem>>) dst(%dma_wait3A_9 : memref<10000xi32, #tpu.memory_space<hbm>>)
      tpu.yield
    }) : () -> ()
    return
  }
}

#map = affine_map<(d0, d1) -> (0)>
#map1 = affine_map<(d0, d1) -> (0, 0)>
#map2 = affine_map<(d0, d1) -> (0, 0, 0)>
module attributes {stable_mosaic.version = 14 : i64} {
  func.func @_sc_scatter_body(%arg0: i32, %arg1: i32, %arg2: memref<160000xi32, #tpu.memory_space<hbm>>, %arg3: memref<163840x128xf32, #tpu.memory_space<hbm>>, %arg4: memref<2x10000x128xf32, #tpu.memory_space<hbm>>, %arg5: memref<128xi32, #tpu.memory_space<vmem>>, %arg6: memref<128x128xf32, #tpu.memory_space<vmem>>, %arg7: memref<128xi32, #tpu.memory_space<vmem>>, %arg8: memref<128x128xf32, #tpu.memory_space<vmem>>, %arg9: memref<128xi32, #tpu.memory_space<vmem>>, %arg10: memref<128x128xf32, #tpu.memory_space<vmem>>, %arg11: memref<8xi32, #tpu.memory_space<vmem>>, %arg12: memref<8x128xf32, #tpu.memory_space<vmem>>, %arg13: memref<!tpu.dma_semaphore, #tpu.memory_space<semaphore_mem>>, %arg14: memref<!tpu.dma_semaphore, #tpu.memory_space<semaphore_mem>>, %arg15: memref<!tpu.dma_semaphore, #tpu.memory_space<semaphore_mem>>, %arg16: memref<!tpu.dma_semaphore, #tpu.memory_space<semaphore_mem>>, %arg17: memref<!tpu.dma_semaphore, #tpu.memory_space<semaphore_mem>>, %arg18: memref<!tpu.dma_semaphore, #tpu.memory_space<semaphore_mem>>, %arg19: memref<10000x128xf32, #tpu.memory_space<vmem_shared>>) attributes {dimension_semantics = [#tpu.dimension_semantics<core_parallel>, #tpu.dimension_semantics<subcore_parallel>], iteration_bounds = array<i64: 2, 16>, scalar_prefetch = 0 : i64, scratch_operands = 15 : i64, tpu.core_type = #tpu.core_type<sc_vector_subcore>, window_params = [{transform_indices = #map}, {transform_indices = #map1}, {transform_indices = #map2}]} {
    %mul3A = arith.constant 16 : i32
    %mul3A_0 = arith.muli %arg0, %mul3A : i32
    %add3A = arith.addi %mul3A_0, %arg1 : i32
    %mul3A_1 = arith.constant 5000 : i32
    %mul3A_2 = arith.muli %add3A, %mul3A_1 : i32
    %scan3A = arith.constant 0 : i32
    %scan3A_3 = arith.constant 0 : i32
    %scan3A_4 = arith.constant 128 : i32
    %scan3A_5 = arith.addi %scan3A_3, %scan3A_4 : i32
    %scan3A_6 = arith.constant 1 : i32
    scf.for %scan3A_87 = %scan3A_3 to %scan3A_5 step %scan3A_6  : i32 {
      %broadcast_in_dim3A = arith.constant 0.000000e+00 : f32
      %broadcast_in_dim3A_88 = vector.broadcast %broadcast_in_dim3A : f32 to vector<16xf32>
      %swap3A = arith.index_cast %scan3A_87 : i32 to index
      %swap3A_89 = arith.constant 0 : index
      %swap3A_90 = tpu.vector_load %arg6[%swap3A, %swap3A_89] {strides = array<i32>} : memref<128x128xf32, #tpu.memory_space<vmem>>, vector<16xf32>,
      tpu.vector_store %arg6[%swap3A, %swap3A_89], %broadcast_in_dim3A_88 {strides = array<i32>} : memref<128x128xf32, #tpu.memory_space<vmem>>, vector<16xf32>,
      %broadcast_in_dim3A_91 = arith.constant 0.000000e+00 : f32
      %broadcast_in_dim3A_92 = vector.broadcast %broadcast_in_dim3A_91 : f32 to vector<16xf32>
      %swap3A_93 = arith.index_cast %scan3A_87 : i32 to index
      %swap3A_94 = arith.constant 16 : index
      %swap3A_95 = tpu.vector_load %arg6[%swap3A_93, %swap3A_94] {strides = array<i32>} : memref<128x128xf32, #tpu.memory_space<vmem>>, vector<16xf32>,
      tpu.vector_store %arg6[%swap3A_93, %swap3A_94], %broadcast_in_dim3A_92 {strides = array<i32>} : memref<128x128xf32, #tpu.memory_space<vmem>>, vector<16xf32>,
      %broadcast_in_dim3A_96 = arith.constant 0.000000e+00 : f32
      %broadcast_in_dim3A_97 = vector.broadcast %broadcast_in_dim3A_96 : f32 to vector<16xf32>
      %swap3A_98 = arith.index_cast %scan3A_87 : i32 to index
      %swap3A_99 = arith.constant 32 : index
      %swap3A_100 = tpu.vector_load %arg6[%swap3A_98, %swap3A_99] {strides = array<i32>} : memref<128x128xf32, #tpu.memory_space<vmem>>, vector<16xf32>,
      tpu.vector_store %arg6[%swap3A_98, %swap3A_99], %broadcast_in_dim3A_97 {strides = array<i32>} : memref<128x128xf32, #tpu.memory_space<vmem>>, vector<16xf32>,
      %broadcast_in_dim3A_101 = arith.constant 0.000000e+00 : f32
      %broadcast_in_dim3A_102 = vector.broadcast %broadcast_in_dim3A_101 : f32 to vector<16xf32>
      %swap3A_103 = arith.index_cast %scan3A_87 : i32 to index
      %swap3A_104 = arith.constant 48 : index
      %swap3A_105 = tpu.vector_load %arg6[%swap3A_103, %swap3A_104] {strides = array<i32>} : memref<128x128xf32, #tpu.memory_space<vmem>>, vector<16xf32>,
      tpu.vector_store %arg6[%swap3A_103, %swap3A_104], %broadcast_in_dim3A_102 {strides = array<i32>} : memref<128x128xf32, #tpu.memory_space<vmem>>, vector<16xf32>,
      %broadcast_in_dim3A_106 = arith.constant 0.000000e+00 : f32
      %broadcast_in_dim3A_107 = vector.broadcast %broadcast_in_dim3A_106 : f32 to vector<16xf32>
      %swap3A_108 = arith.index_cast %scan3A_87 : i32 to index
      %swap3A_109 = arith.constant 64 : index
      %swap3A_110 = tpu.vector_load %arg6[%swap3A_108, %swap3A_109] {strides = array<i32>} : memref<128x128xf32, #tpu.memory_space<vmem>>, vector<16xf32>,
      tpu.vector_store %arg6[%swap3A_108, %swap3A_109], %broadcast_in_dim3A_107 {strides = array<i32>} : memref<128x128xf32, #tpu.memory_space<vmem>>, vector<16xf32>,
      %broadcast_in_dim3A_111 = arith.constant 0.000000e+00 : f32
      %broadcast_in_dim3A_112 = vector.broadcast %broadcast_in_dim3A_111 : f32 to vector<16xf32>
      %swap3A_113 = arith.index_cast %scan3A_87 : i32 to index
      %swap3A_114 = arith.constant 80 : index
      %swap3A_115 = tpu.vector_load %arg6[%swap3A_113, %swap3A_114] {strides = array<i32>} : memref<128x128xf32, #tpu.memory_space<vmem>>, vector<16xf32>,
      tpu.vector_store %arg6[%swap3A_113, %swap3A_114], %broadcast_in_dim3A_112 {strides = array<i32>} : memref<128x128xf32, #tpu.memory_space<vmem>>, vector<16xf32>,
      %broadcast_in_dim3A_116 = arith.constant 0.000000e+00 : f32
      %broadcast_in_dim3A_117 = vector.broadcast %broadcast_in_dim3A_116 : f32 to vector<16xf32>
      %swap3A_118 = arith.index_cast %scan3A_87 : i32 to index
      %swap3A_119 = arith.constant 96 : index
      %swap3A_120 = tpu.vector_load %arg6[%swap3A_118, %swap3A_119] {strides = array<i32>} : memref<128x128xf32, #tpu.memory_space<vmem>>, vector<16xf32>,
      tpu.vector_store %arg6[%swap3A_118, %swap3A_119], %broadcast_in_dim3A_117 {strides = array<i32>} : memref<128x128xf32, #tpu.memory_space<vmem>>, vector<16xf32>,
      %broadcast_in_dim3A_121 = arith.constant 0.000000e+00 : f32
      %broadcast_in_dim3A_122 = vector.broadcast %broadcast_in_dim3A_121 : f32 to vector<16xf32>
      %swap3A_123 = arith.index_cast %scan3A_87 : i32 to index
      %swap3A_124 = arith.constant 112 : index
      %swap3A_125 = tpu.vector_load %arg6[%swap3A_123, %swap3A_124] {strides = array<i32>} : memref<128x128xf32, #tpu.memory_space<vmem>>, vector<16xf32>,
      tpu.vector_store %arg6[%swap3A_123, %swap3A_124], %broadcast_in_dim3A_122 {strides = array<i32>} : memref<128x128xf32, #tpu.memory_space<vmem>>, vector<16xf32>,
    }
    %scan3A_7 = arith.constant 128 : i32
    %mul3A_8 = arith.constant 624 : i32
    %mul3A_9 = arith.muli %arg1, %mul3A_8 : i32
    %add3A_10 = arith.constant 0 : i32
    %add3A_11 = arith.addi %mul3A_9, %add3A_10 : i32
    "tpu.region"() ({
      %run_scoped3A = tpu.sem_alloc : memref<!tpu.dma_semaphore, #tpu.memory_space<semaphore_mem>>
      %dma_start3A_87 = arith.constant 0 : i32
      %dma_start3A_88 = arith.constant 0 : i32
      %dma_start3A_89 = tpu.memref_slice %arg6[%dma_start3A_87, %dma_start3A_88] : memref<128x128xf32, #tpu.memory_space<vmem>> -> memref<128x128xf32, #tpu.memory_space<vmem>>
      %dma_start3A_90 = arith.constant 0 : i32
      %dma_start3A_91 = tpu.memref_slice %arg19[%add3A_11, %dma_start3A_90] : memref<10000x128xf32, #tpu.memory_space<vmem_shared>> -> memref<128x128xf32, #tpu.memory_space<vmem_shared>>
      %dma_start3A_92 = arith.constant 0 : i32
      %dma_start3A_93 = tpu.memref_slice %arg19[%add3A_11, %dma_start3A_92] : memref<10000x128xf32, #tpu.memory_space<vmem_shared>> -> memref<128x128xf32, #tpu.memory_space<vmem_shared>>
      %dma_start3A_94 = arith.constant 0 : i32
      %dma_start3A_95 = arith.constant 0 : i32
      %dma_start3A_96 = tpu.memref_slice %arg6[%dma_start3A_94, %dma_start3A_95] : memref<128x128xf32, #tpu.memory_space<vmem>> -> memref<128x128xf32, #tpu.memory_space<vmem>>
      tpu.enqueue_dma source(%dma_start3A_96 : memref<128x128xf32, #tpu.memory_space<vmem>>) target(%dma_start3A_93 : memref<128x128xf32, #tpu.memory_space<vmem_shared>>) target_semaphore(%run_scoped3A : memref<!tpu.dma_semaphore, #tpu.memory_space<semaphore_mem>>)
      %dma_wait3A = arith.constant 0 : i32
      %dma_wait3A_97 = arith.constant 0 : i32
      %dma_wait3A_98 = tpu.memref_slice %arg6[%dma_wait3A, %dma_wait3A_97] : memref<128x128xf32, #tpu.memory_space<vmem>> -> memref<128x128xf32, #tpu.memory_space<vmem>>
      %dma_wait3A_99 = arith.constant 0 : i32
      %dma_wait3A_100 = tpu.memref_slice %arg19[%add3A_11, %dma_wait3A_99] : memref<10000x128xf32, #tpu.memory_space<vmem_shared>> -> memref<128x128xf32, #tpu.memory_space<vmem_shared>>
      %dma_wait3A_101 = arith.constant 0 : i32
      %dma_wait3A_102 = tpu.memref_slice %arg19[%add3A_11, %dma_wait3A_101] : memref<10000x128xf32, #tpu.memory_space<vmem_shared>> -> memref<128x128xf32, #tpu.memory_space<vmem_shared>>
      %dma_wait3A_103 = arith.constant 0 : i32
      %dma_wait3A_104 = arith.constant 0 : i32
      %dma_wait3A_105 = tpu.memref_slice %arg6[%dma_wait3A_103, %dma_wait3A_104] : memref<128x128xf32, #tpu.memory_space<vmem>> -> memref<128x128xf32, #tpu.memory_space<vmem>>
      tpu.wait_dma2 semaphore(%run_scoped3A : memref<!tpu.dma_semaphore, #tpu.memory_space<semaphore_mem>>) src(%dma_wait3A_105 : memref<128x128xf32, #tpu.memory_space<vmem>>) dst(%dma_wait3A_102 : memref<128x128xf32, #tpu.memory_space<vmem_shared>>)
      tpu.yield
    }) : () -> ()
    %mul3A_12 = arith.constant 624 : i32
    %mul3A_13 = arith.muli %arg1, %mul3A_12 : i32
    %add3A_14 = arith.constant 128 : i32
    %add3A_15 = arith.addi %mul3A_13, %add3A_14 : i32
    "tpu.region"() ({
      %run_scoped3A = tpu.sem_alloc : memref<!tpu.dma_semaphore, #tpu.memory_space<semaphore_mem>>
      %dma_start3A_87 = arith.constant 0 : i32
      %dma_start3A_88 = arith.constant 0 : i32
      %dma_start3A_89 = tpu.memref_slice %arg6[%dma_start3A_87, %dma_start3A_88] : memref<128x128xf32, #tpu.memory_space<vmem>> -> memref<128x128xf32, #tpu.memory_space<vmem>>
      %dma_start3A_90 = arith.constant 0 : i32
      %dma_start3A_91 = tpu.memref_slice %arg19[%add3A_15, %dma_start3A_90] : memref<10000x128xf32, #tpu.memory_space<vmem_shared>> -> memref<128x128xf32, #tpu.memory_space<vmem_shared>>
      %dma_start3A_92 = arith.constant 0 : i32
      %dma_start3A_93 = tpu.memref_slice %arg19[%add3A_15, %dma_start3A_92] : memref<10000x128xf32, #tpu.memory_space<vmem_shared>> -> memref<128x128xf32, #tpu.memory_space<vmem_shared>>
      %dma_start3A_94 = arith.constant 0 : i32
      %dma_start3A_95 = arith.constant 0 : i32
      %dma_start3A_96 = tpu.memref_slice %arg6[%dma_start3A_94, %dma_start3A_95] : memref<128x128xf32, #tpu.memory_space<vmem>> -> memref<128x128xf32, #tpu.memory_space<vmem>>
      tpu.enqueue_dma source(%dma_start3A_96 : memref<128x128xf32, #tpu.memory_space<vmem>>) target(%dma_start3A_93 : memref<128x128xf32, #tpu.memory_space<vmem_shared>>) target_semaphore(%run_scoped3A : memref<!tpu.dma_semaphore, #tpu.memory_space<semaphore_mem>>)
      %dma_wait3A = arith.constant 0 : i32
      %dma_wait3A_97 = arith.constant 0 : i32
      %dma_wait3A_98 = tpu.memref_slice %arg6[%dma_wait3A, %dma_wait3A_97] : memref<128x128xf32, #tpu.memory_space<vmem>> -> memref<128x128xf32, #tpu.memory_space<vmem>>
      %dma_wait3A_99 = arith.constant 0 : i32
      %dma_wait3A_100 = tpu.memref_slice %arg19[%add3A_15, %dma_wait3A_99] : memref<10000x128xf32, #tpu.memory_space<vmem_shared>> -> memref<128x128xf32, #tpu.memory_space<vmem_shared>>
      %dma_wait3A_101 = arith.constant 0 : i32
      %dma_wait3A_102 = tpu.memref_slice %arg19[%add3A_15, %dma_wait3A_101] : memref<10000x128xf32, #tpu.memory_space<vmem_shared>> -> memref<128x128xf32, #tpu.memory_space<vmem_shared>>
      %dma_wait3A_103 = arith.constant 0 : i32
      %dma_wait3A_104 = arith.constant 0 : i32
      %dma_wait3A_105 = tpu.memref_slice %arg6[%dma_wait3A_103, %dma_wait3A_104] : memref<128x128xf32, #tpu.memory_space<vmem>> -> memref<128x128xf32, #tpu.memory_space<vmem>>
      tpu.wait_dma2 semaphore(%run_scoped3A : memref<!tpu.dma_semaphore, #tpu.memory_space<semaphore_mem>>) src(%dma_wait3A_105 : memref<128x128xf32, #tpu.memory_space<vmem>>) dst(%dma_wait3A_102 : memref<128x128xf32, #tpu.memory_space<vmem_shared>>)
      tpu.yield
    }) : () -> ()
    %mul3A_16 = arith.constant 624 : i32
    %mul3A_17 = arith.muli %arg1, %mul3A_16 : i32
    %add3A_18 = arith.constant 256 : i32
    %add3A_19 = arith.addi %mul3A_17, %add3A_18 : i32
    "tpu.region"() ({
      %run_scoped3A = tpu.sem_alloc : memref<!tpu.dma_semaphore, #tpu.memory_space<semaphore_mem>>
      %dma_start3A_87 = arith.constant 0 : i32
      %dma_start3A_88 = arith.constant 0 : i32
      %dma_start3A_89 = tpu.memref_slice %arg6[%dma_start3A_87, %dma_start3A_88] : memref<128x128xf32, #tpu.memory_space<vmem>> -> memref<128x128xf32, #tpu.memory_space<vmem>>
      %dma_start3A_90 = arith.constant 0 : i32
      %dma_start3A_91 = tpu.memref_slice %arg19[%add3A_19, %dma_start3A_90] : memref<10000x128xf32, #tpu.memory_space<vmem_shared>> -> memref<128x128xf32, #tpu.memory_space<vmem_shared>>
      %dma_start3A_92 = arith.constant 0 : i32
      %dma_start3A_93 = tpu.memref_slice %arg19[%add3A_19, %dma_start3A_92] : memref<10000x128xf32, #tpu.memory_space<vmem_shared>> -> memref<128x128xf32, #tpu.memory_space<vmem_shared>>
      %dma_start3A_94 = arith.constant 0 : i32
      %dma_start3A_95 = arith.constant 0 : i32
      %dma_start3A_96 = tpu.memref_slice %arg6[%dma_start3A_94, %dma_start3A_95] : memref<128x128xf32, #tpu.memory_space<vmem>> -> memref<128x128xf32, #tpu.memory_space<vmem>>
      tpu.enqueue_dma source(%dma_start3A_96 : memref<128x128xf32, #tpu.memory_space<vmem>>) target(%dma_start3A_93 : memref<128x128xf32, #tpu.memory_space<vmem_shared>>) target_semaphore(%run_scoped3A : memref<!tpu.dma_semaphore, #tpu.memory_space<semaphore_mem>>)
      %dma_wait3A = arith.constant 0 : i32
      %dma_wait3A_97 = arith.constant 0 : i32
      %dma_wait3A_98 = tpu.memref_slice %arg6[%dma_wait3A, %dma_wait3A_97] : memref<128x128xf32, #tpu.memory_space<vmem>> -> memref<128x128xf32, #tpu.memory_space<vmem>>
      %dma_wait3A_99 = arith.constant 0 : i32
      %dma_wait3A_100 = tpu.memref_slice %arg19[%add3A_19, %dma_wait3A_99] : memref<10000x128xf32, #tpu.memory_space<vmem_shared>> -> memref<128x128xf32, #tpu.memory_space<vmem_shared>>
      %dma_wait3A_101 = arith.constant 0 : i32
      %dma_wait3A_102 = tpu.memref_slice %arg19[%add3A_19, %dma_wait3A_101] : memref<10000x128xf32, #tpu.memory_space<vmem_shared>> -> memref<128x128xf32, #tpu.memory_space<vmem_shared>>
      %dma_wait3A_103 = arith.constant 0 : i32
      %dma_wait3A_104 = arith.constant 0 : i32
      %dma_wait3A_105 = tpu.memref_slice %arg6[%dma_wait3A_103, %dma_wait3A_104] : memref<128x128xf32, #tpu.memory_space<vmem>> -> memref<128x128xf32, #tpu.memory_space<vmem>>
      tpu.wait_dma2 semaphore(%run_scoped3A : memref<!tpu.dma_semaphore, #tpu.memory_space<semaphore_mem>>) src(%dma_wait3A_105 : memref<128x128xf32, #tpu.memory_space<vmem>>) dst(%dma_wait3A_102 : memref<128x128xf32, #tpu.memory_space<vmem_shared>>)
      tpu.yield
    }) : () -> ()
    %mul3A_20 = arith.constant 624 : i32
    %mul3A_21 = arith.muli %arg1, %mul3A_20 : i32
    %add3A_22 = arith.constant 384 : i32
    %add3A_23 = arith.addi %mul3A_21, %add3A_22 : i32
    "tpu.region"() ({
      %run_scoped3A = tpu.sem_alloc : memref<!tpu.dma_semaphore, #tpu.memory_space<semaphore_mem>>
      %dma_start3A_87 = arith.constant 0 : i32
      %dma_start3A_88 = arith.constant 0 : i32
      %dma_start3A_89 = tpu.memref_slice %arg6[%dma_start3A_87, %dma_start3A_88] : memref<128x128xf32, #tpu.memory_space<vmem>> -> memref<128x128xf32, #tpu.memory_space<vmem>>
      %dma_start3A_90 = arith.constant 0 : i32
      %dma_start3A_91 = tpu.memref_slice %arg19[%add3A_23, %dma_start3A_90] : memref<10000x128xf32, #tpu.memory_space<vmem_shared>> -> memref<128x128xf32, #tpu.memory_space<vmem_shared>>
      %dma_start3A_92 = arith.constant 0 : i32
      %dma_start3A_93 = tpu.memref_slice %arg19[%add3A_23, %dma_start3A_92] : memref<10000x128xf32, #tpu.memory_space<vmem_shared>> -> memref<128x128xf32, #tpu.memory_space<vmem_shared>>
      %dma_start3A_94 = arith.constant 0 : i32
      %dma_start3A_95 = arith.constant 0 : i32
      %dma_start3A_96 = tpu.memref_slice %arg6[%dma_start3A_94, %dma_start3A_95] : memref<128x128xf32, #tpu.memory_space<vmem>> -> memref<128x128xf32, #tpu.memory_space<vmem>>
      tpu.enqueue_dma source(%dma_start3A_96 : memref<128x128xf32, #tpu.memory_space<vmem>>) target(%dma_start3A_93 : memref<128x128xf32, #tpu.memory_space<vmem_shared>>) target_semaphore(%run_scoped3A : memref<!tpu.dma_semaphore, #tpu.memory_space<semaphore_mem>>)
      %dma_wait3A = arith.constant 0 : i32
      %dma_wait3A_97 = arith.constant 0 : i32
      %dma_wait3A_98 = tpu.memref_slice %arg6[%dma_wait3A, %dma_wait3A_97] : memref<128x128xf32, #tpu.memory_space<vmem>> -> memref<128x128xf32, #tpu.memory_space<vmem>>
      %dma_wait3A_99 = arith.constant 0 : i32
      %dma_wait3A_100 = tpu.memref_slice %arg19[%add3A_23, %dma_wait3A_99] : memref<10000x128xf32, #tpu.memory_space<vmem_shared>> -> memref<128x128xf32, #tpu.memory_space<vmem_shared>>
      %dma_wait3A_101 = arith.constant 0 : i32
      %dma_wait3A_102 = tpu.memref_slice %arg19[%add3A_23, %dma_wait3A_101] : memref<10000x128xf32, #tpu.memory_space<vmem_shared>> -> memref<128x128xf32, #tpu.memory_space<vmem_shared>>
      %dma_wait3A_103 = arith.constant 0 : i32
      %dma_wait3A_104 = arith.constant 0 : i32
      %dma_wait3A_105 = tpu.memref_slice %arg6[%dma_wait3A_103, %dma_wait3A_104] : memref<128x128xf32, #tpu.memory_space<vmem>> -> memref<128x128xf32, #tpu.memory_space<vmem>>
      tpu.wait_dma2 semaphore(%run_scoped3A : memref<!tpu.dma_semaphore, #tpu.memory_space<semaphore_mem>>) src(%dma_wait3A_105 : memref<128x128xf32, #tpu.memory_space<vmem>>) dst(%dma_wait3A_102 : memref<128x128xf32, #tpu.memory_space<vmem_shared>>)
      tpu.yield
    }) : () -> ()
    %mul3A_24 = arith.constant 624 : i32
    %mul3A_25 = arith.muli %arg1, %mul3A_24 : i32
    %add3A_26 = arith.constant 512 : i32
    %add3A_27 = arith.addi %mul3A_25, %add3A_26 : i32
    "tpu.region"() ({
      %run_scoped3A = tpu.sem_alloc : memref<!tpu.dma_semaphore, #tpu.memory_space<semaphore_mem>>
      %dma_start3A_87 = arith.constant 0 : i32
      %dma_start3A_88 = arith.constant 0 : i32
      %dma_start3A_89 = tpu.memref_slice %arg6[%dma_start3A_87, %dma_start3A_88] : memref<128x128xf32, #tpu.memory_space<vmem>> -> memref<112x128xf32, #tpu.memory_space<vmem>>
      %dma_start3A_90 = arith.constant 0 : i32
      %dma_start3A_91 = tpu.memref_slice %arg19[%add3A_27, %dma_start3A_90] : memref<10000x128xf32, #tpu.memory_space<vmem_shared>> -> memref<112x128xf32, #tpu.memory_space<vmem_shared>>
      %dma_start3A_92 = arith.constant 0 : i32
      %dma_start3A_93 = tpu.memref_slice %arg19[%add3A_27, %dma_start3A_92] : memref<10000x128xf32, #tpu.memory_space<vmem_shared>> -> memref<112x128xf32, #tpu.memory_space<vmem_shared>>
      %dma_start3A_94 = arith.constant 0 : i32
      %dma_start3A_95 = arith.constant 0 : i32
      %dma_start3A_96 = tpu.memref_slice %arg6[%dma_start3A_94, %dma_start3A_95] : memref<128x128xf32, #tpu.memory_space<vmem>> -> memref<112x128xf32, #tpu.memory_space<vmem>>
      tpu.enqueue_dma source(%dma_start3A_96 : memref<112x128xf32, #tpu.memory_space<vmem>>) target(%dma_start3A_93 : memref<112x128xf32, #tpu.memory_space<vmem_shared>>) target_semaphore(%run_scoped3A : memref<!tpu.dma_semaphore, #tpu.memory_space<semaphore_mem>>)
      %dma_wait3A = arith.constant 0 : i32
      %dma_wait3A_97 = arith.constant 0 : i32
      %dma_wait3A_98 = tpu.memref_slice %arg6[%dma_wait3A, %dma_wait3A_97] : memref<128x128xf32, #tpu.memory_space<vmem>> -> memref<112x128xf32, #tpu.memory_space<vmem>>
      %dma_wait3A_99 = arith.constant 0 : i32
      %dma_wait3A_100 = tpu.memref_slice %arg19[%add3A_27, %dma_wait3A_99] : memref<10000x128xf32, #tpu.memory_space<vmem_shared>> -> memref<112x128xf32, #tpu.memory_space<vmem_shared>>
      %dma_wait3A_101 = arith.constant 0 : i32
      %dma_wait3A_102 = tpu.memref_slice %arg19[%add3A_27, %dma_wait3A_101] : memref<10000x128xf32, #tpu.memory_space<vmem_shared>> -> memref<112x128xf32, #tpu.memory_space<vmem_shared>>
      %dma_wait3A_103 = arith.constant 0 : i32
      %dma_wait3A_104 = arith.constant 0 : i32
      %dma_wait3A_105 = tpu.memref_slice %arg6[%dma_wait3A_103, %dma_wait3A_104] : memref<128x128xf32, #tpu.memory_space<vmem>> -> memref<112x128xf32, #tpu.memory_space<vmem>>
      tpu.wait_dma2 semaphore(%run_scoped3A : memref<!tpu.dma_semaphore, #tpu.memory_space<semaphore_mem>>) src(%dma_wait3A_105 : memref<112x128xf32, #tpu.memory_space<vmem>>) dst(%dma_wait3A_102 : memref<112x128xf32, #tpu.memory_space<vmem_shared>>)
      tpu.yield
    }) : () -> ()
    %eq3A = arith.constant 15 : i32
    %eq3A_28 = arith.cmpi eq, %arg1, %eq3A : i32
    %convert_element_type3A = arith.extui %eq3A_28 : i1 to i32
    %cond3A = arith.constant 0 : i32
    %cond3A_29 = arith.cmpi ne, %convert_element_type3A, %cond3A : i32
    scf.if %cond3A_29 {
      "tpu.region"() ({
        %run_scoped3A = tpu.sem_alloc : memref<!tpu.dma_semaphore, #tpu.memory_space<semaphore_mem>>
        %dma_start3A_87 = arith.constant 0 : i32
        %dma_start3A_88 = arith.constant 0 : i32
        %dma_start3A_89 = tpu.memref_slice %arg6[%dma_start3A_87, %dma_start3A_88] : memref<128x128xf32, #tpu.memory_space<vmem>> -> memref<16x128xf32, #tpu.memory_space<vmem>>
        %dma_start3A_90 = arith.constant 9984 : i32
        %dma_start3A_91 = arith.constant 0 : i32
        %dma_start3A_92 = tpu.memref_slice %arg19[%dma_start3A_90, %dma_start3A_91] : memref<10000x128xf32, #tpu.memory_space<vmem_shared>> -> memref<16x128xf32, #tpu.memory_space<vmem_shared>>
        %dma_start3A_93 = arith.constant 9984 : i32
        %dma_start3A_94 = arith.constant 0 : i32
        %dma_start3A_95 = tpu.memref_slice %arg19[%dma_start3A_93, %dma_start3A_94] : memref<10000x128xf32, #tpu.memory_space<vmem_shared>> -> memref<16x128xf32, #tpu.memory_space<vmem_shared>>
        %dma_start3A_96 = arith.constant 0 : i32
        %dma_start3A_97 = arith.constant 0 : i32
        %dma_start3A_98 = tpu.memref_slice %arg6[%dma_start3A_96, %dma_start3A_97] : memref<128x128xf32, #tpu.memory_space<vmem>> -> memref<16x128xf32, #tpu.memory_space<vmem>>
        tpu.enqueue_dma source(%dma_start3A_98 : memref<16x128xf32, #tpu.memory_space<vmem>>) target(%dma_start3A_95 : memref<16x128xf32, #tpu.memory_space<vmem_shared>>) target_semaphore(%run_scoped3A : memref<!tpu.dma_semaphore, #tpu.memory_space<semaphore_mem>>)
        %dma_wait3A = arith.constant 0 : i32
        %dma_wait3A_99 = arith.constant 0 : i32
        %dma_wait3A_100 = tpu.memref_slice %arg6[%dma_wait3A, %dma_wait3A_99] : memref<128x128xf32, #tpu.memory_space<vmem>> -> memref<16x128xf32, #tpu.memory_space<vmem>>
        %dma_wait3A_101 = arith.constant 9984 : i32
        %dma_wait3A_102 = arith.constant 0 : i32
        %dma_wait3A_103 = tpu.memref_slice %arg19[%dma_wait3A_101, %dma_wait3A_102] : memref<10000x128xf32, #tpu.memory_space<vmem_shared>> -> memref<16x128xf32, #tpu.memory_space<vmem_shared>>
        %dma_wait3A_104 = arith.constant 9984 : i32
        %dma_wait3A_105 = arith.constant 0 : i32
        %dma_wait3A_106 = tpu.memref_slice %arg19[%dma_wait3A_104, %dma_wait3A_105] : memref<10000x128xf32, #tpu.memory_space<vmem_shared>> -> memref<16x128xf32, #tpu.memory_space<vmem_shared>>
        %dma_wait3A_107 = arith.constant 0 : i32
        %dma_wait3A_108 = arith.constant 0 : i32
        %dma_wait3A_109 = tpu.memref_slice %arg6[%dma_wait3A_107, %dma_wait3A_108] : memref<128x128xf32, #tpu.memory_space<vmem>> -> memref<16x128xf32, #tpu.memory_space<vmem>>
        tpu.wait_dma2 semaphore(%run_scoped3A : memref<!tpu.dma_semaphore, #tpu.memory_space<semaphore_mem>>) src(%dma_wait3A_109 : memref<16x128xf32, #tpu.memory_space<vmem>>) dst(%dma_wait3A_106 : memref<16x128xf32, #tpu.memory_space<vmem_shared>>)
        tpu.yield
      }) : () -> ()
    } else {
    }
    %barrier3A = arith.constant 0 : index
    tpu.barrier barrier_id(%barrier3A)
    %add3A_30 = arith.constant 0 : i32
    %add3A_31 = arith.addi %mul3A_2, %add3A_30 : i32
    %dma_start3A = tpu.memref_slice %arg2[%add3A_31] : memref<160000xi32, #tpu.memory_space<hbm>> -> memref<128xi32, #tpu.memory_space<hbm>>
    %dma_start3A_32 = tpu.memref_slice %arg2[%add3A_31] : memref<160000xi32, #tpu.memory_space<hbm>> -> memref<128xi32, #tpu.memory_space<hbm>>
    tpu.enqueue_dma source(%dma_start3A_32 : memref<128xi32, #tpu.memory_space<hbm>>) target(%arg5 : memref<128xi32, #tpu.memory_space<vmem>>) target_semaphore(%arg13 : memref<!tpu.dma_semaphore, #tpu.memory_space<semaphore_mem>>)
    %dma_start3A_33 = arith.constant 0 : i32
    %dma_start3A_34 = tpu.memref_slice %arg3[%add3A_31, %dma_start3A_33] : memref<163840x128xf32, #tpu.memory_space<hbm>> -> memref<128x128xf32, #tpu.memory_space<hbm>>
    %dma_start3A_35 = arith.constant 0 : i32
    %dma_start3A_36 = tpu.memref_slice %arg3[%add3A_31, %dma_start3A_35] : memref<163840x128xf32, #tpu.memory_space<hbm>> -> memref<128x128xf32, #tpu.memory_space<hbm>>
    tpu.enqueue_dma source(%dma_start3A_36 : memref<128x128xf32, #tpu.memory_space<hbm>>) target(%arg6 : memref<128x128xf32, #tpu.memory_space<vmem>>) target_semaphore(%arg14 : memref<!tpu.dma_semaphore, #tpu.memory_space<semaphore_mem>>)
    %add3A_37 = arith.constant 128 : i32
    %add3A_38 = arith.addi %mul3A_2, %add3A_37 : i32
    %dma_start3A_39 = tpu.memref_slice %arg2[%add3A_38] : memref<160000xi32, #tpu.memory_space<hbm>> -> memref<128xi32, #tpu.memory_space<hbm>>
    %dma_start3A_40 = tpu.memref_slice %arg2[%add3A_38] : memref<160000xi32, #tpu.memory_space<hbm>> -> memref<128xi32, #tpu.memory_space<hbm>>
    tpu.enqueue_dma source(%dma_start3A_40 : memref<128xi32, #tpu.memory_space<hbm>>) target(%arg7 : memref<128xi32, #tpu.memory_space<vmem>>) target_semaphore(%arg15 : memref<!tpu.dma_semaphore, #tpu.memory_space<semaphore_mem>>)
    %dma_start3A_41 = arith.constant 0 : i32
    %dma_start3A_42 = tpu.memref_slice %arg3[%add3A_38, %dma_start3A_41] : memref<163840x128xf32, #tpu.memory_space<hbm>> -> memref<128x128xf32, #tpu.memory_space<hbm>>
    %dma_start3A_43 = arith.constant 0 : i32
    %dma_start3A_44 = tpu.memref_slice %arg3[%add3A_38, %dma_start3A_43] : memref<163840x128xf32, #tpu.memory_space<hbm>> -> memref<128x128xf32, #tpu.memory_space<hbm>>
    tpu.enqueue_dma source(%dma_start3A_44 : memref<128x128xf32, #tpu.memory_space<hbm>>) target(%arg8 : memref<128x128xf32, #tpu.memory_space<vmem>>) target_semaphore(%arg16 : memref<!tpu.dma_semaphore, #tpu.memory_space<semaphore_mem>>)
    %add3A_45 = arith.constant 256 : i32
    %add3A_46 = arith.addi %mul3A_2, %add3A_45 : i32
    %dma_start3A_47 = tpu.memref_slice %arg2[%add3A_46] : memref<160000xi32, #tpu.memory_space<hbm>> -> memref<128xi32, #tpu.memory_space<hbm>>
    %dma_start3A_48 = tpu.memref_slice %arg2[%add3A_46] : memref<160000xi32, #tpu.memory_space<hbm>> -> memref<128xi32, #tpu.memory_space<hbm>>
    tpu.enqueue_dma source(%dma_start3A_48 : memref<128xi32, #tpu.memory_space<hbm>>) target(%arg9 : memref<128xi32, #tpu.memory_space<vmem>>) target_semaphore(%arg17 : memref<!tpu.dma_semaphore, #tpu.memory_space<semaphore_mem>>)
    %dma_start3A_49 = arith.constant 0 : i32
    %dma_start3A_50 = tpu.memref_slice %arg3[%add3A_46, %dma_start3A_49] : memref<163840x128xf32, #tpu.memory_space<hbm>> -> memref<128x128xf32, #tpu.memory_space<hbm>>
    %dma_start3A_51 = arith.constant 0 : i32
    %dma_start3A_52 = tpu.memref_slice %arg3[%add3A_46, %dma_start3A_51] : memref<163840x128xf32, #tpu.memory_space<hbm>> -> memref<128x128xf32, #tpu.memory_space<hbm>>
    tpu.enqueue_dma source(%dma_start3A_52 : memref<128x128xf32, #tpu.memory_space<hbm>>) target(%arg10 : memref<128x128xf32, #tpu.memory_space<vmem>>) target_semaphore(%arg18 : memref<!tpu.dma_semaphore, #tpu.memory_space<semaphore_mem>>)
    %scan3A_53 = arith.constant 0 : i32
    %scan3A_54 = arith.constant 0 : i32
    %scan3A_55 = arith.constant 13 : i32
    %scan3A_56 = arith.addi %scan3A_54, %scan3A_55 : i32
    %scan3A_57 = arith.constant 1 : i32
    scf.for %scan3A_87 = %scan3A_54 to %scan3A_56 step %scan3A_57  : i32 {
      %mul3A_88 = arith.constant 3 : i32
      %mul3A_89 = arith.muli %scan3A_87, %mul3A_88 : i32
      %add3A_90 = arith.constant 0 : i32
      %add3A_91 = arith.addi %mul3A_89, %add3A_90 : i32
      %dma_wait3A = tpu.memref_slice %arg2[%mul3A_2] : memref<160000xi32, #tpu.memory_space<hbm>> -> memref<128xi32, #tpu.memory_space<hbm>>
      %dma_wait3A_92 = tpu.memref_slice %arg2[%mul3A_2] : memref<160000xi32, #tpu.memory_space<hbm>> -> memref<128xi32, #tpu.memory_space<hbm>>
      tpu.wait_dma2 semaphore(%arg13 : memref<!tpu.dma_semaphore, #tpu.memory_space<semaphore_mem>>) src(%dma_wait3A_92 : memref<128xi32, #tpu.memory_space<hbm>>) dst(%arg5 : memref<128xi32, #tpu.memory_space<vmem>>)
      %dma_wait3A_93 = arith.constant 0 : i32
      %dma_wait3A_94 = tpu.memref_slice %arg3[%mul3A_2, %dma_wait3A_93] : memref<163840x128xf32, #tpu.memory_space<hbm>> -> memref<128x128xf32, #tpu.memory_space<hbm>>
      %dma_wait3A_95 = arith.constant 0 : i32
      %dma_wait3A_96 = tpu.memref_slice %arg3[%mul3A_2, %dma_wait3A_95] : memref<163840x128xf32, #tpu.memory_space<hbm>> -> memref<128x128xf32, #tpu.memory_space<hbm>>
      tpu.wait_dma2 semaphore(%arg14 : memref<!tpu.dma_semaphore, #tpu.memory_space<semaphore_mem>>) src(%dma_wait3A_96 : memref<128x128xf32, #tpu.memory_space<hbm>>) dst(%arg6 : memref<128x128xf32, #tpu.memory_space<vmem>>)
      "tpu.region"() ({
        %run_scoped3A = tpu.sem_alloc : memref<!tpu.dma_semaphore, #tpu.memory_space<semaphore_mem>>
        %dma_start3A_137 = arith.constant 0 : i32
        %dma_start3A_138 = arith.constant 0 : i32
        %dma_start3A_139 = tpu.memref_slice %arg19[%dma_start3A_137, %dma_start3A_138] : memref<10000x128xf32, #tpu.memory_space<vmem_shared>> -> memref<10000x128xf32, #tpu.memory_space<vmem_shared>>
        tpu.enqueue_indirect_dma source(%arg6 : memref<128x128xf32, #tpu.memory_space<vmem>>) target(%dma_start3A_139 : memref<10000x128xf32, #tpu.memory_space<vmem_shared>>) offsets(%arg5 : memref<128xi32, #tpu.memory_space<vmem>>) semaphore(%run_scoped3A : memref<!tpu.dma_semaphore, #tpu.memory_space<semaphore_mem>>) {add = true}
        %dma_wait3A_140 = arith.constant 0 : i32
        %dma_wait3A_141 = arith.constant 0 : i32
        %dma_wait3A_142 = tpu.memref_slice %arg19[%dma_wait3A_140, %dma_wait3A_141] : memref<10000x128xf32, #tpu.memory_space<vmem_shared>> -> memref<10000x128xf32, #tpu.memory_space<vmem_shared>>
        tpu.wait_indirect_dma semaphore(%run_scoped3A : memref<!tpu.dma_semaphore, #tpu.memory_space<semaphore_mem>>) src(%arg6 : memref<128x128xf32, #tpu.memory_space<vmem>>) dst(%dma_wait3A_142 : memref<10000x128xf32, #tpu.memory_space<vmem_shared>>)
        tpu.yield
      }) : () -> ()
      %add3A_97 = arith.constant 3 : i32
      %add3A_98 = arith.addi %add3A_91, %add3A_97 : i32
      %lt3A = arith.constant 39 : i32
      %lt3A_99 = arith.cmpi slt, %add3A_98, %lt3A : i32
      %convert_element_type3A_100 = arith.extui %lt3A_99 : i1 to i32
      %cond3A_101 = arith.constant 0 : i32
      %cond3A_102 = arith.cmpi ne, %convert_element_type3A_100, %cond3A_101 : i32
      scf.if %cond3A_102 {
        %add3A_137 = arith.constant 3 : i32
        %add3A_138 = arith.addi %add3A_91, %add3A_137 : i32
        %mul3A_139 = arith.constant 128 : i32
        %mul3A_140 = arith.muli %add3A_138, %mul3A_139 : i32
        %add3A_141 = arith.addi %mul3A_2, %mul3A_140 : i32
        %dma_start3A_142 = tpu.memref_slice %arg2[%add3A_141] : memref<160000xi32, #tpu.memory_space<hbm>> -> memref<128xi32, #tpu.memory_space<hbm>>
        %dma_start3A_143 = tpu.memref_slice %arg2[%add3A_141] : memref<160000xi32, #tpu.memory_space<hbm>> -> memref<128xi32, #tpu.memory_space<hbm>>
        tpu.enqueue_dma source(%dma_start3A_143 : memref<128xi32, #tpu.memory_space<hbm>>) target(%arg5 : memref<128xi32, #tpu.memory_space<vmem>>) target_semaphore(%arg13 : memref<!tpu.dma_semaphore, #tpu.memory_space<semaphore_mem>>)
        %dma_start3A_144 = arith.constant 0 : i32
        %dma_start3A_145 = tpu.memref_slice %arg3[%add3A_141, %dma_start3A_144] : memref<163840x128xf32, #tpu.memory_space<hbm>> -> memref<128x128xf32, #tpu.memory_space<hbm>>
        %dma_start3A_146 = arith.constant 0 : i32
        %dma_start3A_147 = tpu.memref_slice %arg3[%add3A_141, %dma_start3A_146] : memref<163840x128xf32, #tpu.memory_space<hbm>> -> memref<128x128xf32, #tpu.memory_space<hbm>>
        tpu.enqueue_dma source(%dma_start3A_147 : memref<128x128xf32, #tpu.memory_space<hbm>>) target(%arg6 : memref<128x128xf32, #tpu.memory_space<vmem>>) target_semaphore(%arg14 : memref<!tpu.dma_semaphore, #tpu.memory_space<semaphore_mem>>)
      } else {
      }
      %mul3A_103 = arith.constant 3 : i32
      %mul3A_104 = arith.muli %scan3A_87, %mul3A_103 : i32
      %add3A_105 = arith.constant 1 : i32
      %add3A_106 = arith.addi %mul3A_104, %add3A_105 : i32
      %dma_wait3A_107 = tpu.memref_slice %arg2[%mul3A_2] : memref<160000xi32, #tpu.memory_space<hbm>> -> memref<128xi32, #tpu.memory_space<hbm>>
      %dma_wait3A_108 = tpu.memref_slice %arg2[%mul3A_2] : memref<160000xi32, #tpu.memory_space<hbm>> -> memref<128xi32, #tpu.memory_space<hbm>>
      tpu.wait_dma2 semaphore(%arg15 : memref<!tpu.dma_semaphore, #tpu.memory_space<semaphore_mem>>) src(%dma_wait3A_108 : memref<128xi32, #tpu.memory_space<hbm>>) dst(%arg7 : memref<128xi32, #tpu.memory_space<vmem>>)
      %dma_wait3A_109 = arith.constant 0 : i32
      %dma_wait3A_110 = tpu.memref_slice %arg3[%mul3A_2, %dma_wait3A_109] : memref<163840x128xf32, #tpu.memory_space<hbm>> -> memref<128x128xf32, #tpu.memory_space<hbm>>
      %dma_wait3A_111 = arith.constant 0 : i32
      %dma_wait3A_112 = tpu.memref_slice %arg3[%mul3A_2, %dma_wait3A_111] : memref<163840x128xf32, #tpu.memory_space<hbm>> -> memref<128x128xf32, #tpu.memory_space<hbm>>
      tpu.wait_dma2 semaphore(%arg16 : memref<!tpu.dma_semaphore, #tpu.memory_space<semaphore_mem>>) src(%dma_wait3A_112 : memref<128x128xf32, #tpu.memory_space<hbm>>) dst(%arg8 : memref<128x128xf32, #tpu.memory_space<vmem>>)
      "tpu.region"() ({
        %run_scoped3A = tpu.sem_alloc : memref<!tpu.dma_semaphore, #tpu.memory_space<semaphore_mem>>
        %dma_start3A_137 = arith.constant 0 : i32
        %dma_start3A_138 = arith.constant 0 : i32
        %dma_start3A_139 = tpu.memref_slice %arg19[%dma_start3A_137, %dma_start3A_138] : memref<10000x128xf32, #tpu.memory_space<vmem_shared>> -> memref<10000x128xf32, #tpu.memory_space<vmem_shared>>
        tpu.enqueue_indirect_dma source(%arg8 : memref<128x128xf32, #tpu.memory_space<vmem>>) target(%dma_start3A_139 : memref<10000x128xf32, #tpu.memory_space<vmem_shared>>) offsets(%arg7 : memref<128xi32, #tpu.memory_space<vmem>>) semaphore(%run_scoped3A : memref<!tpu.dma_semaphore, #tpu.memory_space<semaphore_mem>>) {add = true}
        %dma_wait3A_140 = arith.constant 0 : i32
        %dma_wait3A_141 = arith.constant 0 : i32
        %dma_wait3A_142 = tpu.memref_slice %arg19[%dma_wait3A_140, %dma_wait3A_141] : memref<10000x128xf32, #tpu.memory_space<vmem_shared>> -> memref<10000x128xf32, #tpu.memory_space<vmem_shared>>
        tpu.wait_indirect_dma semaphore(%run_scoped3A : memref<!tpu.dma_semaphore, #tpu.memory_space<semaphore_mem>>) src(%arg8 : memref<128x128xf32, #tpu.memory_space<vmem>>) dst(%dma_wait3A_142 : memref<10000x128xf32, #tpu.memory_space<vmem_shared>>)
        tpu.yield
      }) : () -> ()
      %add3A_113 = arith.constant 3 : i32
      %add3A_114 = arith.addi %add3A_106, %add3A_113 : i32
      %lt3A_115 = arith.constant 39 : i32
      %lt3A_116 = arith.cmpi slt, %add3A_114, %lt3A_115 : i32
      %convert_element_type3A_117 = arith.extui %lt3A_116 : i1 to i32
      %cond3A_118 = arith.constant 0 : i32
      %cond3A_119 = arith.cmpi ne, %convert_element_type3A_117, %cond3A_118 : i32
      scf.if %cond3A_119 {
        %add3A_137 = arith.constant 3 : i32
        %add3A_138 = arith.addi %add3A_106, %add3A_137 : i32
        %mul3A_139 = arith.constant 128 : i32
        %mul3A_140 = arith.muli %add3A_138, %mul3A_139 : i32
        %add3A_141 = arith.addi %mul3A_2, %mul3A_140 : i32
        %dma_start3A_142 = tpu.memref_slice %arg2[%add3A_141] : memref<160000xi32, #tpu.memory_space<hbm>> -> memref<128xi32, #tpu.memory_space<hbm>>
        %dma_start3A_143 = tpu.memref_slice %arg2[%add3A_141] : memref<160000xi32, #tpu.memory_space<hbm>> -> memref<128xi32, #tpu.memory_space<hbm>>
        tpu.enqueue_dma source(%dma_start3A_143 : memref<128xi32, #tpu.memory_space<hbm>>) target(%arg7 : memref<128xi32, #tpu.memory_space<vmem>>) target_semaphore(%arg15 : memref<!tpu.dma_semaphore, #tpu.memory_space<semaphore_mem>>)
        %dma_start3A_144 = arith.constant 0 : i32
        %dma_start3A_145 = tpu.memref_slice %arg3[%add3A_141, %dma_start3A_144] : memref<163840x128xf32, #tpu.memory_space<hbm>> -> memref<128x128xf32, #tpu.memory_space<hbm>>
        %dma_start3A_146 = arith.constant 0 : i32
        %dma_start3A_147 = tpu.memref_slice %arg3[%add3A_141, %dma_start3A_146] : memref<163840x128xf32, #tpu.memory_space<hbm>> -> memref<128x128xf32, #tpu.memory_space<hbm>>
        tpu.enqueue_dma source(%dma_start3A_147 : memref<128x128xf32, #tpu.memory_space<hbm>>) target(%arg8 : memref<128x128xf32, #tpu.memory_space<vmem>>) target_semaphore(%arg16 : memref<!tpu.dma_semaphore, #tpu.memory_space<semaphore_mem>>)
      } else {
      }
      %mul3A_120 = arith.constant 3 : i32
      %mul3A_121 = arith.muli %scan3A_87, %mul3A_120 : i32
      %add3A_122 = arith.constant 2 : i32
      %add3A_123 = arith.addi %mul3A_121, %add3A_122 : i32
      %dma_wait3A_124 = tpu.memref_slice %arg2[%mul3A_2] : memref<160000xi32, #tpu.memory_space<hbm>> -> memref<128xi32, #tpu.memory_space<hbm>>
      %dma_wait3A_125 = tpu.memref_slice %arg2[%mul3A_2] : memref<160000xi32, #tpu.memory_space<hbm>> -> memref<128xi32, #tpu.memory_space<hbm>>
      tpu.wait_dma2 semaphore(%arg17 : memref<!tpu.dma_semaphore, #tpu.memory_space<semaphore_mem>>) src(%dma_wait3A_125 : memref<128xi32, #tpu.memory_space<hbm>>) dst(%arg9 : memref<128xi32, #tpu.memory_space<vmem>>)
      %dma_wait3A_126 = arith.constant 0 : i32
      %dma_wait3A_127 = tpu.memref_slice %arg3[%mul3A_2, %dma_wait3A_126] : memref<163840x128xf32, #tpu.memory_space<hbm>> -> memref<128x128xf32, #tpu.memory_space<hbm>>
      %dma_wait3A_128 = arith.constant 0 : i32
      %dma_wait3A_129 = tpu.memref_slice %arg3[%mul3A_2, %dma_wait3A_128] : memref<163840x128xf32, #tpu.memory_space<hbm>> -> memref<128x128xf32, #tpu.memory_space<hbm>>
      tpu.wait_dma2 semaphore(%arg18 : memref<!tpu.dma_semaphore, #tpu.memory_space<semaphore_mem>>) src(%dma_wait3A_129 : memref<128x128xf32, #tpu.memory_space<hbm>>) dst(%arg10 : memref<128x128xf32, #tpu.memory_space<vmem>>)
      "tpu.region"() ({
        %run_scoped3A = tpu.sem_alloc : memref<!tpu.dma_semaphore, #tpu.memory_space<semaphore_mem>>
        %dma_start3A_137 = arith.constant 0 : i32
        %dma_start3A_138 = arith.constant 0 : i32
        %dma_start3A_139 = tpu.memref_slice %arg19[%dma_start3A_137, %dma_start3A_138] : memref<10000x128xf32, #tpu.memory_space<vmem_shared>> -> memref<10000x128xf32, #tpu.memory_space<vmem_shared>>
        tpu.enqueue_indirect_dma source(%arg10 : memref<128x128xf32, #tpu.memory_space<vmem>>) target(%dma_start3A_139 : memref<10000x128xf32, #tpu.memory_space<vmem_shared>>) offsets(%arg9 : memref<128xi32, #tpu.memory_space<vmem>>) semaphore(%run_scoped3A : memref<!tpu.dma_semaphore, #tpu.memory_space<semaphore_mem>>) {add = true}
        %dma_wait3A_140 = arith.constant 0 : i32
        %dma_wait3A_141 = arith.constant 0 : i32
        %dma_wait3A_142 = tpu.memref_slice %arg19[%dma_wait3A_140, %dma_wait3A_141] : memref<10000x128xf32, #tpu.memory_space<vmem_shared>> -> memref<10000x128xf32, #tpu.memory_space<vmem_shared>>
        tpu.wait_indirect_dma semaphore(%run_scoped3A : memref<!tpu.dma_semaphore, #tpu.memory_space<semaphore_mem>>) src(%arg10 : memref<128x128xf32, #tpu.memory_space<vmem>>) dst(%dma_wait3A_142 : memref<10000x128xf32, #tpu.memory_space<vmem_shared>>)
        tpu.yield
      }) : () -> ()
      %add3A_130 = arith.constant 3 : i32
      %add3A_131 = arith.addi %add3A_123, %add3A_130 : i32
      %lt3A_132 = arith.constant 39 : i32
      %lt3A_133 = arith.cmpi slt, %add3A_131, %lt3A_132 : i32
      %convert_element_type3A_134 = arith.extui %lt3A_133 : i1 to i32
      %cond3A_135 = arith.constant 0 : i32
      %cond3A_136 = arith.cmpi ne, %convert_element_type3A_134, %cond3A_135 : i32
      scf.if %cond3A_136 {
        %add3A_137 = arith.constant 3 : i32
        %add3A_138 = arith.addi %add3A_123, %add3A_137 : i32
        %mul3A_139 = arith.constant 128 : i32
        %mul3A_140 = arith.muli %add3A_138, %mul3A_139 : i32
        %add3A_141 = arith.addi %mul3A_2, %mul3A_140 : i32
        %dma_start3A_142 = tpu.memref_slice %arg2[%add3A_141] : memref<160000xi32, #tpu.memory_space<hbm>> -> memref<128xi32, #tpu.memory_space<hbm>>
        %dma_start3A_143 = tpu.memref_slice %arg2[%add3A_141] : memref<160000xi32, #tpu.memory_space<hbm>> -> memref<128xi32, #tpu.memory_space<hbm>>
        tpu.enqueue_dma source(%dma_start3A_143 : memref<128xi32, #tpu.memory_space<hbm>>) target(%arg9 : memref<128xi32, #tpu.memory_space<vmem>>) target_semaphore(%arg17 : memref<!tpu.dma_semaphore, #tpu.memory_space<semaphore_mem>>)
        %dma_start3A_144 = arith.constant 0 : i32
        %dma_start3A_145 = tpu.memref_slice %arg3[%add3A_141, %dma_start3A_144] : memref<163840x128xf32, #tpu.memory_space<hbm>> -> memref<128x128xf32, #tpu.memory_space<hbm>>
        %dma_start3A_146 = arith.constant 0 : i32
        %dma_start3A_147 = tpu.memref_slice %arg3[%add3A_141, %dma_start3A_146] : memref<163840x128xf32, #tpu.memory_space<hbm>> -> memref<128x128xf32, #tpu.memory_space<hbm>>
        tpu.enqueue_dma source(%dma_start3A_147 : memref<128x128xf32, #tpu.memory_space<hbm>>) target(%arg10 : memref<128x128xf32, #tpu.memory_space<vmem>>) target_semaphore(%arg18 : memref<!tpu.dma_semaphore, #tpu.memory_space<semaphore_mem>>)
      } else {
      }
    }
    %scan3A_58 = arith.constant 13 : i32
    %add3A_59 = arith.constant 4992 : i32
    %add3A_60 = arith.addi %mul3A_2, %add3A_59 : i32
    "tpu.region"() ({
      %run_scoped3A = tpu.sem_alloc : memref<!tpu.dma_semaphore, #tpu.memory_space<semaphore_mem>>
      %dma_start3A_87 = tpu.memref_slice %arg2[%add3A_60] : memref<160000xi32, #tpu.memory_space<hbm>> -> memref<8xi32, #tpu.memory_space<hbm>>
      %dma_start3A_88 = tpu.memref_slice %arg2[%add3A_60] : memref<160000xi32, #tpu.memory_space<hbm>> -> memref<8xi32, #tpu.memory_space<hbm>>
      tpu.enqueue_dma source(%dma_start3A_88 : memref<8xi32, #tpu.memory_space<hbm>>) target(%arg11 : memref<8xi32, #tpu.memory_space<vmem>>) target_semaphore(%run_scoped3A : memref<!tpu.dma_semaphore, #tpu.memory_space<semaphore_mem>>)
      %dma_wait3A = tpu.memref_slice %arg2[%add3A_60] : memref<160000xi32, #tpu.memory_space<hbm>> -> memref<8xi32, #tpu.memory_space<hbm>>
      %dma_wait3A_89 = tpu.memref_slice %arg2[%add3A_60] : memref<160000xi32, #tpu.memory_space<hbm>> -> memref<8xi32, #tpu.memory_space<hbm>>
      tpu.wait_dma2 semaphore(%run_scoped3A : memref<!tpu.dma_semaphore, #tpu.memory_space<semaphore_mem>>) src(%dma_wait3A_89 : memref<8xi32, #tpu.memory_space<hbm>>) dst(%arg11 : memref<8xi32, #tpu.memory_space<vmem>>)
      tpu.yield
    }) : () -> ()
    "tpu.region"() ({
      %run_scoped3A = tpu.sem_alloc : memref<!tpu.dma_semaphore, #tpu.memory_space<semaphore_mem>>
      %dma_start3A_87 = arith.constant 0 : i32
      %dma_start3A_88 = tpu.memref_slice %arg3[%add3A_60, %dma_start3A_87] : memref<163840x128xf32, #tpu.memory_space<hbm>> -> memref<8x128xf32, #tpu.memory_space<hbm>>
      %dma_start3A_89 = arith.constant 0 : i32
      %dma_start3A_90 = tpu.memref_slice %arg3[%add3A_60, %dma_start3A_89] : memref<163840x128xf32, #tpu.memory_space<hbm>> -> memref<8x128xf32, #tpu.memory_space<hbm>>
      tpu.enqueue_dma source(%dma_start3A_90 : memref<8x128xf32, #tpu.memory_space<hbm>>) target(%arg12 : memref<8x128xf32, #tpu.memory_space<vmem>>) target_semaphore(%run_scoped3A : memref<!tpu.dma_semaphore, #tpu.memory_space<semaphore_mem>>)
      %dma_wait3A = arith.constant 0 : i32
      %dma_wait3A_91 = tpu.memref_slice %arg3[%add3A_60, %dma_wait3A] : memref<163840x128xf32, #tpu.memory_space<hbm>> -> memref<8x128xf32, #tpu.memory_space<hbm>>
      %dma_wait3A_92 = arith.constant 0 : i32
      %dma_wait3A_93 = tpu.memref_slice %arg3[%add3A_60, %dma_wait3A_92] : memref<163840x128xf32, #tpu.memory_space<hbm>> -> memref<8x128xf32, #tpu.memory_space<hbm>>
      tpu.wait_dma2 semaphore(%run_scoped3A : memref<!tpu.dma_semaphore, #tpu.memory_space<semaphore_mem>>) src(%dma_wait3A_93 : memref<8x128xf32, #tpu.memory_space<hbm>>) dst(%arg12 : memref<8x128xf32, #tpu.memory_space<vmem>>)
      tpu.yield
    }) : () -> ()
    "tpu.region"() ({
      %run_scoped3A = tpu.sem_alloc : memref<!tpu.dma_semaphore, #tpu.memory_space<semaphore_mem>>
      %dma_start3A_87 = arith.constant 0 : i32
      %dma_start3A_88 = arith.constant 0 : i32
      %dma_start3A_89 = tpu.memref_slice %arg19[%dma_start3A_87, %dma_start3A_88] : memref<10000x128xf32, #tpu.memory_space<vmem_shared>> -> memref<10000x128xf32, #tpu.memory_space<vmem_shared>>
      tpu.enqueue_indirect_dma source(%arg12 : memref<8x128xf32, #tpu.memory_space<vmem>>) target(%dma_start3A_89 : memref<10000x128xf32, #tpu.memory_space<vmem_shared>>) offsets(%arg11 : memref<8xi32, #tpu.memory_space<vmem>>) semaphore(%run_scoped3A : memref<!tpu.dma_semaphore, #tpu.memory_space<semaphore_mem>>) {add = true}
      %dma_wait3A = arith.constant 0 : i32
      %dma_wait3A_90 = arith.constant 0 : i32
      %dma_wait3A_91 = tpu.memref_slice %arg19[%dma_wait3A, %dma_wait3A_90] : memref<10000x128xf32, #tpu.memory_space<vmem_shared>> -> memref<10000x128xf32, #tpu.memory_space<vmem_shared>>
      tpu.wait_indirect_dma semaphore(%run_scoped3A : memref<!tpu.dma_semaphore, #tpu.memory_space<semaphore_mem>>) src(%arg12 : memref<8x128xf32, #tpu.memory_space<vmem>>) dst(%dma_wait3A_91 : memref<10000x128xf32, #tpu.memory_space<vmem_shared>>)
      tpu.yield
    }) : () -> ()
    %barrier3A_61 = arith.constant 0 : index
    tpu.barrier barrier_id(%barrier3A_61)
    %mul3A_62 = arith.constant 624 : i32
    %mul3A_63 = arith.muli %arg1, %mul3A_62 : i32
    %add3A_64 = arith.constant 0 : i32
    %add3A_65 = arith.addi %mul3A_63, %add3A_64 : i32
    "tpu.region"() ({
      %run_scoped3A = tpu.sem_alloc : memref<!tpu.dma_semaphore, #tpu.memory_space<semaphore_mem>>
      %dma_start3A_87 = arith.constant 0 : i32
      %dma_start3A_88 = arith.constant 0 : i32
      %dma_start3A_89 = tpu.memref_slice %arg6[%dma_start3A_87, %dma_start3A_88] : memref<128x128xf32, #tpu.memory_space<vmem>> -> memref<128x128xf32, #tpu.memory_space<vmem>>
      %dma_start3A_90 = arith.constant 0 : i32
      %dma_start3A_91 = tpu.memref_slice %arg19[%add3A_65, %dma_start3A_90] : memref<10000x128xf32, #tpu.memory_space<vmem_shared>> -> memref<128x128xf32, #tpu.memory_space<vmem_shared>>
      %dma_start3A_92 = arith.constant 0 : i32
      %dma_start3A_93 = arith.constant 0 : i32
      %dma_start3A_94 = tpu.memref_slice %arg6[%dma_start3A_92, %dma_start3A_93] : memref<128x128xf32, #tpu.memory_space<vmem>> -> memref<128x128xf32, #tpu.memory_space<vmem>>
      %dma_start3A_95 = arith.constant 0 : i32
      %dma_start3A_96 = tpu.memref_slice %arg19[%add3A_65, %dma_start3A_95] : memref<10000x128xf32, #tpu.memory_space<vmem_shared>> -> memref<128x128xf32, #tpu.memory_space<vmem_shared>>
      tpu.enqueue_dma source(%dma_start3A_96 : memref<128x128xf32, #tpu.memory_space<vmem_shared>>) target(%dma_start3A_94 : memref<128x128xf32, #tpu.memory_space<vmem>>) target_semaphore(%run_scoped3A : memref<!tpu.dma_semaphore, #tpu.memory_space<semaphore_mem>>)
      %dma_wait3A = arith.constant 0 : i32
      %dma_wait3A_97 = arith.constant 0 : i32
      %dma_wait3A_98 = tpu.memref_slice %arg6[%dma_wait3A, %dma_wait3A_97] : memref<128x128xf32, #tpu.memory_space<vmem>> -> memref<128x128xf32, #tpu.memory_space<vmem>>
      %dma_wait3A_99 = arith.constant 0 : i32
      %dma_wait3A_100 = tpu.memref_slice %arg19[%add3A_65, %dma_wait3A_99] : memref<10000x128xf32, #tpu.memory_space<vmem_shared>> -> memref<128x128xf32, #tpu.memory_space<vmem_shared>>
      %dma_wait3A_101 = arith.constant 0 : i32
      %dma_wait3A_102 = arith.constant 0 : i32
      %dma_wait3A_103 = tpu.memref_slice %arg6[%dma_wait3A_101, %dma_wait3A_102] : memref<128x128xf32, #tpu.memory_space<vmem>> -> memref<128x128xf32, #tpu.memory_space<vmem>>
      %dma_wait3A_104 = arith.constant 0 : i32
      %dma_wait3A_105 = tpu.memref_slice %arg19[%add3A_65, %dma_wait3A_104] : memref<10000x128xf32, #tpu.memory_space<vmem_shared>> -> memref<128x128xf32, #tpu.memory_space<vmem_shared>>
      tpu.wait_dma2 semaphore(%run_scoped3A : memref<!tpu.dma_semaphore, #tpu.memory_space<semaphore_mem>>) src(%dma_wait3A_105 : memref<128x128xf32, #tpu.memory_space<vmem_shared>>) dst(%dma_wait3A_103 : memref<128x128xf32, #tpu.memory_space<vmem>>)
      tpu.yield
    }) : () -> ()
    "tpu.region"() ({
      %run_scoped3A = tpu.sem_alloc : memref<!tpu.dma_semaphore, #tpu.memory_space<semaphore_mem>>
      %dma_start3A_87 = arith.constant 0 : i32
      %dma_start3A_88 = arith.constant 0 : i32
      %dma_start3A_89 = tpu.memref_slice %arg6[%dma_start3A_87, %dma_start3A_88] : memref<128x128xf32, #tpu.memory_space<vmem>> -> memref<128x128xf32, #tpu.memory_space<vmem>>
      %dma_start3A_90 = arith.constant 0 : i32
      %dma_start3A_91 = tpu.memref_slice %arg4[%arg0, %add3A_65, %dma_start3A_90] : memref<2x10000x128xf32, #tpu.memory_space<hbm>> -> memref<1x128x128xf32, #tpu.memory_space<hbm>>
      %dma_start3A_92 = tpu.memref_squeeze %dma_start3A_91 : memref<1x128x128xf32, #tpu.memory_space<hbm>> -> memref<128x128xf32, #tpu.memory_space<hbm>>
      %dma_start3A_93 = arith.constant 0 : i32
      %dma_start3A_94 = tpu.memref_slice %arg4[%arg0, %add3A_65, %dma_start3A_93] : memref<2x10000x128xf32, #tpu.memory_space<hbm>> -> memref<1x128x128xf32, #tpu.memory_space<hbm>>
      %dma_start3A_95 = tpu.memref_squeeze %dma_start3A_94 : memref<1x128x128xf32, #tpu.memory_space<hbm>> -> memref<128x128xf32, #tpu.memory_space<hbm>>
      %dma_start3A_96 = arith.constant 0 : i32
      %dma_start3A_97 = arith.constant 0 : i32
      %dma_start3A_98 = tpu.memref_slice %arg6[%dma_start3A_96, %dma_start3A_97] : memref<128x128xf32, #tpu.memory_space<vmem>> -> memref<128x128xf32, #tpu.memory_space<vmem>>
      tpu.enqueue_dma source(%dma_start3A_98 : memref<128x128xf32, #tpu.memory_space<vmem>>) target(%dma_start3A_95 : memref<128x128xf32, #tpu.memory_space<hbm>>) target_semaphore(%run_scoped3A : memref<!tpu.dma_semaphore, #tpu.memory_space<semaphore_mem>>)
      %dma_wait3A = arith.constant 0 : i32
      %dma_wait3A_99 = arith.constant 0 : i32
      %dma_wait3A_100 = tpu.memref_slice %arg6[%dma_wait3A, %dma_wait3A_99] : memref<128x128xf32, #tpu.memory_space<vmem>> -> memref<128x128xf32, #tpu.memory_space<vmem>>
      %dma_wait3A_101 = arith.constant 0 : i32
      %dma_wait3A_102 = tpu.memref_slice %arg4[%arg0, %add3A_65, %dma_wait3A_101] : memref<2x10000x128xf32, #tpu.memory_space<hbm>> -> memref<1x128x128xf32, #tpu.memory_space<hbm>>
      %dma_wait3A_103 = tpu.memref_squeeze %dma_wait3A_102 : memref<1x128x128xf32, #tpu.memory_space<hbm>> -> memref<128x128xf32, #tpu.memory_space<hbm>>
      %dma_wait3A_104 = arith.constant 0 : i32
      %dma_wait3A_105 = tpu.memref_slice %arg4[%arg0, %add3A_65, %dma_wait3A_104] : memref<2x10000x128xf32, #tpu.memory_space<hbm>> -> memref<1x128x128xf32, #tpu.memory_space<hbm>>
      %dma_wait3A_106 = tpu.memref_squeeze %dma_wait3A_105 : memref<1x128x128xf32, #tpu.memory_space<hbm>> -> memref<128x128xf32, #tpu.memory_space<hbm>>
      %dma_wait3A_107 = arith.constant 0 : i32
      %dma_wait3A_108 = arith.constant 0 : i32
      %dma_wait3A_109 = tpu.memref_slice %arg6[%dma_wait3A_107, %dma_wait3A_108] : memref<128x128xf32, #tpu.memory_space<vmem>> -> memref<128x128xf32, #tpu.memory_space<vmem>>
      tpu.wait_dma2 semaphore(%run_scoped3A : memref<!tpu.dma_semaphore, #tpu.memory_space<semaphore_mem>>) src(%dma_wait3A_109 : memref<128x128xf32, #tpu.memory_space<vmem>>) dst(%dma_wait3A_106 : memref<128x128xf32, #tpu.memory_space<hbm>>)
      tpu.yield
    }) : () -> ()
    %mul3A_66 = arith.constant 624 : i32
    %mul3A_67 = arith.muli %arg1, %mul3A_66 : i32
    %add3A_68 = arith.constant 128 : i32
    %add3A_69 = arith.addi %mul3A_67, %add3A_68 : i32
    "tpu.region"() ({
      %run_scoped3A = tpu.sem_alloc : memref<!tpu.dma_semaphore, #tpu.memory_space<semaphore_mem>>
      %dma_start3A_87 = arith.constant 0 : i32
      %dma_start3A_88 = arith.constant 0 : i32
      %dma_start3A_89 = tpu.memref_slice %arg6[%dma_start3A_87, %dma_start3A_88] : memref<128x128xf32, #tpu.memory_space<vmem>> -> memref<128x128xf32, #tpu.memory_space<vmem>>
      %dma_start3A_90 = arith.constant 0 : i32
      %dma_start3A_91 = tpu.memref_slice %arg19[%add3A_69, %dma_start3A_90] : memref<10000x128xf32, #tpu.memory_space<vmem_shared>> -> memref<128x128xf32, #tpu.memory_space<vmem_shared>>
      %dma_start3A_92 = arith.constant 0 : i32
      %dma_start3A_93 = arith.constant 0 : i32
      %dma_start3A_94 = tpu.memref_slice %arg6[%dma_start3A_92, %dma_start3A_93] : memref<128x128xf32, #tpu.memory_space<vmem>> -> memref<128x128xf32, #tpu.memory_space<vmem>>
      %dma_start3A_95 = arith.constant 0 : i32
      %dma_start3A_96 = tpu.memref_slice %arg19[%add3A_69, %dma_start3A_95] : memref<10000x128xf32, #tpu.memory_space<vmem_shared>> -> memref<128x128xf32, #tpu.memory_space<vmem_shared>>
      tpu.enqueue_dma source(%dma_start3A_96 : memref<128x128xf32, #tpu.memory_space<vmem_shared>>) target(%dma_start3A_94 : memref<128x128xf32, #tpu.memory_space<vmem>>) target_semaphore(%run_scoped3A : memref<!tpu.dma_semaphore, #tpu.memory_space<semaphore_mem>>)
      %dma_wait3A = arith.constant 0 : i32
      %dma_wait3A_97 = arith.constant 0 : i32
      %dma_wait3A_98 = tpu.memref_slice %arg6[%dma_wait3A, %dma_wait3A_97] : memref<128x128xf32, #tpu.memory_space<vmem>> -> memref<128x128xf32, #tpu.memory_space<vmem>>
      %dma_wait3A_99 = arith.constant 0 : i32
      %dma_wait3A_100 = tpu.memref_slice %arg19[%add3A_69, %dma_wait3A_99] : memref<10000x128xf32, #tpu.memory_space<vmem_shared>> -> memref<128x128xf32, #tpu.memory_space<vmem_shared>>
      %dma_wait3A_101 = arith.constant 0 : i32
      %dma_wait3A_102 = arith.constant 0 : i32
      %dma_wait3A_103 = tpu.memref_slice %arg6[%dma_wait3A_101, %dma_wait3A_102] : memref<128x128xf32, #tpu.memory_space<vmem>> -> memref<128x128xf32, #tpu.memory_space<vmem>>
      %dma_wait3A_104 = arith.constant 0 : i32
      %dma_wait3A_105 = tpu.memref_slice %arg19[%add3A_69, %dma_wait3A_104] : memref<10000x128xf32, #tpu.memory_space<vmem_shared>> -> memref<128x128xf32, #tpu.memory_space<vmem_shared>>
      tpu.wait_dma2 semaphore(%run_scoped3A : memref<!tpu.dma_semaphore, #tpu.memory_space<semaphore_mem>>) src(%dma_wait3A_105 : memref<128x128xf32, #tpu.memory_space<vmem_shared>>) dst(%dma_wait3A_103 : memref<128x128xf32, #tpu.memory_space<vmem>>)
      tpu.yield
    }) : () -> ()
    "tpu.region"() ({
      %run_scoped3A = tpu.sem_alloc : memref<!tpu.dma_semaphore, #tpu.memory_space<semaphore_mem>>
      %dma_start3A_87 = arith.constant 0 : i32
      %dma_start3A_88 = arith.constant 0 : i32
      %dma_start3A_89 = tpu.memref_slice %arg6[%dma_start3A_87, %dma_start3A_88] : memref<128x128xf32, #tpu.memory_space<vmem>> -> memref<128x128xf32, #tpu.memory_space<vmem>>
      %dma_start3A_90 = arith.constant 0 : i32
      %dma_start3A_91 = tpu.memref_slice %arg4[%arg0, %add3A_69, %dma_start3A_90] : memref<2x10000x128xf32, #tpu.memory_space<hbm>> -> memref<1x128x128xf32, #tpu.memory_space<hbm>>
      %dma_start3A_92 = tpu.memref_squeeze %dma_start3A_91 : memref<1x128x128xf32, #tpu.memory_space<hbm>> -> memref<128x128xf32, #tpu.memory_space<hbm>>
      %dma_start3A_93 = arith.constant 0 : i32
      %dma_start3A_94 = tpu.memref_slice %arg4[%arg0, %add3A_69, %dma_start3A_93] : memref<2x10000x128xf32, #tpu.memory_space<hbm>> -> memref<1x128x128xf32, #tpu.memory_space<hbm>>
      %dma_start3A_95 = tpu.memref_squeeze %dma_start3A_94 : memref<1x128x128xf32, #tpu.memory_space<hbm>> -> memref<128x128xf32, #tpu.memory_space<hbm>>
      %dma_start3A_96 = arith.constant 0 : i32
      %dma_start3A_97 = arith.constant 0 : i32
      %dma_start3A_98 = tpu.memref_slice %arg6[%dma_start3A_96, %dma_start3A_97] : memref<128x128xf32, #tpu.memory_space<vmem>> -> memref<128x128xf32, #tpu.memory_space<vmem>>
      tpu.enqueue_dma source(%dma_start3A_98 : memref<128x128xf32, #tpu.memory_space<vmem>>) target(%dma_start3A_95 : memref<128x128xf32, #tpu.memory_space<hbm>>) target_semaphore(%run_scoped3A : memref<!tpu.dma_semaphore, #tpu.memory_space<semaphore_mem>>)
      %dma_wait3A = arith.constant 0 : i32
      %dma_wait3A_99 = arith.constant 0 : i32
      %dma_wait3A_100 = tpu.memref_slice %arg6[%dma_wait3A, %dma_wait3A_99] : memref<128x128xf32, #tpu.memory_space<vmem>> -> memref<128x128xf32, #tpu.memory_space<vmem>>
      %dma_wait3A_101 = arith.constant 0 : i32
      %dma_wait3A_102 = tpu.memref_slice %arg4[%arg0, %add3A_69, %dma_wait3A_101] : memref<2x10000x128xf32, #tpu.memory_space<hbm>> -> memref<1x128x128xf32, #tpu.memory_space<hbm>>
      %dma_wait3A_103 = tpu.memref_squeeze %dma_wait3A_102 : memref<1x128x128xf32, #tpu.memory_space<hbm>> -> memref<128x128xf32, #tpu.memory_space<hbm>>
      %dma_wait3A_104 = arith.constant 0 : i32
      %dma_wait3A_105 = tpu.memref_slice %arg4[%arg0, %add3A_69, %dma_wait3A_104] : memref<2x10000x128xf32, #tpu.memory_space<hbm>> -> memref<1x128x128xf32, #tpu.memory_space<hbm>>
      %dma_wait3A_106 = tpu.memref_squeeze %dma_wait3A_105 : memref<1x128x128xf32, #tpu.memory_space<hbm>> -> memref<128x128xf32, #tpu.memory_space<hbm>>
      %dma_wait3A_107 = arith.constant 0 : i32
      %dma_wait3A_108 = arith.constant 0 : i32
      %dma_wait3A_109 = tpu.memref_slice %arg6[%dma_wait3A_107, %dma_wait3A_108] : memref<128x128xf32, #tpu.memory_space<vmem>> -> memref<128x128xf32, #tpu.memory_space<vmem>>
      tpu.wait_dma2 semaphore(%run_scoped3A : memref<!tpu.dma_semaphore, #tpu.memory_space<semaphore_mem>>) src(%dma_wait3A_109 : memref<128x128xf32, #tpu.memory_space<vmem>>) dst(%dma_wait3A_106 : memref<128x128xf32, #tpu.memory_space<hbm>>)
      tpu.yield
    }) : () -> ()
    %mul3A_70 = arith.constant 624 : i32
    %mul3A_71 = arith.muli %arg1, %mul3A_70 : i32
    %add3A_72 = arith.constant 256 : i32
    %add3A_73 = arith.addi %mul3A_71, %add3A_72 : i32
    "tpu.region"() ({
      %run_scoped3A = tpu.sem_alloc : memref<!tpu.dma_semaphore, #tpu.memory_space<semaphore_mem>>
      %dma_start3A_87 = arith.constant 0 : i32
      %dma_start3A_88 = arith.constant 0 : i32
      %dma_start3A_89 = tpu.memref_slice %arg6[%dma_start3A_87, %dma_start3A_88] : memref<128x128xf32, #tpu.memory_space<vmem>> -> memref<128x128xf32, #tpu.memory_space<vmem>>
      %dma_start3A_90 = arith.constant 0 : i32
      %dma_start3A_91 = tpu.memref_slice %arg19[%add3A_73, %dma_start3A_90] : memref<10000x128xf32, #tpu.memory_space<vmem_shared>> -> memref<128x128xf32, #tpu.memory_space<vmem_shared>>
      %dma_start3A_92 = arith.constant 0 : i32
      %dma_start3A_93 = arith.constant 0 : i32
      %dma_start3A_94 = tpu.memref_slice %arg6[%dma_start3A_92, %dma_start3A_93] : memref<128x128xf32, #tpu.memory_space<vmem>> -> memref<128x128xf32, #tpu.memory_space<vmem>>
      %dma_start3A_95 = arith.constant 0 : i32
      %dma_start3A_96 = tpu.memref_slice %arg19[%add3A_73, %dma_start3A_95] : memref<10000x128xf32, #tpu.memory_space<vmem_shared>> -> memref<128x128xf32, #tpu.memory_space<vmem_shared>>
      tpu.enqueue_dma source(%dma_start3A_96 : memref<128x128xf32, #tpu.memory_space<vmem_shared>>) target(%dma_start3A_94 : memref<128x128xf32, #tpu.memory_space<vmem>>) target_semaphore(%run_scoped3A : memref<!tpu.dma_semaphore, #tpu.memory_space<semaphore_mem>>)
      %dma_wait3A = arith.constant 0 : i32
      %dma_wait3A_97 = arith.constant 0 : i32
      %dma_wait3A_98 = tpu.memref_slice %arg6[%dma_wait3A, %dma_wait3A_97] : memref<128x128xf32, #tpu.memory_space<vmem>> -> memref<128x128xf32, #tpu.memory_space<vmem>>
      %dma_wait3A_99 = arith.constant 0 : i32
      %dma_wait3A_100 = tpu.memref_slice %arg19[%add3A_73, %dma_wait3A_99] : memref<10000x128xf32, #tpu.memory_space<vmem_shared>> -> memref<128x128xf32, #tpu.memory_space<vmem_shared>>
      %dma_wait3A_101 = arith.constant 0 : i32
      %dma_wait3A_102 = arith.constant 0 : i32
      %dma_wait3A_103 = tpu.memref_slice %arg6[%dma_wait3A_101, %dma_wait3A_102] : memref<128x128xf32, #tpu.memory_space<vmem>> -> memref<128x128xf32, #tpu.memory_space<vmem>>
      %dma_wait3A_104 = arith.constant 0 : i32
      %dma_wait3A_105 = tpu.memref_slice %arg19[%add3A_73, %dma_wait3A_104] : memref<10000x128xf32, #tpu.memory_space<vmem_shared>> -> memref<128x128xf32, #tpu.memory_space<vmem_shared>>
      tpu.wait_dma2 semaphore(%run_scoped3A : memref<!tpu.dma_semaphore, #tpu.memory_space<semaphore_mem>>) src(%dma_wait3A_105 : memref<128x128xf32, #tpu.memory_space<vmem_shared>>) dst(%dma_wait3A_103 : memref<128x128xf32, #tpu.memory_space<vmem>>)
      tpu.yield
    }) : () -> ()
    "tpu.region"() ({
      %run_scoped3A = tpu.sem_alloc : memref<!tpu.dma_semaphore, #tpu.memory_space<semaphore_mem>>
      %dma_start3A_87 = arith.constant 0 : i32
      %dma_start3A_88 = arith.constant 0 : i32
      %dma_start3A_89 = tpu.memref_slice %arg6[%dma_start3A_87, %dma_start3A_88] : memref<128x128xf32, #tpu.memory_space<vmem>> -> memref<128x128xf32, #tpu.memory_space<vmem>>
      %dma_start3A_90 = arith.constant 0 : i32
      %dma_start3A_91 = tpu.memref_slice %arg4[%arg0, %add3A_73, %dma_start3A_90] : memref<2x10000x128xf32, #tpu.memory_space<hbm>> -> memref<1x128x128xf32, #tpu.memory_space<hbm>>
      %dma_start3A_92 = tpu.memref_squeeze %dma_start3A_91 : memref<1x128x128xf32, #tpu.memory_space<hbm>> -> memref<128x128xf32, #tpu.memory_space<hbm>>
      %dma_start3A_93 = arith.constant 0 : i32
      %dma_start3A_94 = tpu.memref_slice %arg4[%arg0, %add3A_73, %dma_start3A_93] : memref<2x10000x128xf32, #tpu.memory_space<hbm>> -> memref<1x128x128xf32, #tpu.memory_space<hbm>>
      %dma_start3A_95 = tpu.memref_squeeze %dma_start3A_94 : memref<1x128x128xf32, #tpu.memory_space<hbm>> -> memref<128x128xf32, #tpu.memory_space<hbm>>
      %dma_start3A_96 = arith.constant 0 : i32
      %dma_start3A_97 = arith.constant 0 : i32
      %dma_start3A_98 = tpu.memref_slice %arg6[%dma_start3A_96, %dma_start3A_97] : memref<128x128xf32, #tpu.memory_space<vmem>> -> memref<128x128xf32, #tpu.memory_space<vmem>>
      tpu.enqueue_dma source(%dma_start3A_98 : memref<128x128xf32, #tpu.memory_space<vmem>>) target(%dma_start3A_95 : memref<128x128xf32, #tpu.memory_space<hbm>>) target_semaphore(%run_scoped3A : memref<!tpu.dma_semaphore, #tpu.memory_space<semaphore_mem>>)
      %dma_wait3A = arith.constant 0 : i32
      %dma_wait3A_99 = arith.constant 0 : i32
      %dma_wait3A_100 = tpu.memref_slice %arg6[%dma_wait3A, %dma_wait3A_99] : memref<128x128xf32, #tpu.memory_space<vmem>> -> memref<128x128xf32, #tpu.memory_space<vmem>>
      %dma_wait3A_101 = arith.constant 0 : i32
      %dma_wait3A_102 = tpu.memref_slice %arg4[%arg0, %add3A_73, %dma_wait3A_101] : memref<2x10000x128xf32, #tpu.memory_space<hbm>> -> memref<1x128x128xf32, #tpu.memory_space<hbm>>
      %dma_wait3A_103 = tpu.memref_squeeze %dma_wait3A_102 : memref<1x128x128xf32, #tpu.memory_space<hbm>> -> memref<128x128xf32, #tpu.memory_space<hbm>>
      %dma_wait3A_104 = arith.constant 0 : i32
      %dma_wait3A_105 = tpu.memref_slice %arg4[%arg0, %add3A_73, %dma_wait3A_104] : memref<2x10000x128xf32, #tpu.memory_space<hbm>> -> memref<1x128x128xf32, #tpu.memory_space<hbm>>
      %dma_wait3A_106 = tpu.memref_squeeze %dma_wait3A_105 : memref<1x128x128xf32, #tpu.memory_space<hbm>> -> memref<128x128xf32, #tpu.memory_space<hbm>>
      %dma_wait3A_107 = arith.constant 0 : i32
      %dma_wait3A_108 = arith.constant 0 : i32
      %dma_wait3A_109 = tpu.memref_slice %arg6[%dma_wait3A_107, %dma_wait3A_108] : memref<128x128xf32, #tpu.memory_space<vmem>> -> memref<128x128xf32, #tpu.memory_space<vmem>>
      tpu.wait_dma2 semaphore(%run_scoped3A : memref<!tpu.dma_semaphore, #tpu.memory_space<semaphore_mem>>) src(%dma_wait3A_109 : memref<128x128xf32, #tpu.memory_space<vmem>>) dst(%dma_wait3A_106 : memref<128x128xf32, #tpu.memory_space<hbm>>)
      tpu.yield
    }) : () -> ()
    %mul3A_74 = arith.constant 624 : i32
    %mul3A_75 = arith.muli %arg1, %mul3A_74 : i32
    %add3A_76 = arith.constant 384 : i32
    %add3A_77 = arith.addi %mul3A_75, %add3A_76 : i32
    "tpu.region"() ({
      %run_scoped3A = tpu.sem_alloc : memref<!tpu.dma_semaphore, #tpu.memory_space<semaphore_mem>>
      %dma_start3A_87 = arith.constant 0 : i32
      %dma_start3A_88 = arith.constant 0 : i32
      %dma_start3A_89 = tpu.memref_slice %arg6[%dma_start3A_87, %dma_start3A_88] : memref<128x128xf32, #tpu.memory_space<vmem>> -> memref<128x128xf32, #tpu.memory_space<vmem>>
      %dma_start3A_90 = arith.constant 0 : i32
      %dma_start3A_91 = tpu.memref_slice %arg19[%add3A_77, %dma_start3A_90] : memref<10000x128xf32, #tpu.memory_space<vmem_shared>> -> memref<128x128xf32, #tpu.memory_space<vmem_shared>>
      %dma_start3A_92 = arith.constant 0 : i32
      %dma_start3A_93 = arith.constant 0 : i32
      %dma_start3A_94 = tpu.memref_slice %arg6[%dma_start3A_92, %dma_start3A_93] : memref<128x128xf32, #tpu.memory_space<vmem>> -> memref<128x128xf32, #tpu.memory_space<vmem>>
      %dma_start3A_95 = arith.constant 0 : i32
      %dma_start3A_96 = tpu.memref_slice %arg19[%add3A_77, %dma_start3A_95] : memref<10000x128xf32, #tpu.memory_space<vmem_shared>> -> memref<128x128xf32, #tpu.memory_space<vmem_shared>>
      tpu.enqueue_dma source(%dma_start3A_96 : memref<128x128xf32, #tpu.memory_space<vmem_shared>>) target(%dma_start3A_94 : memref<128x128xf32, #tpu.memory_space<vmem>>) target_semaphore(%run_scoped3A : memref<!tpu.dma_semaphore, #tpu.memory_space<semaphore_mem>>)
      %dma_wait3A = arith.constant 0 : i32
      %dma_wait3A_97 = arith.constant 0 : i32
      %dma_wait3A_98 = tpu.memref_slice %arg6[%dma_wait3A, %dma_wait3A_97] : memref<128x128xf32, #tpu.memory_space<vmem>> -> memref<128x128xf32, #tpu.memory_space<vmem>>
      %dma_wait3A_99 = arith.constant 0 : i32
      %dma_wait3A_100 = tpu.memref_slice %arg19[%add3A_77, %dma_wait3A_99] : memref<10000x128xf32, #tpu.memory_space<vmem_shared>> -> memref<128x128xf32, #tpu.memory_space<vmem_shared>>
      %dma_wait3A_101 = arith.constant 0 : i32
      %dma_wait3A_102 = arith.constant 0 : i32
      %dma_wait3A_103 = tpu.memref_slice %arg6[%dma_wait3A_101, %dma_wait3A_102] : memref<128x128xf32, #tpu.memory_space<vmem>> -> memref<128x128xf32, #tpu.memory_space<vmem>>
      %dma_wait3A_104 = arith.constant 0 : i32
      %dma_wait3A_105 = tpu.memref_slice %arg19[%add3A_77, %dma_wait3A_104] : memref<10000x128xf32, #tpu.memory_space<vmem_shared>> -> memref<128x128xf32, #tpu.memory_space<vmem_shared>>
      tpu.wait_dma2 semaphore(%run_scoped3A : memref<!tpu.dma_semaphore, #tpu.memory_space<semaphore_mem>>) src(%dma_wait3A_105 : memref<128x128xf32, #tpu.memory_space<vmem_shared>>) dst(%dma_wait3A_103 : memref<128x128xf32, #tpu.memory_space<vmem>>)
      tpu.yield
    }) : () -> ()
    "tpu.region"() ({
      %run_scoped3A = tpu.sem_alloc : memref<!tpu.dma_semaphore, #tpu.memory_space<semaphore_mem>>
      %dma_start3A_87 = arith.constant 0 : i32
      %dma_start3A_88 = arith.constant 0 : i32
      %dma_start3A_89 = tpu.memref_slice %arg6[%dma_start3A_87, %dma_start3A_88] : memref<128x128xf32, #tpu.memory_space<vmem>> -> memref<128x128xf32, #tpu.memory_space<vmem>>
      %dma_start3A_90 = arith.constant 0 : i32
      %dma_start3A_91 = tpu.memref_slice %arg4[%arg0, %add3A_77, %dma_start3A_90] : memref<2x10000x128xf32, #tpu.memory_space<hbm>> -> memref<1x128x128xf32, #tpu.memory_space<hbm>>
      %dma_start3A_92 = tpu.memref_squeeze %dma_start3A_91 : memref<1x128x128xf32, #tpu.memory_space<hbm>> -> memref<128x128xf32, #tpu.memory_space<hbm>>
      %dma_start3A_93 = arith.constant 0 : i32
      %dma_start3A_94 = tpu.memref_slice %arg4[%arg0, %add3A_77, %dma_start3A_93] : memref<2x10000x128xf32, #tpu.memory_space<hbm>> -> memref<1x128x128xf32, #tpu.memory_space<hbm>>
      %dma_start3A_95 = tpu.memref_squeeze %dma_start3A_94 : memref<1x128x128xf32, #tpu.memory_space<hbm>> -> memref<128x128xf32, #tpu.memory_space<hbm>>
      %dma_start3A_96 = arith.constant 0 : i32
      %dma_start3A_97 = arith.constant 0 : i32
      %dma_start3A_98 = tpu.memref_slice %arg6[%dma_start3A_96, %dma_start3A_97] : memref<128x128xf32, #tpu.memory_space<vmem>> -> memref<128x128xf32, #tpu.memory_space<vmem>>
      tpu.enqueue_dma source(%dma_start3A_98 : memref<128x128xf32, #tpu.memory_space<vmem>>) target(%dma_start3A_95 : memref<128x128xf32, #tpu.memory_space<hbm>>) target_semaphore(%run_scoped3A : memref<!tpu.dma_semaphore, #tpu.memory_space<semaphore_mem>>)
      %dma_wait3A = arith.constant 0 : i32
      %dma_wait3A_99 = arith.constant 0 : i32
      %dma_wait3A_100 = tpu.memref_slice %arg6[%dma_wait3A, %dma_wait3A_99] : memref<128x128xf32, #tpu.memory_space<vmem>> -> memref<128x128xf32, #tpu.memory_space<vmem>>
      %dma_wait3A_101 = arith.constant 0 : i32
      %dma_wait3A_102 = tpu.memref_slice %arg4[%arg0, %add3A_77, %dma_wait3A_101] : memref<2x10000x128xf32, #tpu.memory_space<hbm>> -> memref<1x128x128xf32, #tpu.memory_space<hbm>>
      %dma_wait3A_103 = tpu.memref_squeeze %dma_wait3A_102 : memref<1x128x128xf32, #tpu.memory_space<hbm>> -> memref<128x128xf32, #tpu.memory_space<hbm>>
      %dma_wait3A_104 = arith.constant 0 : i32
      %dma_wait3A_105 = tpu.memref_slice %arg4[%arg0, %add3A_77, %dma_wait3A_104] : memref<2x10000x128xf32, #tpu.memory_space<hbm>> -> memref<1x128x128xf32, #tpu.memory_space<hbm>>
      %dma_wait3A_106 = tpu.memref_squeeze %dma_wait3A_105 : memref<1x128x128xf32, #tpu.memory_space<hbm>> -> memref<128x128xf32, #tpu.memory_space<hbm>>
      %dma_wait3A_107 = arith.constant 0 : i32
      %dma_wait3A_108 = arith.constant 0 : i32
      %dma_wait3A_109 = tpu.memref_slice %arg6[%dma_wait3A_107, %dma_wait3A_108] : memref<128x128xf32, #tpu.memory_space<vmem>> -> memref<128x128xf32, #tpu.memory_space<vmem>>
      tpu.wait_dma2 semaphore(%run_scoped3A : memref<!tpu.dma_semaphore, #tpu.memory_space<semaphore_mem>>) src(%dma_wait3A_109 : memref<128x128xf32, #tpu.memory_space<vmem>>) dst(%dma_wait3A_106 : memref<128x128xf32, #tpu.memory_space<hbm>>)
      tpu.yield
    }) : () -> ()
    %mul3A_78 = arith.constant 624 : i32
    %mul3A_79 = arith.muli %arg1, %mul3A_78 : i32
    %add3A_80 = arith.constant 512 : i32
    %add3A_81 = arith.addi %mul3A_79, %add3A_80 : i32
    "tpu.region"() ({
      %run_scoped3A = tpu.sem_alloc : memref<!tpu.dma_semaphore, #tpu.memory_space<semaphore_mem>>
      %dma_start3A_87 = arith.constant 0 : i32
      %dma_start3A_88 = arith.constant 0 : i32
      %dma_start3A_89 = tpu.memref_slice %arg6[%dma_start3A_87, %dma_start3A_88] : memref<128x128xf32, #tpu.memory_space<vmem>> -> memref<112x128xf32, #tpu.memory_space<vmem>>
      %dma_start3A_90 = arith.constant 0 : i32
      %dma_start3A_91 = tpu.memref_slice %arg19[%add3A_81, %dma_start3A_90] : memref<10000x128xf32, #tpu.memory_space<vmem_shared>> -> memref<112x128xf32, #tpu.memory_space<vmem_shared>>
      %dma_start3A_92 = arith.constant 0 : i32
      %dma_start3A_93 = arith.constant 0 : i32
      %dma_start3A_94 = tpu.memref_slice %arg6[%dma_start3A_92, %dma_start3A_93] : memref<128x128xf32, #tpu.memory_space<vmem>> -> memref<112x128xf32, #tpu.memory_space<vmem>>
      %dma_start3A_95 = arith.constant 0 : i32
      %dma_start3A_96 = tpu.memref_slice %arg19[%add3A_81, %dma_start3A_95] : memref<10000x128xf32, #tpu.memory_space<vmem_shared>> -> memref<112x128xf32, #tpu.memory_space<vmem_shared>>
      tpu.enqueue_dma source(%dma_start3A_96 : memref<112x128xf32, #tpu.memory_space<vmem_shared>>) target(%dma_start3A_94 : memref<112x128xf32, #tpu.memory_space<vmem>>) target_semaphore(%run_scoped3A : memref<!tpu.dma_semaphore, #tpu.memory_space<semaphore_mem>>)
      %dma_wait3A = arith.constant 0 : i32
      %dma_wait3A_97 = arith.constant 0 : i32
      %dma_wait3A_98 = tpu.memref_slice %arg6[%dma_wait3A, %dma_wait3A_97] : memref<128x128xf32, #tpu.memory_space<vmem>> -> memref<112x128xf32, #tpu.memory_space<vmem>>
      %dma_wait3A_99 = arith.constant 0 : i32
      %dma_wait3A_100 = tpu.memref_slice %arg19[%add3A_81, %dma_wait3A_99] : memref<10000x128xf32, #tpu.memory_space<vmem_shared>> -> memref<112x128xf32, #tpu.memory_space<vmem_shared>>
      %dma_wait3A_101 = arith.constant 0 : i32
      %dma_wait3A_102 = arith.constant 0 : i32
      %dma_wait3A_103 = tpu.memref_slice %arg6[%dma_wait3A_101, %dma_wait3A_102] : memref<128x128xf32, #tpu.memory_space<vmem>> -> memref<112x128xf32, #tpu.memory_space<vmem>>
      %dma_wait3A_104 = arith.constant 0 : i32
      %dma_wait3A_105 = tpu.memref_slice %arg19[%add3A_81, %dma_wait3A_104] : memref<10000x128xf32, #tpu.memory_space<vmem_shared>> -> memref<112x128xf32, #tpu.memory_space<vmem_shared>>
      tpu.wait_dma2 semaphore(%run_scoped3A : memref<!tpu.dma_semaphore, #tpu.memory_space<semaphore_mem>>) src(%dma_wait3A_105 : memref<112x128xf32, #tpu.memory_space<vmem_shared>>) dst(%dma_wait3A_103 : memref<112x128xf32, #tpu.memory_space<vmem>>)
      tpu.yield
    }) : () -> ()
    "tpu.region"() ({
      %run_scoped3A = tpu.sem_alloc : memref<!tpu.dma_semaphore, #tpu.memory_space<semaphore_mem>>
      %dma_start3A_87 = arith.constant 0 : i32
      %dma_start3A_88 = arith.constant 0 : i32
      %dma_start3A_89 = tpu.memref_slice %arg6[%dma_start3A_87, %dma_start3A_88] : memref<128x128xf32, #tpu.memory_space<vmem>> -> memref<112x128xf32, #tpu.memory_space<vmem>>
      %dma_start3A_90 = arith.constant 0 : i32
      %dma_start3A_91 = tpu.memref_slice %arg4[%arg0, %add3A_81, %dma_start3A_90] : memref<2x10000x128xf32, #tpu.memory_space<hbm>> -> memref<1x112x128xf32, #tpu.memory_space<hbm>>
      %dma_start3A_92 = tpu.memref_squeeze %dma_start3A_91 : memref<1x112x128xf32, #tpu.memory_space<hbm>> -> memref<112x128xf32, #tpu.memory_space<hbm>>
      %dma_start3A_93 = arith.constant 0 : i32
      %dma_start3A_94 = tpu.memref_slice %arg4[%arg0, %add3A_81, %dma_start3A_93] : memref<2x10000x128xf32, #tpu.memory_space<hbm>> -> memref<1x112x128xf32, #tpu.memory_space<hbm>>
      %dma_start3A_95 = tpu.memref_squeeze %dma_start3A_94 : memref<1x112x128xf32, #tpu.memory_space<hbm>> -> memref<112x128xf32, #tpu.memory_space<hbm>>
      %dma_start3A_96 = arith.constant 0 : i32
      %dma_start3A_97 = arith.constant 0 : i32
      %dma_start3A_98 = tpu.memref_slice %arg6[%dma_start3A_96, %dma_start3A_97] : memref<128x128xf32, #tpu.memory_space<vmem>> -> memref<112x128xf32, #tpu.memory_space<vmem>>
      tpu.enqueue_dma source(%dma_start3A_98 : memref<112x128xf32, #tpu.memory_space<vmem>>) target(%dma_start3A_95 : memref<112x128xf32, #tpu.memory_space<hbm>>) target_semaphore(%run_scoped3A : memref<!tpu.dma_semaphore, #tpu.memory_space<semaphore_mem>>)
      %dma_wait3A = arith.constant 0 : i32
      %dma_wait3A_99 = arith.constant 0 : i32
      %dma_wait3A_100 = tpu.memref_slice %arg6[%dma_wait3A, %dma_wait3A_99] : memref<128x128xf32, #tpu.memory_space<vmem>> -> memref<112x128xf32, #tpu.memory_space<vmem>>
      %dma_wait3A_101 = arith.constant 0 : i32
      %dma_wait3A_102 = tpu.memref_slice %arg4[%arg0, %add3A_81, %dma_wait3A_101] : memref<2x10000x128xf32, #tpu.memory_space<hbm>> -> memref<1x112x128xf32, #tpu.memory_space<hbm>>
      %dma_wait3A_103 = tpu.memref_squeeze %dma_wait3A_102 : memref<1x112x128xf32, #tpu.memory_space<hbm>> -> memref<112x128xf32, #tpu.memory_space<hbm>>
      %dma_wait3A_104 = arith.constant 0 : i32
      %dma_wait3A_105 = tpu.memref_slice %arg4[%arg0, %add3A_81, %dma_wait3A_104] : memref<2x10000x128xf32, #tpu.memory_space<hbm>> -> memref<1x112x128xf32, #tpu.memory_space<hbm>>
      %dma_wait3A_106 = tpu.memref_squeeze %dma_wait3A_105 : memref<1x112x128xf32, #tpu.memory_space<hbm>> -> memref<112x128xf32, #tpu.memory_space<hbm>>
      %dma_wait3A_107 = arith.constant 0 : i32
      %dma_wait3A_108 = arith.constant 0 : i32
      %dma_wait3A_109 = tpu.memref_slice %arg6[%dma_wait3A_107, %dma_wait3A_108] : memref<128x128xf32, #tpu.memory_space<vmem>> -> memref<112x128xf32, #tpu.memory_space<vmem>>
      tpu.wait_dma2 semaphore(%run_scoped3A : memref<!tpu.dma_semaphore, #tpu.memory_space<semaphore_mem>>) src(%dma_wait3A_109 : memref<112x128xf32, #tpu.memory_space<vmem>>) dst(%dma_wait3A_106 : memref<112x128xf32, #tpu.memory_space<hbm>>)
      tpu.yield
    }) : () -> ()
    %eq3A_82 = arith.constant 15 : i32
    %eq3A_83 = arith.cmpi eq, %arg1, %eq3A_82 : i32
    %convert_element_type3A_84 = arith.extui %eq3A_83 : i1 to i32
    %cond3A_85 = arith.constant 0 : i32
    %cond3A_86 = arith.cmpi ne, %convert_element_type3A_84, %cond3A_85 : i32
    scf.if %cond3A_86 {
      "tpu.region"() ({
        %run_scoped3A = tpu.sem_alloc : memref<!tpu.dma_semaphore, #tpu.memory_space<semaphore_mem>>
        %dma_start3A_87 = arith.constant 0 : i32
        %dma_start3A_88 = arith.constant 0 : i32
        %dma_start3A_89 = tpu.memref_slice %arg6[%dma_start3A_87, %dma_start3A_88] : memref<128x128xf32, #tpu.memory_space<vmem>> -> memref<16x128xf32, #tpu.memory_space<vmem>>
        %dma_start3A_90 = arith.constant 9984 : i32
        %dma_start3A_91 = arith.constant 0 : i32
        %dma_start3A_92 = tpu.memref_slice %arg19[%dma_start3A_90, %dma_start3A_91] : memref<10000x128xf32, #tpu.memory_space<vmem_shared>> -> memref<16x128xf32, #tpu.memory_space<vmem_shared>>
        %dma_start3A_93 = arith.constant 0 : i32
        %dma_start3A_94 = arith.constant 0 : i32
        %dma_start3A_95 = tpu.memref_slice %arg6[%dma_start3A_93, %dma_start3A_94] : memref<128x128xf32, #tpu.memory_space<vmem>> -> memref<16x128xf32, #tpu.memory_space<vmem>>
        %dma_start3A_96 = arith.constant 9984 : i32
        %dma_start3A_97 = arith.constant 0 : i32
        %dma_start3A_98 = tpu.memref_slice %arg19[%dma_start3A_96, %dma_start3A_97] : memref<10000x128xf32, #tpu.memory_space<vmem_shared>> -> memref<16x128xf32, #tpu.memory_space<vmem_shared>>
        tpu.enqueue_dma source(%dma_start3A_98 : memref<16x128xf32, #tpu.memory_space<vmem_shared>>) target(%dma_start3A_95 : memref<16x128xf32, #tpu.memory_space<vmem>>) target_semaphore(%run_scoped3A : memref<!tpu.dma_semaphore, #tpu.memory_space<semaphore_mem>>)
        %dma_wait3A = arith.constant 0 : i32
        %dma_wait3A_99 = arith.constant 0 : i32
        %dma_wait3A_100 = tpu.memref_slice %arg6[%dma_wait3A, %dma_wait3A_99] : memref<128x128xf32, #tpu.memory_space<vmem>> -> memref<16x128xf32, #tpu.memory_space<vmem>>
        %dma_wait3A_101 = arith.constant 9984 : i32
        %dma_wait3A_102 = arith.constant 0 : i32
        %dma_wait3A_103 = tpu.memref_slice %arg19[%dma_wait3A_101, %dma_wait3A_102] : memref<10000x128xf32, #tpu.memory_space<vmem_shared>> -> memref<16x128xf32, #tpu.memory_space<vmem_shared>>
        %dma_wait3A_104 = arith.constant 0 : i32
        %dma_wait3A_105 = arith.constant 0 : i32
        %dma_wait3A_106 = tpu.memref_slice %arg6[%dma_wait3A_104, %dma_wait3A_105] : memref<128x128xf32, #tpu.memory_space<vmem>> -> memref<16x128xf32, #tpu.memory_space<vmem>>
        %dma_wait3A_107 = arith.constant 9984 : i32
        %dma_wait3A_108 = arith.constant 0 : i32
        %dma_wait3A_109 = tpu.memref_slice %arg19[%dma_wait3A_107, %dma_wait3A_108] : memref<10000x128xf32, #tpu.memory_space<vmem_shared>> -> memref<16x128xf32, #tpu.memory_space<vmem_shared>>
        tpu.wait_dma2 semaphore(%run_scoped3A : memref<!tpu.dma_semaphore, #tpu.memory_space<semaphore_mem>>) src(%dma_wait3A_109 : memref<16x128xf32, #tpu.memory_space<vmem_shared>>) dst(%dma_wait3A_106 : memref<16x128xf32, #tpu.memory_space<vmem>>)
        tpu.yield
      }) : () -> ()
      "tpu.region"() ({
        %run_scoped3A = tpu.sem_alloc : memref<!tpu.dma_semaphore, #tpu.memory_space<semaphore_mem>>
        %dma_start3A_87 = arith.constant 0 : i32
        %dma_start3A_88 = arith.constant 0 : i32
        %dma_start3A_89 = tpu.memref_slice %arg6[%dma_start3A_87, %dma_start3A_88] : memref<128x128xf32, #tpu.memory_space<vmem>> -> memref<16x128xf32, #tpu.memory_space<vmem>>
        %dma_start3A_90 = arith.constant 9984 : i32
        %dma_start3A_91 = arith.constant 0 : i32
        %dma_start3A_92 = tpu.memref_slice %arg4[%arg0, %dma_start3A_90, %dma_start3A_91] : memref<2x10000x128xf32, #tpu.memory_space<hbm>> -> memref<1x16x128xf32, #tpu.memory_space<hbm>>
        %dma_start3A_93 = tpu.memref_squeeze %dma_start3A_92 : memref<1x16x128xf32, #tpu.memory_space<hbm>> -> memref<16x128xf32, #tpu.memory_space<hbm>>
        %dma_start3A_94 = arith.constant 9984 : i32
        %dma_start3A_95 = arith.constant 0 : i32
        %dma_start3A_96 = tpu.memref_slice %arg4[%arg0, %dma_start3A_94, %dma_start3A_95] : memref<2x10000x128xf32, #tpu.memory_space<hbm>> -> memref<1x16x128xf32, #tpu.memory_space<hbm>>
        %dma_start3A_97 = tpu.memref_squeeze %dma_start3A_96 : memref<1x16x128xf32, #tpu.memory_space<hbm>> -> memref<16x128xf32, #tpu.memory_space<hbm>>
        %dma_start3A_98 = arith.constant 0 : i32
        %dma_start3A_99 = arith.constant 0 : i32
        %dma_start3A_100 = tpu.memref_slice %arg6[%dma_start3A_98, %dma_start3A_99] : memref<128x128xf32, #tpu.memory_space<vmem>> -> memref<16x128xf32, #tpu.memory_space<vmem>>
        tpu.enqueue_dma source(%dma_start3A_100 : memref<16x128xf32, #tpu.memory_space<vmem>>) target(%dma_start3A_97 : memref<16x128xf32, #tpu.memory_space<hbm>>) target_semaphore(%run_scoped3A : memref<!tpu.dma_semaphore, #tpu.memory_space<semaphore_mem>>)
        %dma_wait3A = arith.constant 0 : i32
        %dma_wait3A_101 = arith.constant 0 : i32
        %dma_wait3A_102 = tpu.memref_slice %arg6[%dma_wait3A, %dma_wait3A_101] : memref<128x128xf32, #tpu.memory_space<vmem>> -> memref<16x128xf32, #tpu.memory_space<vmem>>
        %dma_wait3A_103 = arith.constant 9984 : i32
        %dma_wait3A_104 = arith.constant 0 : i32
        %dma_wait3A_105 = tpu.memref_slice %arg4[%arg0, %dma_wait3A_103, %dma_wait3A_104] : memref<2x10000x128xf32, #tpu.memory_space<hbm>> -> memref<1x16x128xf32, #tpu.memory_space<hbm>>
        %dma_wait3A_106 = tpu.memref_squeeze %dma_wait3A_105 : memref<1x16x128xf32, #tpu.memory_space<hbm>> -> memref<16x128xf32, #tpu.memory_space<hbm>>
        %dma_wait3A_107 = arith.constant 9984 : i32
        %dma_wait3A_108 = arith.constant 0 : i32
        %dma_wait3A_109 = tpu.memref_slice %arg4[%arg0, %dma_wait3A_107, %dma_wait3A_108] : memref<2x10000x128xf32, #tpu.memory_space<hbm>> -> memref<1x16x128xf32, #tpu.memory_space<hbm>>
        %dma_wait3A_110 = tpu.memref_squeeze %dma_wait3A_109 : memref<1x16x128xf32, #tpu.memory_space<hbm>> -> memref<16x128xf32, #tpu.memory_space<hbm>>
        %dma_wait3A_111 = arith.constant 0 : i32
        %dma_wait3A_112 = arith.constant 0 : i32
        %dma_wait3A_113 = tpu.memref_slice %arg6[%dma_wait3A_111, %dma_wait3A_112] : memref<128x128xf32, #tpu.memory_space<vmem>> -> memref<16x128xf32, #tpu.memory_space<vmem>>
        tpu.wait_dma2 semaphore(%run_scoped3A : memref<!tpu.dma_semaphore, #tpu.memory_space<semaphore_mem>>) src(%dma_wait3A_113 : memref<16x128xf32, #tpu.memory_space<vmem>>) dst(%dma_wait3A_110 : memref<16x128xf32, #tpu.memory_space<hbm>>)
        tpu.yield
      }) : () -> ()
    } else {
    }
    return
  }
}

module attributes {stable_mosaic.version = 14 : i64} {
  func.func @_edge_body(%arg0: i32, %arg1: memref<4096xf32, #tpu.memory_space<vmem>>, %arg2: memref<4096xi32, #tpu.memory_space<vmem>>, %arg3: memref<128x64xf32, #tpu.memory_space<vmem>>, %arg4: memref<80x128xf32, #tpu.memory_space<vmem>>, %arg5: memref<128x1xf32, #tpu.memory_space<vmem>>, %arg6: memref<128x128xf32, #tpu.memory_space<vmem>>, %arg7: memref<1x128xf32, #tpu.memory_space<vmem>>, %arg8: memref<1x1xf32, #tpu.memory_space<vmem>>, %arg9: memref<16x1xf32, #tpu.memory_space<vmem>>, %arg10: memref<4096x128xf32, #tpu.memory_space<vmem>>) attributes {dimension_semantics = [#tpu.dimension_semantics<arbitrary>], iteration_bounds = array<i64: 40>, scalar_prefetch = 0 : i64, scratch_operands = 0 : i64, tpu.core_type = #tpu.core_type<tc>, window_params = [{transform_indices = @transform_0, window_bounds = array<i64: 4096>}, {transform_indices = @transform_1, window_bounds = array<i64: 4096>}, {pipeline_mode = #tpu.pipeline_mode<synchronous>, transform_indices = @transform_2, window_bounds = array<i64: 128, 64>}, {pipeline_mode = #tpu.pipeline_mode<synchronous>, transform_indices = @transform_3, window_bounds = array<i64: 80, 128>}, {pipeline_mode = #tpu.pipeline_mode<synchronous>, transform_indices = @transform_4, window_bounds = array<i64: 128, 1>}, {pipeline_mode = #tpu.pipeline_mode<synchronous>, transform_indices = @transform_5, window_bounds = array<i64: 128, 128>}, {pipeline_mode = #tpu.pipeline_mode<synchronous>, transform_indices = @transform_6, window_bounds = array<i64: 1, 128>}, {pipeline_mode = #tpu.pipeline_mode<synchronous>, transform_indices = @transform_7, window_bounds = array<i64: 1, 1>}, {pipeline_mode = #tpu.pipeline_mode<synchronous>, transform_indices = @transform_8, window_bounds = array<i64: 16, 1>}, {transform_indices = @transform_9, window_bounds = array<i64: 4096, 128>}]} {
    %get3A = arith.constant 0 : index
    %get3A_0 = vector.load %arg1[%get3A] : memref<4096xf32, #tpu.memory_space<vmem>>, vector<4096xf32>
    %broadcast_in_dim3A = vector.shape_cast %get3A_0 : vector<4096xf32> to vector<1x4096xf32>
    %add3A = arith.constant 9.99999996E-13 : f32
    %add3A_1 = vector.broadcast %add3A : f32 to vector<1x4096xf32>
    %add3A_2 = arith.addf %broadcast_in_dim3A, %add3A_1 : vector<1x4096xf32>
    %sqrt3A = math.sqrt %add3A_2 : vector<1x4096xf32>
    %get3A_3 = arith.constant 0 : index
    %get3A_4 = arith.constant 0 : index
    %get3A_5 = vector.load %arg9[%get3A_3, %get3A_4] : memref<16x1xf32, #tpu.memory_space<vmem>>, vector<16x1xf32>
    %sub3A = vector.broadcast %sqrt3A : vector<1x4096xf32> to vector<16x4096xf32>
    %sub3A_6 = vector.broadcast %get3A_5 : vector<16x1xf32> to vector<16x4096xf32>
    %sub3A_7 = arith.subf %sub3A, %sub3A_6 : vector<16x4096xf32>
    %get3A_8 = arith.constant 0 : index
    %get3A_9 = arith.constant 0 : index
    %get3A_10 = vector.load %arg8[%get3A_8, %get3A_9] : memref<1x1xf32, #tpu.memory_space<vmem>>, vector<1x1xf32>
    %get3A_11 = vector.extract %get3A_10[0, 0] : f32 from vector<1x1xf32>
    %neg3A = arith.constant 0.000000e+00 : f32
    %neg3A_12 = arith.subf %neg3A, %get3A_11 : f32
    %mul3A = arith.mulf %sub3A_7, %sub3A_7 : vector<16x4096xf32>
    %mul3A_13 = vector.broadcast %neg3A_12 : f32 to vector<16x4096xf32>
    %mul3A_14 = arith.mulf %mul3A_13, %mul3A : vector<16x4096xf32>
    %exp3A = math.exp %mul3A_14 : vector<16x4096xf32>
    %get3A_15 = arith.constant 0 : index
    %get3A_16 = vector.load %arg2[%get3A_15] : memref<4096xi32, #tpu.memory_space<vmem>>, vector<4096xi32>
    %broadcast_in_dim3A_17 = vector.shape_cast %get3A_16 : vector<4096xi32> to vector<1x4096xi32>
    %iota3A = tpu.iota {dimensions = array<i32: 0>} : vector<128x4096xi32>
    %eq3A = vector.broadcast %broadcast_in_dim3A_17 : vector<1x4096xi32> to vector<128x4096xi32>
    %eq3A_18 = arith.cmpi eq, %eq3A, %iota3A : vector<128x4096xi32>
    %convert_element_type3A = arith.extui %eq3A_18 : vector<128x4096xi1> to vector<128x4096xi32>
    %convert_element_type3A_19 = arith.sitofp %convert_element_type3A : vector<128x4096xi32> to vector<128x4096xf32>
    %get3A_20 = arith.constant 0 : index
    %get3A_21 = arith.constant 0 : index
    %get3A_22 = vector.load %arg3[%get3A_20, %get3A_21] : memref<128x64xf32, #tpu.memory_space<vmem>>, vector<128x64xf32>
    %transpose3A = tpu.transpose %get3A_22, [1, 0] : vector<128x64xf32> -> vector<64x128xf32>
    %dot_general3A = arith.constant dense<0.000000e+00> : vector<64x4096xf32>
    %dot_general3A_23 = tpu.matmul %transpose3A, %convert_element_type3A_19, %dot_general3A {dimension_numbers = #tpu.dot_dimension_numbers<[1], [0], [0], [1], [0, 0, 1, 1], [], []>, transpose_lhs_hint = false} : vector<64x128xf32>, vector<128x4096xf32>, vector<64x4096xf32> -> vector<64x4096xf32>
    %concatenate3A = tpu.concatenate %dot_general3A_23, %exp3A in 0 : vector<64x4096xf32>, vector<16x4096xf32> -> vector<80x4096xf32>
    %get3A_24 = arith.constant 0 : index
    %get3A_25 = arith.constant 0 : index
    %get3A_26 = vector.load %arg4[%get3A_24, %get3A_25] : memref<80x128xf32, #tpu.memory_space<vmem>>, vector<80x128xf32>
    %transpose3A_27 = tpu.transpose %get3A_26, [1, 0] : vector<80x128xf32> -> vector<128x80xf32>
    %dot_general3A_28 = arith.constant dense<0.000000e+00> : vector<128x4096xf32>
    %dot_general3A_29 = tpu.matmul %transpose3A_27, %concatenate3A, %dot_general3A_28 {dimension_numbers = #tpu.dot_dimension_numbers<[1], [0], [0], [1], [0, 0, 1, 1], [], []>, transpose_lhs_hint = false} : vector<128x80xf32>, vector<80x4096xf32>, vector<128x4096xf32> -> vector<128x4096xf32>
    %get3A_30 = arith.constant 0 : index
    %get3A_31 = arith.constant 0 : index
    %get3A_32 = vector.load %arg5[%get3A_30, %get3A_31] : memref<128x1xf32, #tpu.memory_space<vmem>>, vector<128x1xf32>
    %add3A_33 = vector.broadcast %get3A_32 : vector<128x1xf32> to vector<128x4096xf32>
    %add3A_34 = arith.addf %dot_general3A_29, %add3A_33 : vector<128x4096xf32>
    %max3A = arith.constant 0.000000e+00 : f32
    %max3A_35 = vector.broadcast %max3A : f32 to vector<128x4096xf32>
    %max3A_36 = arith.maximumf %add3A_34, %max3A_35 : vector<128x4096xf32>
    %get3A_37 = arith.constant 0 : index
    %get3A_38 = arith.constant 0 : index
    %get3A_39 = vector.load %arg6[%get3A_37, %get3A_38] : memref<128x128xf32, #tpu.memory_space<vmem>>, vector<128x128xf32>
    %dot_general3A_40 = arith.constant dense<0.000000e+00> : vector<4096x128xf32>
    %dot_general3A_41 = tpu.matmul %max3A_36, %get3A_39, %dot_general3A_40 {dimension_numbers = #tpu.dot_dimension_numbers<[0], [0], [1], [1], [0, 1, 1, 1], [], []>, transpose_lhs_hint = false} : vector<128x4096xf32>, vector<128x128xf32>, vector<4096x128xf32> -> vector<4096x128xf32>
    %get3A_42 = arith.constant 0 : index
    %get3A_43 = arith.constant 0 : index
    %get3A_44 = vector.load %arg7[%get3A_42, %get3A_43] : memref<1x128xf32, #tpu.memory_space<vmem>>, vector<1x128xf32>
    %add3A_45 = vector.broadcast %get3A_44 : vector<1x128xf32> to vector<4096x128xf32>
    %add3A_46 = arith.addf %dot_general3A_41, %add3A_45 : vector<4096x128xf32>
    %max3A_47 = arith.constant 0.000000e+00 : f32
    %max3A_48 = vector.broadcast %max3A_47 : f32 to vector<4096x128xf32>
    %max3A_49 = arith.maximumf %add3A_46, %max3A_48 : vector<4096x128xf32>
    %swap3A = arith.constant 0 : index
    %swap3A_50 = arith.constant 0 : index
    %swap3A_51 = vector.load %arg10[%swap3A, %swap3A_50] : memref<4096x128xf32, #tpu.memory_space<vmem>>, vector<4096x128xf32>
    tpu.vector_store %arg10[%swap3A, %swap3A_50], %max3A_49 {strides = array<i32>} : memref<4096x128xf32, #tpu.memory_space<vmem>>, vector<4096x128xf32>,
    return
  }
  func.func @transform_0(%arg0: i32) -> i32 {
    %c0_i32 = arith.constant 0 : i32
    return %arg0 : i32
  }
  func.func @transform_1(%arg0: i32) -> i32 {
    %c0_i32 = arith.constant 0 : i32
    return %arg0 : i32
  }
  func.func @transform_2(%arg0: i32) -> (i32, i32) {
    %c0_i32 = arith.constant 0 : i32
    %c0_i32_0 = arith.constant 0 : i32
    %c0_i32_1 = arith.constant 0 : i32
    return %c0_i32, %c0_i32_0 : i32, i32
  }
  func.func @transform_3(%arg0: i32) -> (i32, i32) {
    %c0_i32 = arith.constant 0 : i32
    %c0_i32_0 = arith.constant 0 : i32
    %c0_i32_1 = arith.constant 0 : i32
    return %c0_i32, %c0_i32_0 : i32, i32
  }
  func.func @transform_4(%arg0: i32) -> (i32, i32) {
    %c0_i32 = arith.constant 0 : i32
    %c0_i32_0 = arith.constant 0 : i32
    %c0_i32_1 = arith.constant 0 : i32
    return %c0_i32, %c0_i32_0 : i32, i32
  }
  func.func @transform_5(%arg0: i32) -> (i32, i32) {
    %c0_i32 = arith.constant 0 : i32
    %c0_i32_0 = arith.constant 0 : i32
    %c0_i32_1 = arith.constant 0 : i32
    return %c0_i32, %c0_i32_0 : i32, i32
  }
  func.func @transform_6(%arg0: i32) -> (i32, i32) {
    %c0_i32 = arith.constant 0 : i32
    %c0_i32_0 = arith.constant 0 : i32
    %c0_i32_1 = arith.constant 0 : i32
    return %c0_i32, %c0_i32_0 : i32, i32
  }
  func.func @transform_7(%arg0: i32) -> (i32, i32) {
    %c0_i32 = arith.constant 0 : i32
    %c0_i32_0 = arith.constant 0 : i32
    %c0_i32_1 = arith.constant 0 : i32
    return %c0_i32, %c0_i32_0 : i32, i32
  }
  func.func @transform_8(%arg0: i32) -> (i32, i32) {
    %c0_i32 = arith.constant 0 : i32
    %c0_i32_0 = arith.constant 0 : i32
    %c0_i32_1 = arith.constant 0 : i32
    return %c0_i32, %c0_i32_0 : i32, i32
  }
  func.func @transform_9(%arg0: i32) -> (i32, i32) {
    %c0_i32 = arith.constant 0 : i32
    %c0_i32_0 = arith.constant 0 : i32
    return %arg0, %c0_i32 : i32, i32
  }
}

module attributes {stable_mosaic.version = 14 : i64} {
  func.func @_node_body(%arg0: i32, %arg1: memref<1x1x2000xi32, #tpu.memory_space<vmem>>, %arg2: memref<2x2000x128xf32, #tpu.memory_space<vmem>>, %arg3: memref<2x2000x128xf32, #tpu.memory_space<vmem>>, %arg4: memref<1x1x2000xi32, #tpu.memory_space<vmem>>, %arg5: memref<128x64xf32, #tpu.memory_space<vmem>>, %arg6: memref<192x128xf32, #tpu.memory_space<vmem>>, %arg7: memref<128x1xf32, #tpu.memory_space<vmem>>, %arg8: memref<128x128xf32, #tpu.memory_space<vmem>>, %arg9: memref<1x128xf32, #tpu.memory_space<vmem>>, %arg10: memref<128x64xf32, #tpu.memory_space<vmem>>, %arg11: memref<1x64xf32, #tpu.memory_space<vmem>>, %arg12: memref<64x1xf32, #tpu.memory_space<vmem>>, %arg13: memref<1x1xf32, #tpu.memory_space<vmem>>, %arg14: memref<256x1xf32, #tpu.memory_space<vmem>>, %arg15: memref<256x128xf32, #tpu.memory_space<vmem>>) attributes {dimension_semantics = [#tpu.dimension_semantics<arbitrary>], iteration_bounds = array<i64: 5>, scalar_prefetch = 0 : i64, scratch_operands = 1 : i64, tpu.core_type = #tpu.core_type<tc>, window_params = [{transform_indices = @transform_0, window_bounds = array<i64: 1, 1, 2000>}, {transform_indices = @transform_1, window_bounds = array<i64: 2, 2000, 128>}, {transform_indices = @transform_2, window_bounds = array<i64: 2, 2000, 128>}, {transform_indices = @transform_3, window_bounds = array<i64: 1, 1, 2000>}, {pipeline_mode = #tpu.pipeline_mode<synchronous>, transform_indices = @transform_4, window_bounds = array<i64: 128, 64>}, {pipeline_mode = #tpu.pipeline_mode<synchronous>, transform_indices = @transform_5, window_bounds = array<i64: 192, 128>}, {pipeline_mode = #tpu.pipeline_mode<synchronous>, transform_indices = @transform_6, window_bounds = array<i64: 128, 1>}, {pipeline_mode = #tpu.pipeline_mode<synchronous>, transform_indices = @transform_7, window_bounds = array<i64: 128, 128>}, {pipeline_mode = #tpu.pipeline_mode<synchronous>, transform_indices = @transform_8, window_bounds = array<i64: 1, 128>}, {pipeline_mode = #tpu.pipeline_mode<synchronous>, transform_indices = @transform_9, window_bounds = array<i64: 128, 64>}, {pipeline_mode = #tpu.pipeline_mode<synchronous>, transform_indices = @transform_10, window_bounds = array<i64: 1, 64>}, {pipeline_mode = #tpu.pipeline_mode<synchronous>, transform_indices = @transform_11, window_bounds = array<i64: 64, 1>}, {pipeline_mode = #tpu.pipeline_mode<synchronous>, transform_indices = @transform_12, window_bounds = array<i64: 1, 1>}, {pipeline_mode = #tpu.pipeline_mode<synchronous>, transform_indices = @transform_13, window_bounds = array<i64: 256, 1>}]} {
    %get3A = arith.constant 0 : index
    %get3A_0 = arith.constant 0 : index
    %get3A_1 = arith.constant 0 : index
    %get3A_2 = vector.load %arg1[%get3A, %get3A_0, %get3A_1] : memref<1x1x2000xi32, #tpu.memory_space<vmem>>, vector<1x1x2000xi32>
    %get3A_3 = vector.shape_cast %get3A_2 : vector<1x1x2000xi32> to vector<1x2000xi32>
    %iota3A = tpu.iota {dimensions = array<i32: 0>} : vector<128x2000xi32>
    %eq3A = vector.broadcast %get3A_3 : vector<1x2000xi32> to vector<128x2000xi32>
    %eq3A_4 = arith.cmpi eq, %eq3A, %iota3A : vector<128x2000xi32>
    %convert_element_type3A = arith.extui %eq3A_4 : vector<128x2000xi1> to vector<128x2000xi32>
    %convert_element_type3A_5 = arith.sitofp %convert_element_type3A : vector<128x2000xi32> to vector<128x2000xf32>
    %get3A_6 = arith.constant 0 : index
    %get3A_7 = arith.constant 0 : index
    %get3A_8 = vector.load %arg5[%get3A_6, %get3A_7] : memref<128x64xf32, #tpu.memory_space<vmem>>, vector<128x64xf32>
    %transpose3A = tpu.transpose %get3A_8, [1, 0] : vector<128x64xf32> -> vector<64x128xf32>
    %dot_general3A = arith.constant dense<0.000000e+00> : vector<64x2000xf32>
    %dot_general3A_9 = tpu.matmul %transpose3A, %convert_element_type3A_5, %dot_general3A {dimension_numbers = #tpu.dot_dimension_numbers<[1], [0], [0], [1], [0, 0, 1, 1], [], []>, transpose_lhs_hint = false} : vector<64x128xf32>, vector<128x2000xf32>, vector<64x2000xf32> -> vector<64x2000xf32>
    %get3A_10 = arith.constant 0 : index
    %get3A_11 = arith.constant 0 : index
    %get3A_12 = arith.constant 0 : index
    %get3A_13 = vector.load %arg2[%get3A_10, %get3A_11, %get3A_12] : memref<2x2000x128xf32, #tpu.memory_space<vmem>>, vector<1x2000x128xf32>
    %get3A_14 = vector.shape_cast %get3A_13 : vector<1x2000x128xf32> to vector<2000x128xf32>
    %get3A_15 = arith.constant 1 : index
    %get3A_16 = arith.constant 0 : index
    %get3A_17 = arith.constant 0 : index
    %get3A_18 = vector.load %arg2[%get3A_15, %get3A_16, %get3A_17] : memref<2x2000x128xf32, #tpu.memory_space<vmem>>, vector<1x2000x128xf32>
    %get3A_19 = vector.shape_cast %get3A_18 : vector<1x2000x128xf32> to vector<2000x128xf32>
    %add3A = arith.addf %get3A_14, %get3A_19 : vector<2000x128xf32>
    %get3A_20 = arith.constant 0 : index
    %get3A_21 = arith.constant 0 : index
    %get3A_22 = arith.constant 0 : index
    %get3A_23 = vector.load %arg3[%get3A_20, %get3A_21, %get3A_22] : memref<2x2000x128xf32, #tpu.memory_space<vmem>>, vector<1x2000x128xf32>
    %get3A_24 = vector.shape_cast %get3A_23 : vector<1x2000x128xf32> to vector<2000x128xf32>
    %get3A_25 = arith.constant 1 : index
    %get3A_26 = arith.constant 0 : index
    %get3A_27 = arith.constant 0 : index
    %get3A_28 = vector.load %arg3[%get3A_25, %get3A_26, %get3A_27] : memref<2x2000x128xf32, #tpu.memory_space<vmem>>, vector<1x2000x128xf32>
    %get3A_29 = vector.shape_cast %get3A_28 : vector<1x2000x128xf32> to vector<2000x128xf32>
    %add3A_30 = arith.addf %get3A_24, %get3A_29 : vector<2000x128xf32>
    %add3A_31 = arith.addf %add3A, %add3A_30 : vector<2000x128xf32>
    %transpose3A_32 = tpu.transpose %add3A_31, [1, 0] : vector<2000x128xf32> -> vector<128x2000xf32>
    %concatenate3A = tpu.concatenate %dot_general3A_9, %transpose3A_32 in 0 : vector<64x2000xf32>, vector<128x2000xf32> -> vector<192x2000xf32>
    %get3A_33 = arith.constant 0 : index
    %get3A_34 = arith.constant 0 : index
    %get3A_35 = vector.load %arg6[%get3A_33, %get3A_34] : memref<192x128xf32, #tpu.memory_space<vmem>>, vector<192x128xf32>
    %transpose3A_36 = tpu.transpose %get3A_35, [1, 0] : vector<192x128xf32> -> vector<128x192xf32>
    %dot_general3A_37 = arith.constant dense<0.000000e+00> : vector<128x2000xf32>
    %dot_general3A_38 = tpu.matmul %transpose3A_36, %concatenate3A, %dot_general3A_37 {dimension_numbers = #tpu.dot_dimension_numbers<[1], [0], [0], [1], [0, 0, 1, 1], [], []>, transpose_lhs_hint = false} : vector<128x192xf32>, vector<192x2000xf32>, vector<128x2000xf32> -> vector<128x2000xf32>
    %get3A_39 = arith.constant 0 : index
    %get3A_40 = arith.constant 0 : index
    %get3A_41 = vector.load %arg7[%get3A_39, %get3A_40] : memref<128x1xf32, #tpu.memory_space<vmem>>, vector<128x1xf32>
    %add3A_42 = vector.broadcast %get3A_41 : vector<128x1xf32> to vector<128x2000xf32>
    %add3A_43 = arith.addf %dot_general3A_38, %add3A_42 : vector<128x2000xf32>
    %max3A = arith.constant 0.000000e+00 : f32
    %max3A_44 = vector.broadcast %max3A : f32 to vector<128x2000xf32>
    %max3A_45 = arith.maximumf %add3A_43, %max3A_44 : vector<128x2000xf32>
    %get3A_46 = arith.constant 0 : index
    %get3A_47 = arith.constant 0 : index
    %get3A_48 = vector.load %arg8[%get3A_46, %get3A_47] : memref<128x128xf32, #tpu.memory_space<vmem>>, vector<128x128xf32>
    %dot_general3A_49 = arith.constant dense<0.000000e+00> : vector<2000x128xf32>
    %dot_general3A_50 = tpu.matmul %max3A_45, %get3A_48, %dot_general3A_49 {dimension_numbers = #tpu.dot_dimension_numbers<[0], [0], [1], [1], [0, 1, 1, 1], [], []>, transpose_lhs_hint = false} : vector<128x2000xf32>, vector<128x128xf32>, vector<2000x128xf32> -> vector<2000x128xf32>
    %get3A_51 = arith.constant 0 : index
    %get3A_52 = arith.constant 0 : index
    %get3A_53 = vector.load %arg9[%get3A_51, %get3A_52] : memref<1x128xf32, #tpu.memory_space<vmem>>, vector<1x128xf32>
    %add3A_54 = vector.broadcast %get3A_53 : vector<1x128xf32> to vector<2000x128xf32>
    %add3A_55 = arith.addf %dot_general3A_50, %add3A_54 : vector<2000x128xf32>
    %max3A_56 = arith.constant 0.000000e+00 : f32
    %max3A_57 = vector.broadcast %max3A_56 : f32 to vector<2000x128xf32>
    %max3A_58 = arith.maximumf %add3A_55, %max3A_57 : vector<2000x128xf32>
    %get3A_59 = arith.constant 0 : index
    %get3A_60 = arith.constant 0 : index
    %get3A_61 = arith.constant 0 : index
    %get3A_62 = vector.load %arg4[%get3A_59, %get3A_60, %get3A_61] : memref<1x1x2000xi32, #tpu.memory_space<vmem>>, vector<1x1x2000xi32>
    %get3A_63 = vector.shape_cast %get3A_62 : vector<1x1x2000xi32> to vector<1x2000xi32>
    %iota3A_64 = tpu.iota {dimensions = array<i32: 0>} : vector<256x2000xi32>
    %eq3A_65 = vector.broadcast %get3A_63 : vector<1x2000xi32> to vector<256x2000xi32>
    %eq3A_66 = arith.cmpi eq, %iota3A_64, %eq3A_65 : vector<256x2000xi32>
    %convert_element_type3A_67 = arith.extui %eq3A_66 : vector<256x2000xi1> to vector<256x2000xi32>
    %convert_element_type3A_68 = arith.sitofp %convert_element_type3A_67 : vector<256x2000xi32> to vector<256x2000xf32>
    %dot_general3A_69 = arith.constant dense<0.000000e+00> : vector<256x128xf32>
    %dot_general3A_70 = tpu.matmul %convert_element_type3A_68, %max3A_58, %dot_general3A_69 {dimension_numbers = #tpu.dot_dimension_numbers<[1], [0], [0], [1], [0, 0, 1, 1], [], []>, precision = #tpu.contract_precision<fp32>, transpose_lhs_hint = false} : vector<256x2000xf32>, vector<2000x128xf32>, vector<256x128xf32> -> vector<256x128xf32>
    %eq3A_71 = arith.constant 0 : i32
    %eq3A_72 = arith.cmpi eq, %arg0, %eq3A_71 : i32
    %convert_element_type3A_73 = arith.extui %eq3A_72 : i1 to i32
    %cond3A = arith.constant 0 : i32
    %cond3A_74 = arith.cmpi ne, %convert_element_type3A_73, %cond3A : i32
    scf.if %cond3A_74 {
      %swap3A = arith.constant 0 : index
      %swap3A_84 = arith.constant 0 : index
      %swap3A_85 = vector.load %arg15[%swap3A, %swap3A_84] : memref<256x128xf32, #tpu.memory_space<vmem>>, vector<256x128xf32>
      tpu.vector_store %arg15[%swap3A, %swap3A_84], %dot_general3A_70 {strides = array<i32>} : memref<256x128xf32, #tpu.memory_space<vmem>>, vector<256x128xf32>,
    } else {
    }
    %gt3A = arith.constant 0 : i32
    %gt3A_75 = arith.cmpi sgt, %arg0, %gt3A : i32
    %convert_element_type3A_76 = arith.extui %gt3A_75 : i1 to i32
    %cond3A_77 = arith.constant 0 : i32
    %cond3A_78 = arith.cmpi ne, %convert_element_type3A_76, %cond3A_77 : i32
    scf.if %cond3A_78 {
      %get3A_84 = arith.constant 0 : index
      %get3A_85 = arith.constant 0 : index
      %get3A_86 = vector.load %arg15[%get3A_84, %get3A_85] : memref<256x128xf32, #tpu.memory_space<vmem>>, vector<256x128xf32>
      %add3A_87 = arith.addf %get3A_86, %dot_general3A_70 : vector<256x128xf32>
      %swap3A = arith.constant 0 : index
      %swap3A_88 = arith.constant 0 : index
      %swap3A_89 = vector.load %arg15[%swap3A, %swap3A_88] : memref<256x128xf32, #tpu.memory_space<vmem>>, vector<256x128xf32>
      tpu.vector_store %arg15[%swap3A, %swap3A_88], %add3A_87 {strides = array<i32>} : memref<256x128xf32, #tpu.memory_space<vmem>>, vector<256x128xf32>,
    } else {
    }
    %eq3A_79 = arith.constant 4 : i32
    %eq3A_80 = arith.cmpi eq, %arg0, %eq3A_79 : i32
    %convert_element_type3A_81 = arith.extui %eq3A_80 : i1 to i32
    %cond3A_82 = arith.constant 0 : i32
    %cond3A_83 = arith.cmpi ne, %convert_element_type3A_81, %cond3A_82 : i32
    scf.if %cond3A_83 {
      %get3A_84 = arith.constant 0 : index
      %get3A_85 = arith.constant 0 : index
      %get3A_86 = vector.load %arg15[%get3A_84, %get3A_85] : memref<256x128xf32, #tpu.memory_space<vmem>>, vector<256x128xf32>
      %get3A_87 = arith.constant 0 : index
      %get3A_88 = arith.constant 0 : index
      %get3A_89 = vector.load %arg10[%get3A_87, %get3A_88] : memref<128x64xf32, #tpu.memory_space<vmem>>, vector<128x64xf32>
      %dot_general3A_90 = arith.constant dense<0.000000e+00> : vector<256x64xf32>
      %dot_general3A_91 = tpu.matmul %get3A_86, %get3A_89, %dot_general3A_90 {dimension_numbers = #tpu.dot_dimension_numbers<[1], [0], [0], [1], [0, 0, 1, 1], [], []>, transpose_lhs_hint = false} : vector<256x128xf32>, vector<128x64xf32>, vector<256x64xf32> -> vector<256x64xf32>
      %get3A_92 = arith.constant 0 : index
      %get3A_93 = arith.constant 0 : index
      %get3A_94 = vector.load %arg11[%get3A_92, %get3A_93] : memref<1x64xf32, #tpu.memory_space<vmem>>, vector<1x64xf32>
      %add3A_95 = vector.broadcast %get3A_94 : vector<1x64xf32> to vector<256x64xf32>
      %add3A_96 = arith.addf %dot_general3A_91, %add3A_95 : vector<256x64xf32>
      %max3A_97 = arith.constant 0.000000e+00 : f32
      %max3A_98 = vector.broadcast %max3A_97 : f32 to vector<256x64xf32>
      %max3A_99 = arith.maximumf %add3A_96, %max3A_98 : vector<256x64xf32>
      %get3A_100 = arith.constant 0 : index
      %get3A_101 = arith.constant 0 : index
      %get3A_102 = vector.load %arg12[%get3A_100, %get3A_101] : memref<64x1xf32, #tpu.memory_space<vmem>>, vector<64x1xf32>
      %dot_general3A_103 = arith.constant dense<0.000000e+00> : vector<256x1xf32>
      %dot_general3A_104 = tpu.matmul %max3A_99, %get3A_102, %dot_general3A_103 {dimension_numbers = #tpu.dot_dimension_numbers<[1], [0], [0], [1], [0, 0, 1, 1], [], []>, transpose_lhs_hint = false} : vector<256x64xf32>, vector<64x1xf32>, vector<256x1xf32> -> vector<256x1xf32>
      %get3A_105 = arith.constant 0 : index
      %get3A_106 = arith.constant 0 : index
      %get3A_107 = vector.load %arg13[%get3A_105, %get3A_106] : memref<1x1xf32, #tpu.memory_space<vmem>>, vector<1x1xf32>
      %add3A_108 = vector.broadcast %get3A_107 : vector<1x1xf32> to vector<256x1xf32>
      %add3A_109 = arith.addf %dot_general3A_104, %add3A_108 : vector<256x1xf32>
      %swap3A = arith.constant 0 : index
      %swap3A_110 = arith.constant 0 : index
      %swap3A_111 = vector.load %arg14[%swap3A, %swap3A_110] : memref<256x1xf32, #tpu.memory_space<vmem>>, vector<256x1xf32>
      tpu.vector_store %arg14[%swap3A, %swap3A_110], %add3A_109 {strides = array<i32>} : memref<256x1xf32, #tpu.memory_space<vmem>>, vector<256x1xf32>,
    } else {
    }
    return
  }
  func.func @transform_0(%arg0: i32) -> (i32, i32, i32) {
    %c0_i32 = arith.constant 0 : i32
    %c0_i32_0 = arith.constant 0 : i32
    %c0_i32_1 = arith.constant 0 : i32
    return %arg0, %c0_i32, %c0_i32_0 : i32, i32, i32
  }
  func.func @transform_1(%arg0: i32) -> (i32, i32, i32) {
    %c0_i32 = arith.constant 0 : i32
    %c0_i32_0 = arith.constant 0 : i32
    %c0_i32_1 = arith.constant 0 : i32
    return %c0_i32, %arg0, %c0_i32_0 : i32, i32, i32
  }
  func.func @transform_2(%arg0: i32) -> (i32, i32, i32) {
    %c0_i32 = arith.constant 0 : i32
    %c0_i32_0 = arith.constant 0 : i32
    %c0_i32_1 = arith.constant 0 : i32
    return %c0_i32, %arg0, %c0_i32_0 : i32, i32, i32
  }
  func.func @transform_3(%arg0: i32) -> (i32, i32, i32) {
    %c0_i32 = arith.constant 0 : i32
    %c0_i32_0 = arith.constant 0 : i32
    %c0_i32_1 = arith.constant 0 : i32
    return %arg0, %c0_i32, %c0_i32_0 : i32, i32, i32
  }
  func.func @transform_4(%arg0: i32) -> (i32, i32) {
    %c0_i32 = arith.constant 0 : i32
    %c0_i32_0 = arith.constant 0 : i32
    %c0_i32_1 = arith.constant 0 : i32
    return %c0_i32, %c0_i32_0 : i32, i32
  }
  func.func @transform_5(%arg0: i32) -> (i32, i32) {
    %c0_i32 = arith.constant 0 : i32
    %c0_i32_0 = arith.constant 0 : i32
    %c0_i32_1 = arith.constant 0 : i32
    return %c0_i32, %c0_i32_0 : i32, i32
  }
  func.func @transform_6(%arg0: i32) -> (i32, i32) {
    %c0_i32 = arith.constant 0 : i32
    %c0_i32_0 = arith.constant 0 : i32
    %c0_i32_1 = arith.constant 0 : i32
    return %c0_i32, %c0_i32_0 : i32, i32
  }
  func.func @transform_7(%arg0: i32) -> (i32, i32) {
    %c0_i32 = arith.constant 0 : i32
    %c0_i32_0 = arith.constant 0 : i32
    %c0_i32_1 = arith.constant 0 : i32
    return %c0_i32, %c0_i32_0 : i32, i32
  }
  func.func @transform_8(%arg0: i32) -> (i32, i32) {
    %c0_i32 = arith.constant 0 : i32
    %c0_i32_0 = arith.constant 0 : i32
    %c0_i32_1 = arith.constant 0 : i32
    return %c0_i32, %c0_i32_0 : i32, i32
  }
  func.func @transform_9(%arg0: i32) -> (i32, i32) {
    %c0_i32 = arith.constant 0 : i32
    %c0_i32_0 = arith.constant 0 : i32
    %c0_i32_1 = arith.constant 0 : i32
    return %c0_i32, %c0_i32_0 : i32, i32
  }
  func.func @transform_10(%arg0: i32) -> (i32, i32) {
    %c0_i32 = arith.constant 0 : i32
    %c0_i32_0 = arith.constant 0 : i32
    %c0_i32_1 = arith.constant 0 : i32
    return %c0_i32, %c0_i32_0 : i32, i32
  }
  func.func @transform_11(%arg0: i32) -> (i32, i32) {
    %c0_i32 = arith.constant 0 : i32
    %c0_i32_0 = arith.constant 0 : i32
    %c0_i32_1 = arith.constant 0 : i32
    return %c0_i32, %c0_i32_0 : i32, i32
  }
  func.func @transform_12(%arg0: i32) -> (i32, i32) {
    %c0_i32 = arith.constant 0 : i32
    %c0_i32_0 = arith.constant 0 : i32
    %c0_i32_1 = arith.constant 0 : i32
    return %c0_i32, %c0_i32_0 : i32, i32
  }
  func.func @transform_13(%arg0: i32) -> (i32, i32) {
    %c0_i32 = arith.constant 0 : i32
    %c0_i32_0 = arith.constant 0 : i32
    %c0_i32_1 = arith.constant 0 : i32
    return %c0_i32, %c0_i32_0 : i32, i32
  }
}

</mosaic_0001>

<sc_bundles>
// kernel: kernel.11.cloned.1.call-start
scs
__scs_entry_jumppad:
0x0: {  	(pc) =	sbr.rel $0x88, $3  }
0x1: {  	(tag) =	ssettag $0x0;
	lr =	simm.s32 $0x1  }
0x2: {  	[smem:$0x3F8F] =	sst lr;
	_ =	strace $0xD0000000  }
0x3: {  	_ = 	snop  }
0x4: {  	_ = 	snop  }
0x5: {  	_ = 	snop  }
0x6: {  	_ = 	snop  }
0x7: {  	_ = 	snop  }
__scs_overlays_trampoline_lowered:
0x8: {  	[smem:$0x3F9E] =	sst s0  }
0x9: {  	[smem:$0x3F9F] =	sst s1  }
0xa: {  	[smem:$0x3FA0] =	sst s2  }
0xb: {  	[smem:$0x3FA1] =	sst s3  }
0xc: {  	[smem:$0x3FA2] =	sst s4  }
0xd: {  	[smem:$0x3FA3] =	sst s5  }
0xe: {  	[smem:$0x3FA4] =	sst s6  }
0xf: {  	[smem:$0x3FA5] =	sst s7  }
0x10: {  	[smem:$0x3FA6] =	sst s8  }
0x11: {  	[smem:$0x3FA7] =	sst s9;
	s0 =	simm.s32 @!p0 $0x0  }
0x12: {  	s1 =	sld [smem:$0x3F8D];
	s0 =	simm.s32 @p0 $0x1  }
0x13: {  	[smem:$0x3FA8] =	sst s0;
	s0 =	simm.s32 @!p1 $0x0  }
0x14: {  	s2 =	sld [smem:$0x3F8C];
	s0 =	simm.s32 @p1 $0x1  }
0x15: {  	[smem:$0x3FA9] =	sst s0;
	s0 =	simm.s32 @!p2 $0x0  }
0x16: {  	s3 =	sld [smem:$0x3FDB];
	s0 =	simm.s32 @p2 $0x1  }
0x17: {  	s4 =	simm.s32 $0x1BF5;
	[smem:$0x3FAB] =	sst s0  }
0x18: {  	s0 =	sld [smem:$0x3F8E];
	_ =	swait.ge [sflag:s4], $0x0  }
0x19: {  	s7 =	sld [smem:$0x3F8F]  }
0x1a: {  	s8 =	sadd.s32 $0xFFFFE003, lr  }
0x1b: {  	s9 =	sadd.s32 $0xFFFFFEF7, lr;
	s5 =	simm.s32 $0xFFFFFFFF;
	p2 =	slt.u32 s8, $0xFFFFF086  }
0x1c: {  	p1 =	slt.u32 s9, $0xF7A;
	s5 =	simm.s32 @!p2 $0x0  }
0x1d: {  	s5 =	simm.s32 @p1 $0x1;
	p0 =	seq.s32 s7, s2  }
0x1e: {  	s7 =	smul.u32 @!p0 $0xF7A, s2;
	p2 =	seq.s32 @!p0 s5, $0x0  }
0x1f: {  	s9 =	smul.u32 $0xF7A, s1;
	s8 =	simm.s32 @!p0 $0x1BF5;
	p2 =	por !p2, p0  }
0x20: {  	[sflag:s8] =	ssyncset.s32 @!p0 $0xFFFFF086;
	s6 =	sadd.s32 @!p0 s3, s7;
	s7 =	simm.s32 @!p0 $0x108  }
0x21: {  	s3 =	sadd.s32 s3, s9;
	s6 =	sadd.s32 @!p0 $0x88, s6;
	s7 =	simm.s32 @p2 $0x1082  }
0x22: {  	[simem:s7], [sflag:s8] =	dma.local @!p0 [hbm:s6], $0xF7A  }
0x23: {  	s9 =	sor.u32 $0xD0000000, s2;
	s6 =	simm.s32 $0x108;
	_ =	swait.ge @!p0 [sflag:s8], $0x0  }
0x24: {  	s3 =	sadd.s32 $0x88, s3;
	s6 =	simm.s32 @!p1 $0x1082;
	[sflag:s4] =	ssyncset.s32 $0xFFFFF086  }
0x25: {  	[simem:s6], [sflag:s4] =	dma.local [hbm:s3], $0xF7A  }
0x26: {  	[smem:$0x3F8F] =	sst s1;
	(tag) =	ssettag s2;
	_ =	strace s9  }
0x27: {  	s1 =	sld [smem:$0x3F9F]  }
0x28: {  	s2 =	sld [smem:$0x3FA0]  }
0x29: {  	s4 =	sld [smem:$0x3FA2]  }
0x2a: {  	p0 =	seq.s32 s5, $0x0;
	s5 =	sld [smem:$0x3FA3]  }
0x2b: {  	s6 =	sld [smem:$0x3FA4]  }
0x2c: {  	s7 =	sld [smem:$0x3FA5]  }
0x2d: {  	s3 =	simm.s32 $0x108;
	s8 =	sld [smem:$0x3FA6]  }
0x2e: {  	s3 =	simm.s32 @!p0 $0x1082;
	s9 =	sld [smem:$0x3FA7]  }
0x2f: {  	lr =	sadd.s32 s0, s3;
	s0 =	sld [smem:$0x3F9E]  }
0x30: {  	s3 =	sld [smem:$0x3FA1]  }
0x31: {  	[smem:$0x3FAA] =	sst s10  }
0x32: {  	s10 =	sld [smem:$0x3FA8];
	_ =	sdelay $0x3  }
0x33: {  	p0 =	seq.s32 s10, $0x1;
	s10 =	sld [smem:$0x3FAA];
	_ =	sdelay $0x3  }
0x34: {  	[smem:$0x3FAA] =	sst s10  }
0x35: {  	s10 =	sld [smem:$0x3FA9];
	_ =	sdelay $0x3  }
0x36: {  	p1 =	seq.s32 s10, $0x1;
	s10 =	sld [smem:$0x3FAA];
	_ =	sdelay $0x3  }
0x37: {  	[smem:$0x3FAA] =	sst s10  }
0x38: {  	s10 =	sld [smem:$0x3FAB]  }
0x39: {  	_ = 	snop;
	(pc) =	sbr.ind lr, $3  }
0x3a: {  	_ = 	snop  }
0x3b: {  	_ = 	snop  }
0x3c: {  	p2 =	seq.s32 s10, $0x1;
	s10 =	sld [smem:$0x3FAA]  }
0x3d: {  	_ =	shalt  }
0x3e: {  	_ =	shalt  }
0x3f: {  	_ =	shalt  }
0x40: {  	_ =	shalt  }
0x41: {  	_ =	shalt  }
0x42: {  	_ =	shalt  }
0x43: {  	_ =	shalt  }
0x44: {  	_ =	shalt  }
0x45: {  	_ =	shalt  }
0x46: {  	_ =	shalt  }
0x47: {  	_ =	shalt  }
0x48: {  	_ =	shalt  }
0x49: {  	_ =	shalt  }
0x4a: {  	_ =	shalt  }
0x4b: {  	_ =	shalt  }
0x4c: {  	_ =	shalt  }
0x4d: {  	_ =	shalt  }
0x4e: {  	_ =	shalt  }
0x4f: {  	_ =	shalt  }
0x50: {  	_ =	shalt  }
0x51: {  	_ =	shalt  }
0x52: {  	_ =	shalt  }
0x53: {  	_ =	shalt  }
0x54: {  	_ =	shalt  }
0x55: {  	_ =	shalt  }
0x56: {  	_ =	shalt  }
0x57: {  	_ =	shalt  }
0x58: {  	_ =	shalt  }
0x59: {  	_ =	shalt  }
0x5a: {  	_ =	shalt  }
0x5b: {  	_ =	shalt  }
0x5c: {  	_ =	shalt  }
0x5d: {  	_ =	shalt  }
0x5e: {  	_ =	shalt  }
0x5f: {  	_ =	shalt  }
0x60: {  	_ =	shalt  }
0x61: {  	_ =	shalt  }
0x62: {  	_ =	shalt  }
0x63: {  	_ =	shalt  }
0x64: {  	_ =	shalt  }
0x65: {  	_ =	shalt  }
0x66: {  	_ =	shalt  }
0x67: {  	_ =	shalt  }
0x68: {  	_ =	shalt  }
0x69: {  	_ =	shalt  }
0x6a: {  	_ =	shalt  }
0x6b: {  	_ =	shalt  }
0x6c: {  	_ =	shalt  }
0x6d: {  	_ =	shalt  }
0x6e: {  	_ =	shalt  }
0x6f: {  	_ =	shalt  }
0x70: {  	_ =	shalt  }
0x71: {  	_ =	shalt  }
0x72: {  	_ =	shalt  }
0x73: {  	_ =	shalt  }
0x74: {  	_ =	shalt  }
0x75: {  	_ =	shalt  }
0x76: {  	_ =	shalt  }
0x77: {  	_ =	shalt  }
0x78: {  	_ =	shalt  }
0x79: {  	_ =	shalt  }
0x7a: {  	_ =	shalt  }
0x7b: {  	_ =	shalt  }
0x7c: {  	_ =	shalt  }
0x7d: {  	_ =	shalt  }
0x7e: {  	_ =	shalt  }
0x7f: {  	_ =	shalt  }
0x80: {  	_ =	shalt  }
0x81: {  	_ =	shalt  }
0x82: {  	_ =	shalt  }
0x83: {  	_ =	shalt  }
0x84: {  	_ =	shalt  }
0x85: {  	_ =	shalt  }
0x86: {  	_ =	shalt  }
0x87: {  	_ =	shalt  }
.Lfunc_end0:
.L_simem_size_0:
called_computation.1_lowered:
.L_overlay_start_0:
0x88: {  	s2 =	sld [smem:$0x3FD9]  }
0x89: {  	s3 =	sld [smem:$0x3FFE];
	_ =	sdelay $0x1  }
0x8a: {  	s1 =	srdreg.scid  }
0x8b: {  	s0 =	sand.u32 $0x1, s1  }
0x8c: {  	s17 =	sshll.u32 s0, $0xA;
	s2 =	sadd.s32 s3, s2  }
0x8d: {  	s2 =	sadd.s32 s2, s17  }
0x8e: {  	[smem:$0x3FB6] =	sst s2  }
0x8f: {  	_ = 	snop  }
0x90: {  	(tm) =	ssettm $0x1  }
0x91: {  	s18 =	sld [smem:$0x3FFB];
	_ =	sdelay $0x3  }
0x92: {  	_ =	strace s18  }
0x93: {  	s2 =	sld [smem:$0x3FFC];
	_ =	sdelay $0x3  }
0x94: {  	_ =	strace s2  }
0x95: {  	s2 =	sld [smem:$0x3FFD];
	_ =	sdelay $0x3  }
0x96: {  	_ =	strace s2  }
0x97: {  	_ =	strace $0x8FFFFFFF  }
0x98: {  	s19 =	sld [smem:$0x3FDB];
	_ =	sdelay $0x1  }
0x99: {  	s20 =	simm.s32 $_scs_section_size  }
0x9a: {  	s4 =	simm.s32 $_size__tile_overlayer_lowered;
	s5 =	simm.s32 $_tile_overlayer_lowered  }
0x9b: {  	s6 =	simm.s32 $0x1BFF;
	s21 =	sshll.u32 s5, $0x1;
	s3 =	sadd.s32 s20, s19  }
0x9c: {  	s22 =	simm.s32 $0x0;
	s4 =	sshll.u32 s4, $0x1;
	s5 =	sadd.s32 s21, s3  }
0x9d: {  	[timem:s22], [sflag:s6] =	dma.local [hbm:s5], s4  }
0x9e: {  	_ =	swait.ge [sflag:s6], s4  }
0x9f: {  	s4 =	ssub.s32 $0x0, s4;
	[sflag:s6] =	ssyncset.done $0x0  }
0xa0: {  	[sflag:s6] =	ssyncadd.s32 s4;
	_ =	sdelay $0x1  }
0xa1: {  	s23 =	simm.s32 $0x1B8B  }
0xa2: {  	_ =	swait.ge [sflag:s23], $0x1  }
0xa3: {  	[sflag:s23] =	ssyncset.done $0x0  }
0xa4: {  	[sflag:s23] =	ssyncadd.s32 $0xFFFFFFFF  }
0xa5: {  	s4 =	sld [smem:$0x0]  }
0xa6: {  	s5 =	sand.u32 $0xFFFFFFFE, s1  }
0xa7: {  	p0 =	sne.s32 s1, s5  }
0xa8: {  	s5 =	sshll.u32 @p0 s5, $0xE  }
0xa9: {  	s5 =	sadd.s32 @p0 $0x11B8D, s5;
	s6 =	sshll.u32 @p0 s4, $0x11  }
0xaa: {  	s5 =	sor.u32 @p0 s6, s5  }
0xab: {  	[sflag:s5] =	ssyncadd.remote.s32 @p0 $0x1;
	_ =	sdelay $0x1  }
0xac: {  	s5 =	simm.s32 @p0 $0x1B8D  }
0xad: {  	_ =	swait.eq @p0 [sflag:s5], $0x1  }
0xae: {  	[sflag:s5] =	ssyncadd.s32 @p0 $0xFFFFFFFF  }
0xaf: {  	s6 =	sshll.u32 @!p0 s1, $0xE  }
0xb0: {  	s6 =	sor.u32 @!p0 $0x4000, s6;
	s5 =	simm.s32 @!p0 $0x1B8D  }
0xb1: {  	s4 =	sshll.u32 @!p0 s4, $0x11;
	s6 =	sadd.s32 @!p0 $0x11B8D, s6;
	_ =	swait.eq @!p0 [sflag:s5], $0x1  }
0xb2: {  	s4 =	sor.u32 @!p0 s4, s6;
	[sflag:s5] =	ssyncadd.s32 @!p0 $0xFFFFFFFF  }
0xb3: {  	s25 =	simm.s32 $0x1B8E;
	s24 =	sld [smem:$0x3FFE];
	[sflag:s4] =	ssyncadd.remote.s32 @!p0 $0x1  }
0xb4: {  	s26 =	simm.s32 $execute0_lowered;
	[smem:$0x3FD2] =	sst s25  }
0xb5: {  	s5 =	sshll.u32 s26, $0x1;
	_ =	strace $0x8000004C;
	[dreg:$0x1] =	wrdreg $0xFFFFFFFF  }
0xb6: {  	s28 =	simm.s32 $_size_execute0_lowered;
	s3 =	sadd.s32 s3, s5;
	[dreg:$0x0] =	wrdreg $0x0  }
0xb7: {  	s5 =	sshll.u32 s28, $0x1;
	[dreg:$0x2] =	wrdreg s3  }
0xb8: {  	[dreg:$0x3] =	wrdreg s5  }
0xb9: {  	[dreg:$0x4] =	wrdreg $0xC0  }
0xba: {  	_ =	task [dreg:s22], $0x5FFFF  }
0xbb: {  	[dreg:$0x1] =	wrdreg $0xFFFFFFFF  }
0xbc: {  	[dreg:$0x0] =	wrdreg $0x60  }
0xbd: {  	[dreg:$0x2] =	wrdreg s24  }
0xbe: {  	[dreg:$0x3] =	wrdreg $0xC6000  }
0xbf: {  	[dreg:$0x4] =	wrdreg $0x9  }
0xc0: {  	_ =	task.clear_ibuf [dreg:s22], $0x5FFFF;
	_ =	strace $0x9000004C  }
0xc1: {  	s29 =	simm.s32 $0x9;
	_ =	strace $0x8000004E  }
0xc2: {  	_ =	swait.ge [sflag:s29], $0x1  }
0xc3: {  	[sflag:s29] =	ssyncadd.s32 $0xFFFFFFFF  }
0xc4: {  	_ =	strace $0x9000004E  }
0xc5: {  	_ =	sfence  }
0xc6: {  	s30 =	sld [smem:$0x0];
	_ =	sdelay $0x2  }
0xc7: {  	s31 =	sshll.u32 s1, $0xD;
	s1 =	sshrl.u32 s1, $0x2  }
0xc8: {  	s4 =	sand.u32 $0x4000, s31;
	s1 =	sadd.s32 s1, s30  }
0xc9: {  	s0 =	sor.u32 s4, s0;
	s1 =	sshll.u32 s1, $0x11  }
0xca: {  	s0 =	sor.u32 s1, s0  }
0xcb: {  	s0 =	sadd.s32 $0x8F2B, s0  }
0xcc: {  	[sflag:s0] =	ssyncadd.remote.s32 $0x1  }
0xcd: {  	_ =	sfence.sel $0xFFFF  }
0xce: {  	[dreg:$0x0] =	wrdreg $0xFFFFFFFF;
	(pc) =	sbr.abs _section_cstart, $3  }
0xcf: {  	[dreg:$0x1] =	wrdreg $0xFFFFFFFF  }
0xd0: {  	_ =	task.clear_ibuf [dreg:s22], $0x2FFFF;
	_ =	strace $0x9FFFFFFF  }
0xd1: {  	(tm) =	ssettm $0x7FFFFFFF  }
tec
execute0_lowered:
.L_overlay_start_1:
0x0: {  	(tag) =	ssettag $0x1  }
0x1: {  	s0 =	srdreg.scid  }
0x2: {  	s22 =	stileid.u32;
	s3 =	rddreg [dreg:$0x0];
	s31 =	simm.s32 $0x80  }
0x3: {  	s0 =	sand.u32 $0x1, s0;
	s6 =	smul.u32 $0x4E000, s22;
	s7 =	sadd.s32 $0x2FD600, s3  }
0x4: {  	s9 =	smul.u32 $0x13800, s22;
	s10 =	sadd.s32 $0x57D600, s3;
	p0 =	sne.s32 s22, $0xF  }
0x5: {  	s1 =	sshll.u32 s0, $0x4;
	s5 =	ssub.s32 $0x2, s0;
	s13 =	smul.u32 $0x138800, s0  }
0x6: {  	s0 =	smul.u32 $0x13880, s0;
	s2 =	sor.u32 s22, s1;
	s1 =	simm.s32 $0x0  }
0x7: {  	s8 =	sshrl.u32 s5, $0x1;
	s11 =	sadd.s32 $0x8000, s9;
	s18 =	sadd.s32 $0xC000, s9  }
0x8: {  	s19 =	sadd.s32 $0x10000, s9;
	s6 =	sshrl.u32 s6, $0x2;
	s4 =	smul.u32 $0x1388, s2  }
0x9: {  	[smem:$0x7FF] =	sst s1;
	s5 =	ssub.s32 s5, s8;
	s2 =	smul.u32 $0x13880, s2  }
0xa: {  	s8 =	sadd.s32 $0x4000, s9;
	s9 =	sadd.s32 s9, s13;
	s17 =	sadd.s32 s13, s11  }
0xb: {  	s24 =	sadd.s32 s13, s18;
	s26 =	sadd.s32 s13, s19;
	s9 =	sshrl.u32 s9, $0x3  }
0xc: {  	s15 =	sadd.s32 s13, s8;
	s23 =	sshrl.u32 s17, $0x3;
	s25 =	sshrl.u32 s24, $0x3  }
0xd: {  	s28 =	sshrl.u32 s26, $0x3;
	s2 =	sadd.s32 s7, s2;
	s20 =	sadd.s32 $0x100, s4  }
0xe: {  	s21 =	sadd.s32 $0x1380, s4;
	s9 =	sadd.s32 s10, s9;
	s16 =	sshrl.u32 s15, $0x3  }
0xf: {  	[dreg:$0x3] =	wrdreg s2;
	s2 =	sadd.s32 $0x80, s4;
	s29 =	sshll.u32 s20, $0x4  }
0x10: {  	s14 =	sshll.u32 s21, $0x4;
	[dreg:$0x7] =	wrdreg s9;
	s9 =	sadd.s32 s10, s16  }
0x11: {  	s12 =	sshll.u32 s2, $0x4;
	[dreg:$0x8] =	wrdreg s9;
	s9 =	sadd.s32 s10, s23  }
0x12: {  	s20 =	sshrl.u32 s20, $0x3;
	s12 =	sadd.s32 s7, s12;
	[dreg:$0x9] =	wrdreg s9  }
0x13: {  	s21 =	sshrl.u32 s21, $0x3;
	s9 =	sadd.s32 s10, s25;
	[dreg:$0x4] =	wrdreg s12  }
0x14: {  	s2 =	sshrl.u32 s2, $0x3;
	s12 =	sadd.s32 s7, s29;
	[dreg:$0xa] =	wrdreg s9  }
0x15: {  	s9 =	sadd.s32 s10, s28;
	s29 =	smul.u32 $0x13880, s22;
	s28 =	smax.u32 s5, $0x1  }
0x16: {  	s5 =	simm.s32 $0x5;
	[dreg:$0x5] =	wrdreg s12;
	s12 =	sadd.s32 s7, s14  }
0x17: {  	[dreg:$0xb] =	wrdreg s9;
	s7 =	sadd.s32 s13, s7;
	s13 =	sshrl.u32 s13, $0x3  }
0x18: {  	s14 =	smul.u32 $0x1388, s22;
	s9 =	simm.s32 $0x0;
	[dreg:$0x6] =	wrdreg s12  }
0x19: {  	s12 =	rddreg [dreg:$0x1];
	s10 =	sadd.s32 s10, s13;
	s13 =	sadd.s32 s29, s7  }
0x1a: {  	s7 =	simm.s32 $0xC180;
	s0 =	sadd.s32 s14, s0;
	_ =	strace $0x8000004D  }
0x1b: {  	s14 =	sadd.s32 $0x1600, s3;
	s15 =	sadd.s32 s6, s12;
	s16 =	sadd.s32 s8, s12  }
0x1c: {  	s17 =	sadd.s32 s11, s12;
	s18 =	sadd.s32 s18, s12;
	s11 =	sshrl.u32 s4, $0x3  }
0x1d: {  	s19 =	sadd.s32 s19, s12;
	s25 =	sadd.s32 $0x27000, s10;
	[dreg:$0x11] =	wrdreg s28  }
0x1e: {  	s30 =	sadd.s32 $0x138000, s12;
	s4 =	simm.s32 $0x2;
	s6 =	simm.s32 $0x6  }
0x1f: {  	s8 =	simm.s32 $0xC200;
	s3 =	sadd.s32 s14, s11;
	[dreg:$0x10] =	wrdreg s25  }
0x20: {  	s2 =	sadd.s32 s14, s2;
	s23 =	sadd.s32 s14, s21;
	[dreg:$0xc] =	wrdreg s3  }
0x21: {  	s24 =	sadd.s32 $0x280, s0;
	s26 =	sadd.s32 $0x200, s0;
	[dreg:$0xd] =	wrdreg s2  }
.Ltmp0:
0x22: {  	s2 =	sadd.s32 s14, s20;
	[dreg:$0xf] =	wrdreg s23;
	(pc) =	sbr.rel .LBB2_1-.Ltmp0, $4  }
0x23: {  	s11 =	simm.s32 $0x7;
	[dreg:$0xe] =	wrdreg s2;
	s2 =	sshrl.u32 s24, $0x3  }
0x24: {  	s29 =	sshrl.u32 s26, $0x3;
	s20 =	sadd.s32 $0x180, s0;
	s2 =	sadd.s32 s2, s14  }
0x25: {  	s0 =	simm.s32 $0x8100;
	[dreg:$0x12] =	wrdreg s2;
	s2 =	sadd.s32 s29, s14  }
0x26: {  	v0 =	vimm.f32 $0.0e+00;
	s3 =	simm.s32 $0x1;
	[dreg:$0x13] =	wrdreg s2;
	s2 =	simm.s32 $0x8180  }
.LBB2_6:
0x27: {  	s10 =	rddreg [dreg:$0xf]  }
0x28: {  	[tilespmem:s7], [sflag:$0x7] =	stream.linear.gather [hbm4b:s10+s1], $0x8, $0x38;
	[tilespmem:$0x1FE80] =	vst v63  }
0x29: {  	_ =	swait.ge [sflag:s11], $0x8  }
0x2a: {  	[sflag:s11] =	ssyncset.done $0x0  }
0x2b: {  	s21 =	rddreg [dreg:$0x6];
	[sflag:s11] =	ssyncadd.s32 $0xFFFFFFF8  }
0x2c: {  	[tilespmem:s8], [sflag:$0x7] =	stream.linear.gather [hbm4b:s21+s1], $0x400, $0x38;
	[tilespmem:$0x1FE80] =	vst v63  }
0x2d: {  	_ =	swait.ge [sflag:s11], $0x400  }
0x2e: {  	[sflag:s11] =	ssyncset.done $0x0  }
0x2f: {  	s22 =	simm.s32 $0x8;
	[sflag:s11] =	ssyncadd.s32 $0xFFFFFC00  }
0x30: {  	[spmem:s12] =	stream.indirect.scatter.add.f32 [tilespmem:s8], [sflag:$0x7], $0x80, s7, s22, $0xb8;
	[tilespmem:$0x1FE80] =	vst v63  }
0x31: {  	_ =	swait.ge [sflag:s11], $0x400  }
0x32: {  	[sflag:s11] =	ssyncset.done $0x0  }
0x33: {  	[sflag:s11] =	ssyncadd.s32 $0xFFFFFC00  }
0x34: {  	[bflag:$0x0] =	sbarrier.arrive $0xFFFF  }
0x35: {  	[tilespmem:s31], [sflag:$0x7] =	stream.linear.gather [spmem:s15], $0x4000, $0x38;
	[tilespmem:$0x1FE80] =	vst v63  }
0x36: {  	_ =	swait.ge [sflag:s11], $0x4000  }
0x37: {  	[sflag:s11] =	ssyncset.done $0x0  }
0x38: {  	s23 =	rddreg [dreg:$0x7];
	[sflag:s11] =	ssyncadd.s32 $0xFFFFC000  }
0x39: {  	[hbm4b:s23+s1] =	stream.linear.scatter [tilespmem:s31], [sflag:$0x7], $0x4000, $0x38;
	[tilespmem:$0x1FE80] =	vst v63  }
0x3a: {  	_ =	swait.ge [sflag:s11], $0x4000  }
0x3b: {  	[sflag:s11] =	ssyncset.done $0x0  }
0x3c: {  	[sflag:s11] =	ssyncadd.s32 $0xFFFFC000  }
0x3d: {  	[tilespmem:s31], [sflag:$0x7] =	stream.linear.gather [spmem:s16], $0x4000, $0x38;
	[tilespmem:$0x1FE80] =	vst v63  }
0x3e: {  	_ =	swait.ge [sflag:s11], $0x4000  }
0x3f: {  	[sflag:s11] =	ssyncset.done $0x0  }
0x40: {  	s24 =	rddreg [dreg:$0x8];
	[sflag:s11] =	ssyncadd.s32 $0xFFFFC000  }
0x41: {  	[hbm4b:s24+s1] =	stream.linear.scatter [tilespmem:s31], [sflag:$0x7], $0x4000, $0x38;
	[tilespmem:$0x1FE80] =	vst v63  }
0x42: {  	_ =	swait.ge [sflag:s11], $0x4000  }
0x43: {  	[sflag:s11] =	ssyncset.done $0x0  }
0x44: {  	[sflag:s11] =	ssyncadd.s32 $0xFFFFC000  }
0x45: {  	[tilespmem:s31], [sflag:$0x7] =	stream.linear.gather [spmem:s17], $0x4000, $0x38;
	[tilespmem:$0x1FE80] =	vst v63  }
0x46: {  	_ =	swait.ge [sflag:s11], $0x4000  }
0x47: {  	[sflag:s11] =	ssyncset.done $0x0  }
0x48: {  	s25 =	rddreg [dreg:$0x9];
	[sflag:s11] =	ssyncadd.s32 $0xFFFFC000  }
0x49: {  	[hbm4b:s25+s1] =	stream.linear.scatter [tilespmem:s31], [sflag:$0x7], $0x4000, $0x38;
	[tilespmem:$0x1FE80] =	vst v63  }
0x4a: {  	_ =	swait.ge [sflag:s11], $0x4000  }
0x4b: {  	[sflag:s11] =	ssyncset.done $0x0  }
0x4c: {  	[sflag:s11] =	ssyncadd.s32 $0xFFFFC000  }
0x4d: {  	[tilespmem:s31], [sflag:$0x7] =	stream.linear.gather [spmem:s18], $0x4000, $0x38;
	[tilespmem:$0x1FE80] =	vst v63  }
0x4e: {  	_ =	swait.ge [sflag:s11], $0x4000  }
0x4f: {  	[sflag:s11] =	ssyncset.done $0x0  }
0x50: {  	s26 =	rddreg [dreg:$0xa];
	[sflag:s11] =	ssyncadd.s32 $0xFFFFC000  }
0x51: {  	[hbm4b:s26+s1] =	stream.linear.scatter [tilespmem:s31], [sflag:$0x7], $0x4000, $0x38;
	[tilespmem:$0x1FE80] =	vst v63  }
0x52: {  	_ =	swait.ge [sflag:s11], $0x4000  }
0x53: {  	[sflag:s11] =	ssyncset.done $0x0  }
0x54: {  	[sflag:s11] =	ssyncadd.s32 $0xFFFFC000  }
0x55: {  	[tilespmem:s31], [sflag:$0x7] =	stream.linear.gather [spmem:s19], $0x3800, $0x38;
	[tilespmem:$0x1FE80] =	vst v63  }
0x56: {  	_ =	swait.ge [sflag:s11], $0x3800  }
0x57: {  	[sflag:s11] =	ssyncset.done $0x0  }
0x58: {  	s28 =	rddreg [dreg:$0xb];
	[sflag:s11] =	ssyncadd.s32 $0xFFFFC800  }
0x59: {  	[hbm4b:s28+s1] =	stream.linear.scatter [tilespmem:s31], [sflag:$0x7], $0x3800, $0x38;
	[tilespmem:$0x1FE80] =	vst v63  }
0x5a: {  	_ =	swait.ge [sflag:s11], $0x3800  }
0x5b: {  	[sflag:s11] =	ssyncset.done $0x0  }
0x5c: {  	s10 =	simm.s32 @!p0 $0x80;
	s21 =	simm.s32 @!p0 $0x7;
	[sflag:s11] =	ssyncadd.s32 $0xFFFFC800  }
0x5d: {  	[tilespmem:s10], [sflag:$0x7] =	stream.linear.gather @!p0 [spmem:s30], $0x800, $0x38;
	[tilespmem:$0x1FE80] =	vst v63  }
0x5e: {  	_ =	swait.ge @!p0 [sflag:s21], $0x800  }
0x5f: {  	[sflag:s21] =	ssyncset.done @!p0 $0x0  }
0x60: {  	s22 =	simm.s32 @!p0 $0x0;
	s23 =	rddreg [dreg:$0x10];
	[sflag:s21] =	ssyncadd.s32 @!p0 $0xFFFFF800  }
0x61: {  	[hbm4b:s23+s22] =	stream.linear.scatter @!p0 [tilespmem:s10], [sflag:$0x7], $0x800, $0x38;
	[tilespmem:$0x1FE80] =	vst v63  }
0x62: {  	_ =	swait.ge @!p0 [sflag:s21], $0x800  }
0x63: {  	s9 =	sadd.s32 $0x1, s9;
	s29 =	rddreg [dreg:$0x11]  }
0x64: {  	p1 =	sne.s32 s9, s29  }
.Ltmp1:
0x65: {  	_ = 	snop;
	(pc) =	sbr.rel @!p1 .LBB2_7-.Ltmp1, $3  }
0x66: {  	_ =	sdelay $0x1  }
0x67: {  	[sflag:s21] =	ssyncset.done @!p0 $0x0  }
0x68: {  	[sflag:s21] =	ssyncadd.s32 @!p0 $0xFFFFF800  }
.LBB2_1:
0x69: {  	s10 =	simm.s32 $0x0;
	s26 =	simm.s32 $0x200  }
.LBB2_2:
0x6a: {  	p1 =	sne.s32 s26, $0xFE00;
	[tilespmem:s10+$0xF0] =	vst v0  }
0x6b: {  	[tilespmem:s10+$0x80] =	vst v0  }
0x6c: {  	[tilespmem:s10+$0x90] =	vst v0  }
.Ltmp2:
0x6d: {  	[tilespmem:s10+$0xA0] =	vst v0;
	(pc) =	sbr.rel @p1 .LBB2_2-.Ltmp2, $4  }
0x6e: {  	[tilespmem:s10+$0xB0] =	vst v0  }
0x6f: {  	[tilespmem:s10+$0xC0] =	vst v0  }
0x70: {  	[tilespmem:s10+$0xD0] =	vst v0  }
0x71: {  	[tilespmem:s10+$0xE0] =	vst v0;
	s10 =	sshra.s32 s26, $0x2;
	s26 =	sadd.s32 $0x200, s26  }
0x72: {  	[tilespmem:s10+$0xF0] =	vst v0  }
0x73: {  	[tilespmem:s10+$0x80] =	vst v0  }
0x74: {  	[tilespmem:s10+$0x90] =	vst v0  }
0x75: {  	[tilespmem:s10+$0xA0] =	vst v0  }
0x76: {  	[tilespmem:s10+$0xB0] =	vst v0  }
0x77: {  	[tilespmem:s10+$0xC0] =	vst v0  }
0x78: {  	[tilespmem:s10+$0xD0] =	vst v0  }
0x79: {  	[tilespmem:s10+$0xE0] =	vst v0  }
0x7a: {  	[spmem:s15] =	stream.linear.scatter [tilespmem:s31], [sflag:$0x7], $0x4000, $0x38;
	[tilespmem:$0x1FE80] =	vst v63  }
0x7b: {  	_ =	swait.ge [sflag:s11], $0x4000  }
0x7c: {  	[sflag:s11] =	ssyncset.done $0x0  }
0x7d: {  	[sflag:s11] =	ssyncadd.s32 $0xFFFFC000  }
0x7e: {  	[spmem:s16] =	stream.linear.scatter [tilespmem:s31], [sflag:$0x7], $0x4000, $0x38;
	[tilespmem:$0x1FE80] =	vst v63  }
0x7f: {  	_ =	swait.ge [sflag:s11], $0x4000  }
0x80: {  	[sflag:s11] =	ssyncset.done $0x0  }
0x81: {  	[sflag:s11] =	ssyncadd.s32 $0xFFFFC000  }
0x82: {  	[spmem:s17] =	stream.linear.scatter [tilespmem:s31], [sflag:$0x7], $0x4000, $0x38;
	[tilespmem:$0x1FE80] =	vst v63  }
0x83: {  	_ =	swait.ge [sflag:s11], $0x4000  }
0x84: {  	[sflag:s11] =	ssyncset.done $0x0  }
0x85: {  	[sflag:s11] =	ssyncadd.s32 $0xFFFFC000  }
0x86: {  	[spmem:s18] =	stream.linear.scatter [tilespmem:s31], [sflag:$0x7], $0x4000, $0x38;
	[tilespmem:$0x1FE80] =	vst v63  }
0x87: {  	_ =	swait.ge [sflag:s11], $0x4000  }
0x88: {  	[sflag:s11] =	ssyncset.done $0x0  }
0x89: {  	[sflag:s11] =	ssyncadd.s32 $0xFFFFC000  }
0x8a: {  	[spmem:s19] =	stream.linear.scatter [tilespmem:s31], [sflag:$0x7], $0x3800, $0x38;
	[tilespmem:$0x1FE80] =	vst v63  }
0x8b: {  	_ =	swait.ge [sflag:s11], $0x3800  }
0x8c: {  	[sflag:s11] =	ssyncset.done $0x0  }
0x8d: {  	s10 =	simm.s32 @!p0 $0x80;
	[sflag:s11] =	ssyncadd.s32 $0xFFFFC800  }
0x8e: {  	[spmem:s30] =	stream.linear.scatter @!p0 [tilespmem:s10], [sflag:$0x7], $0x800, $0x38;
	[tilespmem:$0x1FE80] =	vst v63  }
0x8f: {  	s10 =	simm.s32 @!p0 $0x7  }
0x90: {  	_ =	swait.ge @!p0 [sflag:s10], $0x800  }
0x91: {  	[sflag:s10] =	ssyncset.done @!p0 $0x0  }
0x92: {  	[sflag:s10] =	ssyncadd.s32 @!p0 $0xFFFFF800  }
0x93: {  	[bflag:$0x0] =	sbarrier.arrive $0xFFFF  }
0x94: {  	s21 =	rddreg [dreg:$0xc]  }
0x95: {  	s10 =	simm.s32 $0x0;
	s25 =	rddreg [dreg:$0x3]  }
0x96: {  	[tilespmem:s10], [sflag:$0x1] =	stream.linear.gather [hbm4b:s21+s10], $0x80, $0x38;
	[tilespmem:$0x1FE80] =	vst v63  }
0x97: {  	s26 =	rddreg [dreg:$0xd]  }
0x98: {  	[tilespmem:s31], [sflag:$0x2] =	stream.linear.gather [hbm4b:s25+s10], $0x4000, $0x38;
	[tilespmem:$0x1FE80] =	vst v63  }
0x99: {  	s22 =	simm.s32 $0x4080;
	s23 =	rddreg [dreg:$0x4]  }
0x9a: {  	[tilespmem:s22], [sflag:$0x3] =	stream.linear.gather [hbm4b:s26+s10], $0x80, $0x38;
	[tilespmem:$0x1FE80] =	vst v63  }
0x9b: {  	s24 =	simm.s32 $0x4100;
	s28 =	rddreg [dreg:$0x13]  }
0x9c: {  	[tilespmem:s24], [sflag:$0x4] =	stream.linear.gather [hbm4b:s23+s10], $0x4000, $0x38;
	[tilespmem:$0x1FE80] =	vst v63  }
0x9d: {  	s25 =	rddreg [dreg:$0xe]  }
0x9e: {  	[tilespmem:s0], [sflag:$0x5] =	stream.linear.gather [hbm4b:s25+s10], $0x80, $0x38;
	[tilespmem:$0x1FE80] =	vst v63  }
0x9f: {  	s26 =	rddreg [dreg:$0x5]  }
0xa0: {  	[tilespmem:s2], [sflag:$0x6] =	stream.linear.gather [hbm4b:s26+s10], $0x4000, $0x38;
	[tilespmem:$0x1FE80] =	vst v63  }
0xa1: {  	s29 =	smov.u32 s20;
	s26 =	rddreg [dreg:$0x12]  }
.LBB2_4:
0xa2: {  	_ =	swait.ge [sflag:s3], $0x80  }
0xa3: {  	[sflag:s3] =	ssyncset.done $0x0  }
0xa4: {  	[sflag:s3] =	ssyncadd.s32 $0xFFFFFF80  }
0xa5: {  	_ =	swait.ge [sflag:s4], $0x4000  }
0xa6: {  	[sflag:s4] =	ssyncset.done $0x0  }
0xa7: {  	[sflag:s4] =	ssyncadd.s32 $0xFFFFC000  }
0xa8: {  	[spmem:s12] =	stream.indirect.scatter.add.f32 [tilespmem:s31], [sflag:$0x7], $0x80, s1, s31, $0xb8;
	[tilespmem:$0x1FE80] =	vst v63  }
0xa9: {  	_ =	swait.ge [sflag:s11], $0x4000  }
0xaa: {  	p1 =	seq.s32 s10, $0x12000;
	[sflag:s11] =	ssyncset.done $0x0  }
0xab: {  	s23 =	simm.s32 @p1 $0x3;
	[sflag:s11] =	ssyncadd.s32 $0xFFFFC000  }
0xac: {  	_ =	swait.ge @p1 [sflag:s23], $0x80  }
0xad: {  	[sflag:s23] =	ssyncset.done @p1 $0x0  }
0xae: {  	[sflag:s23] =	ssyncadd.s32 @p1 $0xFFFFFF80;
	s23 =	simm.s32 @p1 $0x4  }
0xaf: {  	_ =	swait.ge @p1 [sflag:s23], $0x4000  }
0xb0: {  	s24 =	simm.s32 @p1 $0x4080;
	[sflag:s23] =	ssyncset.done @p1 $0x0  }
0xb1: {  	s25 =	simm.s32 @p1 $0x4100;
	[sflag:s23] =	ssyncadd.s32 @p1 $0xFFFFC000;
	s23 =	simm.s32 @p1 $0x80  }
0xb2: {  	[spmem:s12] =	stream.indirect.scatter.add.f32 @p1 [tilespmem:s25], [sflag:$0x7], $0x80, s24, s23, $0xb8;
	[tilespmem:$0x1FE80] =	vst v63  }
0xb3: {  	s23 =	simm.s32 @p1 $0x7  }
0xb4: {  	_ =	swait.ge @p1 [sflag:s23], $0x4000  }
0xb5: {  	s24 =	sshrl.u32 @!p1 s29, $0x3;
	[sflag:s23] =	ssyncset.done @p1 $0x0  }
0xb6: {  	[sflag:s23] =	ssyncadd.s32 @p1 $0xFFFFC000;
	s23 =	sadd.s32 @!p1 s14, s24;
	s24 =	simm.s32 @!p1 $0x0  }
0xb7: {  	[tilespmem:s24], [sflag:$0x1] =	stream.linear.gather @!p1 [hbm4b:s23+s24], $0x80, $0x38;
	[tilespmem:$0x1FE80] =	vst v63  }
0xb8: {  	s23 =	sadd.s32 @!p1 s10, s13  }
0xb9: {  	s22 =	simm.s32 @!p1 $0x80;
	s25 =	sadd.s32 @!p1 $0x1800, s23  }
0xba: {  	[tilespmem:s22], [sflag:$0x2] =	stream.linear.gather @!p1 [hbm4b:s25+s24], $0x4000, $0x38;
	[tilespmem:$0x1FE80] =	vst v63  }
0xbb: {  	s25 =	simm.s32 @!p1 $0x3  }
0xbc: {  	_ =	swait.ge @!p1 [sflag:s25], $0x80  }
0xbd: {  	[sflag:s25] =	ssyncset.done @!p1 $0x0  }
0xbe: {  	[sflag:s25] =	ssyncadd.s32 @!p1 $0xFFFFFF80;
	s25 =	simm.s32 @!p1 $0x4  }
0xbf: {  	_ =	swait.ge @!p1 [sflag:s25], $0x4000  }
0xc0: {  	[sflag:s25] =	ssyncset.done @!p1 $0x0  }
0xc1: {  	s21 =	simm.s32 @!p1 $0x4100;
	[sflag:s25] =	ssyncadd.s32 @!p1 $0xFFFFC000;
	s25 =	simm.s32 @!p1 $0x4080  }
0xc2: {  	[spmem:s12] =	stream.indirect.scatter.add.f32 @!p1 [tilespmem:s21], [sflag:$0x7], $0x80, s25, s22, $0xb8;
	[tilespmem:$0x1FE80] =	vst v63  }
0xc3: {  	s22 =	simm.s32 @!p1 $0x7  }
0xc4: {  	_ =	swait.ge @!p1 [sflag:s22], $0x4000  }
0xc5: {  	[sflag:s22] =	ssyncset.done @!p1 $0x0  }
0xc6: {  	[sflag:s22] =	ssyncadd.s32 @!p1 $0xFFFFC000  }
0xc7: {  	[tilespmem:s25], [sflag:$0x3] =	stream.linear.gather @!p1 [hbm4b:s28+s24], $0x80, $0x38;
	[tilespmem:$0x1FE80] =	vst v63  }
0xc8: {  	s22 =	sadd.s32 @!p1 $0x2000, s23  }
0xc9: {  	[tilespmem:s21], [sflag:$0x4] =	stream.linear.gather @!p1 [hbm4b:s22+s24], $0x4000, $0x38;
	[tilespmem:$0x1FE80] =	vst v63  }
0xca: {  	_ =	swait.ge [sflag:s5], $0x80  }
0xcb: {  	[sflag:s5] =	ssyncset.done $0x0  }
0xcc: {  	[sflag:s5] =	ssyncadd.s32 $0xFFFFFF80  }
0xcd: {  	_ =	swait.ge [sflag:s6], $0x4000  }
0xce: {  	[sflag:s6] =	ssyncset.done $0x0  }
.Ltmp3:
0xcf: {  	[sflag:s6] =	ssyncadd.s32 $0xFFFFC000;
	(pc) =	sbr.rel @p1 .LBB2_6-.Ltmp3, $4  }
0xd0: {  	[spmem:s12] =	stream.indirect.scatter.add.f32 [tilespmem:s2], [sflag:$0x7], $0x80, s0, s31, $0xb8;
	[tilespmem:$0x1FE80] =	vst v63  }
0xd1: {  	_ =	swait.ge [sflag:s11], $0x4000  }
0xd2: {  	[sflag:s11] =	ssyncset.done $0x0  }
0xd3: {  	[sflag:s11] =	ssyncadd.s32 $0xFFFFC000  }
.Ltmp4:
0xd4: {  	(pc) =	sbr.rel .LBB2_4-.Ltmp4, $4  }
0xd5: {  	[tilespmem:s0], [sflag:$0x5] =	stream.linear.gather [hbm4b:s26+s1], $0x80, $0x38;
	[tilespmem:$0x1FE80] =	vst v63  }
0xd6: {  	s21 =	sadd.s32 s10, s13;
	s10 =	sadd.s32 $0x1800, s10;
	s26 =	sadd.s32 $0x30, s26  }
0xd7: {  	s28 =	sadd.s32 $0x30, s28;
	s29 =	sadd.s32 $0x180, s29;
	s21 =	sadd.s32 $0x2800, s21  }
0xd8: {  	[tilespmem:s2], [sflag:$0x6] =	stream.linear.gather [hbm4b:s21+s1], $0x4000, $0x38;
	[tilespmem:$0x1FE80] =	vst v63  }
.LBB2_7:
0xd9: {  	_ =	sfence.sel $0x180000  }
0xda: {  	[bflag:$0x0] =	sbarrier.arrive $0xFFFF  }
0xdb: {  	_ =	strace $0x9000004D  }
0xdc: {  	s0 =	stileid.u32;
	[bflag:$0x2] =	sbarrier.arrive $0xFFFF  }
0xdd: {  	p0 =	sne.s32 s0, $0x0;
	s0 =	rddreg [dreg:$0x2]  }
0xde: {  	s0 =	sadd.s32 @!p0 $0x100000, s0  }
0xdf: {  	[sflag:s0] =	ssyncadd.tile.s32 @!p0 $0x1;
	_ =	shalt  }
.Lfunc_end2:
_tile_overlayer_lowered:
.L_overlay_start_2:
0xe0: {  	(tag) =	ssettag $0x2  }
0xe1: {  	s0 =	rddreg [dreg:$0x0];
	s2 =	stileid.u32  }
0xe2: {  	s1 =	rddreg [dreg:$0x1];
	p0 =	sne.s32 s2, $0x0  }
0xe3: {  	s3 =	rddreg [dreg:$0x2];
	[bflag:$0x3] =	sbarrier.arrive $0xFFFF;
	s2 =	simm.s32 @!p0 $0x1C07  }
0xe4: {  	[timem:s3], [sflag:s2] =	dma.local @!p0 [hbm:s0], s1  }
0xe5: {  	s0 =	simm.s32 @!p0 $0x7  }
0xe6: {  	_ =	swait.ge @!p0 [sflag:s0], s1  }
0xe7: {  	s1 =	ssub.s32 @!p0 $0x0, s1;
	[sflag:s0] =	ssyncset.done @!p0 $0x0  }
0xe8: {  	[sflag:s0] =	ssyncadd.s32 @!p0 s1  }
0xe9: {  	[bflag:$0x3] =	sbarrier.arrive $0xFFFF  }
0xea: {  	_ =	shalt  }

// kernel: kernel.14.cloned.1.call-start
scs
__scs_entry_jumppad:
0x0: {  	(pc) =	sbr.rel $0x88, $3  }
0x1: {  	(tag) =	ssettag $0x0;
	lr =	simm.s32 $0x1  }
0x2: {  	[smem:$0x3F8F] =	sst lr;
	_ =	strace $0xD0000000  }
0x3: {  	_ = 	snop  }
0x4: {  	_ = 	snop  }
0x5: {  	_ = 	snop  }
0x6: {  	_ = 	snop  }
0x7: {  	_ = 	snop  }
__scs_overlays_trampoline_lowered:
0x8: {  	[smem:$0x3F9E] =	sst s0  }
0x9: {  	[smem:$0x3F9F] =	sst s1  }
0xa: {  	[smem:$0x3FA0] =	sst s2  }
0xb: {  	[smem:$0x3FA1] =	sst s3  }
0xc: {  	[smem:$0x3FA2] =	sst s4  }
0xd: {  	[smem:$0x3FA3] =	sst s5  }
0xe: {  	[smem:$0x3FA4] =	sst s6  }
0xf: {  	[smem:$0x3FA5] =	sst s7  }
0x10: {  	[smem:$0x3FA6] =	sst s8  }
0x11: {  	[smem:$0x3FA7] =	sst s9;
	s0 =	simm.s32 @!p0 $0x0  }
0x12: {  	s1 =	sld [smem:$0x3F8D];
	s0 =	simm.s32 @p0 $0x1  }
0x13: {  	[smem:$0x3FA8] =	sst s0;
	s0 =	simm.s32 @!p1 $0x0  }
0x14: {  	s2 =	sld [smem:$0x3F8C];
	s0 =	simm.s32 @p1 $0x1  }
0x15: {  	[smem:$0x3FA9] =	sst s0;
	s0 =	simm.s32 @!p2 $0x0  }
0x16: {  	s3 =	sld [smem:$0x3FDB];
	s0 =	simm.s32 @p2 $0x1  }
0x17: {  	s4 =	simm.s32 $0x1BF5;
	[smem:$0x3FAB] =	sst s0  }
0x18: {  	s0 =	sld [smem:$0x3F8E];
	_ =	swait.ge [sflag:s4], $0x0  }
0x19: {  	s7 =	sld [smem:$0x3F8F]  }
0x1a: {  	s8 =	sadd.s32 $0xFFFFE003, lr  }
0x1b: {  	s9 =	sadd.s32 $0xFFFFFEF7, lr;
	s5 =	simm.s32 $0xFFFFFFFF;
	p2 =	slt.u32 s8, $0xFFFFF086  }
0x1c: {  	p1 =	slt.u32 s9, $0xF7A;
	s5 =	simm.s32 @!p2 $0x0  }
0x1d: {  	s5 =	simm.s32 @p1 $0x1;
	p0 =	seq.s32 s7, s2  }
0x1e: {  	s7 =	smul.u32 @!p0 $0xF7A, s2;
	p2 =	seq.s32 @!p0 s5, $0x0  }
0x1f: {  	s9 =	smul.u32 $0xF7A, s1;
	s8 =	simm.s32 @!p0 $0x1BF5;
	p2 =	por !p2, p0  }
0x20: {  	[sflag:s8] =	ssyncset.s32 @!p0 $0xFFFFF086;
	s6 =	sadd.s32 @!p0 s3, s7;
	s7 =	simm.s32 @!p0 $0x108  }
0x21: {  	s3 =	sadd.s32 s3, s9;
	s6 =	sadd.s32 @!p0 $0x88, s6;
	s7 =	simm.s32 @p2 $0x1082  }
0x22: {  	[simem:s7], [sflag:s8] =	dma.local @!p0 [hbm:s6], $0xF7A  }
0x23: {  	s9 =	sor.u32 $0xD0000000, s2;
	s6 =	simm.s32 $0x108;
	_ =	swait.ge @!p0 [sflag:s8], $0x0  }
0x24: {  	s3 =	sadd.s32 $0x88, s3;
	s6 =	simm.s32 @!p1 $0x1082;
	[sflag:s4] =	ssyncset.s32 $0xFFFFF086  }
0x25: {  	[simem:s6], [sflag:s4] =	dma.local [hbm:s3], $0xF7A  }
0x26: {  	[smem:$0x3F8F] =	sst s1;
	(tag) =	ssettag s2;
	_ =	strace s9  }
0x27: {  	s1 =	sld [smem:$0x3F9F]  }
0x28: {  	s2 =	sld [smem:$0x3FA0]  }
0x29: {  	s4 =	sld [smem:$0x3FA2]  }
0x2a: {  	p0 =	seq.s32 s5, $0x0;
	s5 =	sld [smem:$0x3FA3]  }
0x2b: {  	s6 =	sld [smem:$0x3FA4]  }
0x2c: {  	s7 =	sld [smem:$0x3FA5]  }
0x2d: {  	s3 =	simm.s32 $0x108;
	s8 =	sld [smem:$0x3FA6]  }
0x2e: {  	s3 =	simm.s32 @!p0 $0x1082;
	s9 =	sld [smem:$0x3FA7]  }
0x2f: {  	lr =	sadd.s32 s0, s3;
	s0 =	sld [smem:$0x3F9E]  }
0x30: {  	s3 =	sld [smem:$0x3FA1]  }
0x31: {  	[smem:$0x3FAA] =	sst s10  }
0x32: {  	s10 =	sld [smem:$0x3FA8];
	_ =	sdelay $0x3  }
0x33: {  	p0 =	seq.s32 s10, $0x1;
	s10 =	sld [smem:$0x3FAA];
	_ =	sdelay $0x3  }
0x34: {  	[smem:$0x3FAA] =	sst s10  }
0x35: {  	s10 =	sld [smem:$0x3FA9];
	_ =	sdelay $0x3  }
0x36: {  	p1 =	seq.s32 s10, $0x1;
	s10 =	sld [smem:$0x3FAA];
	_ =	sdelay $0x3  }
0x37: {  	[smem:$0x3FAA] =	sst s10  }
0x38: {  	s10 =	sld [smem:$0x3FAB]  }
0x39: {  	_ = 	snop;
	(pc) =	sbr.ind lr, $3  }
0x3a: {  	_ = 	snop  }
0x3b: {  	_ = 	snop  }
0x3c: {  	p2 =	seq.s32 s10, $0x1;
	s10 =	sld [smem:$0x3FAA]  }
0x3d: {  	_ =	shalt  }
0x3e: {  	_ =	shalt  }
0x3f: {  	_ =	shalt  }
0x40: {  	_ =	shalt  }
0x41: {  	_ =	shalt  }
0x42: {  	_ =	shalt  }
0x43: {  	_ =	shalt  }
0x44: {  	_ =	shalt  }
0x45: {  	_ =	shalt  }
0x46: {  	_ =	shalt  }
0x47: {  	_ =	shalt  }
0x48: {  	_ =	shalt  }
0x49: {  	_ =	shalt  }
0x4a: {  	_ =	shalt  }
0x4b: {  	_ =	shalt  }
0x4c: {  	_ =	shalt  }
0x4d: {  	_ =	shalt  }
0x4e: {  	_ =	shalt  }
0x4f: {  	_ =	shalt  }
0x50: {  	_ =	shalt  }
0x51: {  	_ =	shalt  }
0x52: {  	_ =	shalt  }
0x53: {  	_ =	shalt  }
0x54: {  	_ =	shalt  }
0x55: {  	_ =	shalt  }
0x56: {  	_ =	shalt  }
0x57: {  	_ =	shalt  }
0x58: {  	_ =	shalt  }
0x59: {  	_ =	shalt  }
0x5a: {  	_ =	shalt  }
0x5b: {  	_ =	shalt  }
0x5c: {  	_ =	shalt  }
0x5d: {  	_ =	shalt  }
0x5e: {  	_ =	shalt  }
0x5f: {  	_ =	shalt  }
0x60: {  	_ =	shalt  }
0x61: {  	_ =	shalt  }
0x62: {  	_ =	shalt  }
0x63: {  	_ =	shalt  }
0x64: {  	_ =	shalt  }
0x65: {  	_ =	shalt  }
0x66: {  	_ =	shalt  }
0x67: {  	_ =	shalt  }
0x68: {  	_ =	shalt  }
0x69: {  	_ =	shalt  }
0x6a: {  	_ =	shalt  }
0x6b: {  	_ =	shalt  }
0x6c: {  	_ =	shalt  }
0x6d: {  	_ =	shalt  }
0x6e: {  	_ =	shalt  }
0x6f: {  	_ =	shalt  }
0x70: {  	_ =	shalt  }
0x71: {  	_ =	shalt  }
0x72: {  	_ =	shalt  }
0x73: {  	_ =	shalt  }
0x74: {  	_ =	shalt  }
0x75: {  	_ =	shalt  }
0x76: {  	_ =	shalt  }
0x77: {  	_ =	shalt  }
0x78: {  	_ =	shalt  }
0x79: {  	_ =	shalt  }
0x7a: {  	_ =	shalt  }
0x7b: {  	_ =	shalt  }
0x7c: {  	_ =	shalt  }
0x7d: {  	_ =	shalt  }
0x7e: {  	_ =	shalt  }
0x7f: {  	_ =	shalt  }
0x80: {  	_ =	shalt  }
0x81: {  	_ =	shalt  }
0x82: {  	_ =	shalt  }
0x83: {  	_ =	shalt  }
0x84: {  	_ =	shalt  }
0x85: {  	_ =	shalt  }
0x86: {  	_ =	shalt  }
0x87: {  	_ =	shalt  }
.Lfunc_end0:
.L_simem_size_0:
called_computation.2_lowered:
.L_overlay_start_0:
0x88: {  	s2 =	sld [smem:$0x3FD9]  }
0x89: {  	s3 =	sld [smem:$0x3FFE];
	_ =	sdelay $0x1  }
0x8a: {  	s1 =	srdreg.scid  }
0x8b: {  	s0 =	sand.u32 $0x1, s1  }
0x8c: {  	s16 =	sshll.u32 s0, $0xA;
	s2 =	sadd.s32 s3, s2  }
0x8d: {  	s2 =	sadd.s32 s2, s16  }
0x8e: {  	[smem:$0x3FB6] =	sst s2  }
0x8f: {  	_ = 	snop  }
0x90: {  	(tm) =	ssettm $0x1  }
0x91: {  	s17 =	sld [smem:$0x3FFB];
	_ =	sdelay $0x3  }
0x92: {  	_ =	strace s17  }
0x93: {  	s2 =	sld [smem:$0x3FFC];
	_ =	sdelay $0x3  }
0x94: {  	_ =	strace s2  }
0x95: {  	s2 =	sld [smem:$0x3FFD];
	_ =	sdelay $0x3  }
0x96: {  	_ =	strace s2  }
0x97: {  	_ =	strace $0x8FFFFFFF  }
0x98: {  	s18 =	sld [smem:$0x3FDB];
	_ =	sdelay $0x1  }
0x99: {  	s19 =	simm.s32 $_scs_section_size  }
0x9a: {  	s4 =	simm.s32 $_size__tile_overlayer_lowered;
	s5 =	simm.s32 $_tile_overlayer_lowered  }
0x9b: {  	s22 =	simm.s32 $0x1BFF;
	s21 =	sshll.u32 s5, $0x1;
	s2 =	sadd.s32 s19, s18  }
0x9c: {  	s6 =	simm.s32 $0x0;
	s20 =	sshll.u32 s4, $0x1;
	s4 =	sadd.s32 s21, s2  }
0x9d: {  	[timem:s6], [sflag:s22] =	dma.local [hbm:s4], s20  }
0x9e: {  	_ =	swait.ge [sflag:s22], s20  }
0x9f: {  	s3 =	ssub.s32 $0x0, s20;
	[sflag:s22] =	ssyncset.done $0x0  }
0xa0: {  	[sflag:s22] =	ssyncadd.s32 s3;
	_ =	sdelay $0x1  }
0xa1: {  	s23 =	simm.s32 $0x1B8B  }
0xa2: {  	_ =	swait.ge [sflag:s23], $0x1  }
0xa3: {  	[sflag:s23] =	ssyncset.done $0x0  }
0xa4: {  	s25 =	simm.s32 $0x1B8E;
	s24 =	sld [smem:$0x3FFE];
	[sflag:s23] =	ssyncadd.s32 $0xFFFFFFFF  }
0xa5: {  	s26 =	simm.s32 $execute0_lowered;
	[smem:$0x3FD2] =	sst s25  }
0xa6: {  	s4 =	sshll.u32 s26, $0x1;
	_ =	strace $0x80000049;
	[dreg:$0x1] =	wrdreg $0xFFFFFFFF  }
0xa7: {  	s28 =	simm.s32 $_size_execute0_lowered;
	s2 =	sadd.s32 s2, s4;
	[dreg:$0x0] =	wrdreg $0x0  }
0xa8: {  	s4 =	sshll.u32 s28, $0x1;
	[dreg:$0x2] =	wrdreg s2  }
0xa9: {  	[dreg:$0x3] =	wrdreg s4  }
0xaa: {  	[dreg:$0x4] =	wrdreg $0xC0  }
0xab: {  	_ =	task [dreg:s6], $0x5FFFF  }
0xac: {  	[dreg:$0x1] =	wrdreg $0xFFFFFFFF  }
0xad: {  	[dreg:$0x0] =	wrdreg $0x60  }
0xae: {  	[dreg:$0x2] =	wrdreg s24  }
0xaf: {  	[dreg:$0x3] =	wrdreg $0xC6000  }
0xb0: {  	[dreg:$0x4] =	wrdreg $0xA  }
0xb1: {  	_ =	task.clear_ibuf [dreg:s6], $0x5FFFF;
	_ =	strace $0x90000049  }
0xb2: {  	s29 =	simm.s32 $0xA;
	_ =	strace $0x8000004B  }
0xb3: {  	_ =	swait.ge [sflag:s29], $0x1  }
0xb4: {  	[sflag:s29] =	ssyncadd.s32 $0xFFFFFFFF  }
0xb5: {  	_ =	strace $0x9000004B  }
0xb6: {  	_ =	sfence  }
0xb7: {  	s30 =	sld [smem:$0x0];
	_ =	sdelay $0x2  }
0xb8: {  	s31 =	sshll.u32 s1, $0xD;
	s1 =	sshrl.u32 s1, $0x2  }
0xb9: {  	s3 =	sand.u32 $0x4000, s31;
	s1 =	sadd.s32 s1, s30  }
0xba: {  	s0 =	sor.u32 s3, s0;
	s1 =	sshll.u32 s1, $0x11  }
0xbb: {  	s0 =	sor.u32 s1, s0  }
0xbc: {  	s0 =	sadd.s32 $0x8F2B, s0  }
0xbd: {  	[sflag:s0] =	ssyncadd.remote.s32 $0x1  }
0xbe: {  	_ =	sfence.sel $0xFFFF  }
0xbf: {  	[dreg:$0x0] =	wrdreg $0xFFFFFFFF;
	(pc) =	sbr.abs _section_cstart, $3  }
0xc0: {  	[dreg:$0x1] =	wrdreg $0xFFFFFFFF  }
0xc1: {  	_ =	task.clear_ibuf [dreg:s6], $0x2FFFF;
	_ =	strace $0x9FFFFFFF  }
0xc2: {  	(tm) =	ssettm $0x7FFFFFFF  }
0xc3: {  	_ =	shalt  }
tec
execute0_lowered:
.L_overlay_start_1:
0x0: {  	(tag) =	ssettag $0x1  }
0x1: {  	s0 =	srdreg.scid  }
0x2: {  	s22 =	stileid.u32;
	s3 =	rddreg [dreg:$0x0];
	s31 =	simm.s32 $0x80  }
0x3: {  	s0 =	sand.u32 $0x1, s0;
	s6 =	smul.u32 $0x4E000, s22;
	s7 =	sadd.s32 $0x2F400, s3  }
0x4: {  	s9 =	smul.u32 $0x13800, s22;
	s10 =	sadd.s32 $0x2AF400, s3;
	p0 =	sne.s32 s22, $0xF  }
0x5: {  	s1 =	sshll.u32 s0, $0x4;
	s5 =	ssub.s32 $0x2, s0;
	s13 =	smul.u32 $0x138800, s0  }
0x6: {  	s0 =	smul.u32 $0x13880, s0;
	s2 =	sor.u32 s22, s1;
	s1 =	simm.s32 $0x0  }
0x7: {  	s8 =	sshrl.u32 s5, $0x1;
	s11 =	sadd.s32 $0x8000, s9;
	s18 =	sadd.s32 $0xC000, s9  }
0x8: {  	s19 =	sadd.s32 $0x10000, s9;
	s6 =	sshrl.u32 s6, $0x2;
	s4 =	smul.u32 $0x1388, s2  }
0x9: {  	[smem:$0x7FF] =	sst s1;
	s5 =	ssub.s32 s5, s8;
	s2 =	smul.u32 $0x13880, s2  }
0xa: {  	s8 =	sadd.s32 $0x4000, s9;
	s9 =	sadd.s32 s9, s13;
	s17 =	sadd.s32 s13, s11  }
0xb: {  	s24 =	sadd.s32 s13, s18;
	s26 =	sadd.s32 s13, s19;
	s9 =	sshrl.u32 s9, $0x3  }
0xc: {  	s15 =	sadd.s32 s13, s8;
	s23 =	sshrl.u32 s17, $0x3;
	s25 =	sshrl.u32 s24, $0x3  }
0xd: {  	s28 =	sshrl.u32 s26, $0x3;
	s2 =	sadd.s32 s7, s2;
	s20 =	sadd.s32 $0x100, s4  }
0xe: {  	s21 =	sadd.s32 $0x1380, s4;
	s9 =	sadd.s32 s10, s9;
	s16 =	sshrl.u32 s15, $0x3  }
0xf: {  	[dreg:$0x3] =	wrdreg s2;
	s2 =	sadd.s32 $0x80, s4;
	s29 =	sshll.u32 s20, $0x4  }
0x10: {  	s14 =	sshll.u32 s21, $0x4;
	[dreg:$0x7] =	wrdreg s9;
	s9 =	sadd.s32 s10, s16  }
0x11: {  	s12 =	sshll.u32 s2, $0x4;
	[dreg:$0x8] =	wrdreg s9;
	s9 =	sadd.s32 s10, s23  }
0x12: {  	s20 =	sshrl.u32 s20, $0x3;
	s12 =	sadd.s32 s7, s12;
	[dreg:$0x9] =	wrdreg s9  }
0x13: {  	s21 =	sshrl.u32 s21, $0x3;
	s9 =	sadd.s32 s10, s25;
	[dreg:$0x4] =	wrdreg s12  }
0x14: {  	s2 =	sshrl.u32 s2, $0x3;
	s12 =	sadd.s32 s7, s29;
	[dreg:$0xa] =	wrdreg s9  }
0x15: {  	s9 =	sadd.s32 s10, s28;
	s29 =	smul.u32 $0x13880, s22;
	s28 =	smax.u32 s5, $0x1  }
0x16: {  	s5 =	simm.s32 $0x5;
	[dreg:$0x5] =	wrdreg s12;
	s12 =	sadd.s32 s7, s14  }
0x17: {  	[dreg:$0xb] =	wrdreg s9;
	s7 =	sadd.s32 s13, s7;
	s13 =	sshrl.u32 s13, $0x3  }
0x18: {  	s14 =	smul.u32 $0x1388, s22;
	s9 =	simm.s32 $0x0;
	[dreg:$0x6] =	wrdreg s12  }
0x19: {  	s12 =	rddreg [dreg:$0x1];
	s10 =	sadd.s32 s10, s13;
	s13 =	sadd.s32 s29, s7  }
0x1a: {  	s7 =	simm.s32 $0xC180;
	s0 =	sadd.s32 s14, s0;
	_ =	strace $0x8000004A  }
0x1b: {  	s14 =	sadd.s32 $0x2A400, s3;
	s15 =	sadd.s32 s6, s12;
	s16 =	sadd.s32 s8, s12  }
0x1c: {  	s17 =	sadd.s32 s11, s12;
	s18 =	sadd.s32 s18, s12;
	s11 =	sshrl.u32 s4, $0x3  }
0x1d: {  	s19 =	sadd.s32 s19, s12;
	s25 =	sadd.s32 $0x27000, s10;
	[dreg:$0x11] =	wrdreg s28  }
0x1e: {  	s30 =	sadd.s32 $0x138000, s12;
	s4 =	simm.s32 $0x2;
	s6 =	simm.s32 $0x6  }
0x1f: {  	s8 =	simm.s32 $0xC200;
	s3 =	sadd.s32 s14, s11;
	[dreg:$0x10] =	wrdreg s25  }
0x20: {  	s2 =	sadd.s32 s14, s2;
	s23 =	sadd.s32 s14, s21;
	[dreg:$0xc] =	wrdreg s3  }
0x21: {  	s24 =	sadd.s32 $0x280, s0;
	s26 =	sadd.s32 $0x200, s0;
	[dreg:$0xd] =	wrdreg s2  }
.Ltmp0:
0x22: {  	s2 =	sadd.s32 s14, s20;
	[dreg:$0xf] =	wrdreg s23;
	(pc) =	sbr.rel .LBB2_1-.Ltmp0, $4  }
0x23: {  	s11 =	simm.s32 $0x7;
	[dreg:$0xe] =	wrdreg s2;
	s2 =	sshrl.u32 s24, $0x3  }
0x24: {  	s29 =	sshrl.u32 s26, $0x3;
	s20 =	sadd.s32 $0x180, s0;
	s2 =	sadd.s32 s2, s14  }
0x25: {  	s0 =	simm.s32 $0x8100;
	[dreg:$0x12] =	wrdreg s2;
	s2 =	sadd.s32 s29, s14  }
0x26: {  	v0 =	vimm.f32 $0.0e+00;
	s3 =	simm.s32 $0x1;
	[dreg:$0x13] =	wrdreg s2;
	s2 =	simm.s32 $0x8180  }
.LBB2_6:
0x27: {  	s10 =	rddreg [dreg:$0xf]  }
0x28: {  	[tilespmem:s7], [sflag:$0x7] =	stream.linear.gather [hbm4b:s10+s1], $0x8, $0x38;
	[tilespmem:$0x1FE80] =	vst v63  }
0x29: {  	_ =	swait.ge [sflag:s11], $0x8  }
0x2a: {  	[sflag:s11] =	ssyncset.done $0x0  }
0x2b: {  	s21 =	rddreg [dreg:$0x6];
	[sflag:s11] =	ssyncadd.s32 $0xFFFFFFF8  }
0x2c: {  	[tilespmem:s8], [sflag:$0x7] =	stream.linear.gather [hbm4b:s21+s1], $0x400, $0x38;
	[tilespmem:$0x1FE80] =	vst v63  }
0x2d: {  	_ =	swait.ge [sflag:s11], $0x400  }
0x2e: {  	[sflag:s11] =	ssyncset.done $0x0  }
0x2f: {  	s22 =	simm.s32 $0x8;
	[sflag:s11] =	ssyncadd.s32 $0xFFFFFC00  }
0x30: {  	[spmem:s12] =	stream.indirect.scatter.add.f32 [tilespmem:s8], [sflag:$0x7], $0x80, s7, s22, $0xb8;
	[tilespmem:$0x1FE80] =	vst v63  }
0x31: {  	_ =	swait.ge [sflag:s11], $0x400  }
0x32: {  	[sflag:s11] =	ssyncset.done $0x0  }
0x33: {  	[sflag:s11] =	ssyncadd.s32 $0xFFFFFC00  }
0x34: {  	[bflag:$0x0] =	sbarrier.arrive $0xFFFF  }
0x35: {  	[tilespmem:s31], [sflag:$0x7] =	stream.linear.gather [spmem:s15], $0x4000, $0x38;
	[tilespmem:$0x1FE80] =	vst v63  }
0x36: {  	_ =	swait.ge [sflag:s11], $0x4000  }
0x37: {  	[sflag:s11] =	ssyncset.done $0x0  }
0x38: {  	s23 =	rddreg [dreg:$0x7];
	[sflag:s11] =	ssyncadd.s32 $0xFFFFC000  }
0x39: {  	[hbm4b:s23+s1] =	stream.linear.scatter [tilespmem:s31], [sflag:$0x7], $0x4000, $0x38;
	[tilespmem:$0x1FE80] =	vst v63  }
0x3a: {  	_ =	swait.ge [sflag:s11], $0x4000  }
0x3b: {  	[sflag:s11] =	ssyncset.done $0x0  }
0x3c: {  	[sflag:s11] =	ssyncadd.s32 $0xFFFFC000  }
0x3d: {  	[tilespmem:s31], [sflag:$0x7] =	stream.linear.gather [spmem:s16], $0x4000, $0x38;
	[tilespmem:$0x1FE80] =	vst v63  }
0x3e: {  	_ =	swait.ge [sflag:s11], $0x4000  }
0x3f: {  	[sflag:s11] =	ssyncset.done $0x0  }
0x40: {  	s24 =	rddreg [dreg:$0x8];
	[sflag:s11] =	ssyncadd.s32 $0xFFFFC000  }
0x41: {  	[hbm4b:s24+s1] =	stream.linear.scatter [tilespmem:s31], [sflag:$0x7], $0x4000, $0x38;
	[tilespmem:$0x1FE80] =	vst v63  }
0x42: {  	_ =	swait.ge [sflag:s11], $0x4000  }
0x43: {  	[sflag:s11] =	ssyncset.done $0x0  }
0x44: {  	[sflag:s11] =	ssyncadd.s32 $0xFFFFC000  }
0x45: {  	[tilespmem:s31], [sflag:$0x7] =	stream.linear.gather [spmem:s17], $0x4000, $0x38;
	[tilespmem:$0x1FE80] =	vst v63  }
0x46: {  	_ =	swait.ge [sflag:s11], $0x4000  }
0x47: {  	[sflag:s11] =	ssyncset.done $0x0  }
0x48: {  	s25 =	rddreg [dreg:$0x9];
	[sflag:s11] =	ssyncadd.s32 $0xFFFFC000  }
0x49: {  	[hbm4b:s25+s1] =	stream.linear.scatter [tilespmem:s31], [sflag:$0x7], $0x4000, $0x38;
	[tilespmem:$0x1FE80] =	vst v63  }
0x4a: {  	_ =	swait.ge [sflag:s11], $0x4000  }
0x4b: {  	[sflag:s11] =	ssyncset.done $0x0  }
0x4c: {  	[sflag:s11] =	ssyncadd.s32 $0xFFFFC000  }
0x4d: {  	[tilespmem:s31], [sflag:$0x7] =	stream.linear.gather [spmem:s18], $0x4000, $0x38;
	[tilespmem:$0x1FE80] =	vst v63  }
0x4e: {  	_ =	swait.ge [sflag:s11], $0x4000  }
0x4f: {  	[sflag:s11] =	ssyncset.done $0x0  }
0x50: {  	s26 =	rddreg [dreg:$0xa];
	[sflag:s11] =	ssyncadd.s32 $0xFFFFC000  }
0x51: {  	[hbm4b:s26+s1] =	stream.linear.scatter [tilespmem:s31], [sflag:$0x7], $0x4000, $0x38;
	[tilespmem:$0x1FE80] =	vst v63  }
0x52: {  	_ =	swait.ge [sflag:s11], $0x4000  }
0x53: {  	[sflag:s11] =	ssyncset.done $0x0  }
0x54: {  	[sflag:s11] =	ssyncadd.s32 $0xFFFFC000  }
0x55: {  	[tilespmem:s31], [sflag:$0x7] =	stream.linear.gather [spmem:s19], $0x3800, $0x38;
	[tilespmem:$0x1FE80] =	vst v63  }
0x56: {  	_ =	swait.ge [sflag:s11], $0x3800  }
0x57: {  	[sflag:s11] =	ssyncset.done $0x0  }
0x58: {  	s28 =	rddreg [dreg:$0xb];
	[sflag:s11] =	ssyncadd.s32 $0xFFFFC800  }
0x59: {  	[hbm4b:s28+s1] =	stream.linear.scatter [tilespmem:s31], [sflag:$0x7], $0x3800, $0x38;
	[tilespmem:$0x1FE80] =	vst v63  }
0x5a: {  	_ =	swait.ge [sflag:s11], $0x3800  }
0x5b: {  	[sflag:s11] =	ssyncset.done $0x0  }
0x5c: {  	s10 =	simm.s32 @!p0 $0x80;
	s21 =	simm.s32 @!p0 $0x7;
	[sflag:s11] =	ssyncadd.s32 $0xFFFFC800  }
0x5d: {  	[tilespmem:s10], [sflag:$0x7] =	stream.linear.gather @!p0 [spmem:s30], $0x800, $0x38;
	[tilespmem:$0x1FE80] =	vst v63  }
0x5e: {  	_ =	swait.ge @!p0 [sflag:s21], $0x800  }
0x5f: {  	[sflag:s21] =	ssyncset.done @!p0 $0x0  }
0x60: {  	s22 =	simm.s32 @!p0 $0x0;
	s23 =	rddreg [dreg:$0x10];
	[sflag:s21] =	ssyncadd.s32 @!p0 $0xFFFFF800  }
0x61: {  	[hbm4b:s23+s22] =	stream.linear.scatter @!p0 [tilespmem:s10], [sflag:$0x7], $0x800, $0x38;
	[tilespmem:$0x1FE80] =	vst v63  }
0x62: {  	_ =	swait.ge @!p0 [sflag:s21], $0x800  }
0x63: {  	s9 =	sadd.s32 $0x1, s9;
	s29 =	rddreg [dreg:$0x11]  }
0x64: {  	p1 =	sne.s32 s9, s29  }
.Ltmp1:
0x65: {  	_ = 	snop;
	(pc) =	sbr.rel @!p1 .LBB2_7-.Ltmp1, $3  }
0x66: {  	_ =	sdelay $0x1  }
0x67: {  	[sflag:s21] =	ssyncset.done @!p0 $0x0  }
0x68: {  	[sflag:s21] =	ssyncadd.s32 @!p0 $0xFFFFF800  }
.LBB2_1:
0x69: {  	s10 =	simm.s32 $0x0;
	s26 =	simm.s32 $0x200  }
.LBB2_2:
0x6a: {  	p1 =	sne.s32 s26, $0xFE00;
	[tilespmem:s10+$0xF0] =	vst v0  }
0x6b: {  	[tilespmem:s10+$0x80] =	vst v0  }
0x6c: {  	[tilespmem:s10+$0x90] =	vst v0  }
.Ltmp2:
0x6d: {  	[tilespmem:s10+$0xA0] =	vst v0;
	(pc) =	sbr.rel @p1 .LBB2_2-.Ltmp2, $4  }
0x6e: {  	[tilespmem:s10+$0xB0] =	vst v0  }
0x6f: {  	[tilespmem:s10+$0xC0] =	vst v0  }
0x70: {  	[tilespmem:s10+$0xD0] =	vst v0  }
0x71: {  	[tilespmem:s10+$0xE0] =	vst v0;
	s10 =	sshra.s32 s26, $0x2;
	s26 =	sadd.s32 $0x200, s26  }
0x72: {  	[tilespmem:s10+$0xF0] =	vst v0  }
0x73: {  	[tilespmem:s10+$0x80] =	vst v0  }
0x74: {  	[tilespmem:s10+$0x90] =	vst v0  }
0x75: {  	[tilespmem:s10+$0xA0] =	vst v0  }
0x76: {  	[tilespmem:s10+$0xB0] =	vst v0  }
0x77: {  	[tilespmem:s10+$0xC0] =	vst v0  }
0x78: {  	[tilespmem:s10+$0xD0] =	vst v0  }
0x79: {  	[tilespmem:s10+$0xE0] =	vst v0  }
0x7a: {  	[spmem:s15] =	stream.linear.scatter [tilespmem:s31], [sflag:$0x7], $0x4000, $0x38;
	[tilespmem:$0x1FE80] =	vst v63  }
0x7b: {  	_ =	swait.ge [sflag:s11], $0x4000  }
0x7c: {  	[sflag:s11] =	ssyncset.done $0x0  }
0x7d: {  	[sflag:s11] =	ssyncadd.s32 $0xFFFFC000  }
0x7e: {  	[spmem:s16] =	stream.linear.scatter [tilespmem:s31], [sflag:$0x7], $0x4000, $0x38;
	[tilespmem:$0x1FE80] =	vst v63  }
0x7f: {  	_ =	swait.ge [sflag:s11], $0x4000  }
0x80: {  	[sflag:s11] =	ssyncset.done $0x0  }
0x81: {  	[sflag:s11] =	ssyncadd.s32 $0xFFFFC000  }
0x82: {  	[spmem:s17] =	stream.linear.scatter [tilespmem:s31], [sflag:$0x7], $0x4000, $0x38;
	[tilespmem:$0x1FE80] =	vst v63  }
0x83: {  	_ =	swait.ge [sflag:s11], $0x4000  }
0x84: {  	[sflag:s11] =	ssyncset.done $0x0  }
0x85: {  	[sflag:s11] =	ssyncadd.s32 $0xFFFFC000  }
0x86: {  	[spmem:s18] =	stream.linear.scatter [tilespmem:s31], [sflag:$0x7], $0x4000, $0x38;
	[tilespmem:$0x1FE80] =	vst v63  }
0x87: {  	_ =	swait.ge [sflag:s11], $0x4000  }
0x88: {  	[sflag:s11] =	ssyncset.done $0x0  }
0x89: {  	[sflag:s11] =	ssyncadd.s32 $0xFFFFC000  }
0x8a: {  	[spmem:s19] =	stream.linear.scatter [tilespmem:s31], [sflag:$0x7], $0x3800, $0x38;
	[tilespmem:$0x1FE80] =	vst v63  }
0x8b: {  	_ =	swait.ge [sflag:s11], $0x3800  }
0x8c: {  	[sflag:s11] =	ssyncset.done $0x0  }
0x8d: {  	s10 =	simm.s32 @!p0 $0x80;
	[sflag:s11] =	ssyncadd.s32 $0xFFFFC800  }
0x8e: {  	[spmem:s30] =	stream.linear.scatter @!p0 [tilespmem:s10], [sflag:$0x7], $0x800, $0x38;
	[tilespmem:$0x1FE80] =	vst v63  }
0x8f: {  	s10 =	simm.s32 @!p0 $0x7  }
0x90: {  	_ =	swait.ge @!p0 [sflag:s10], $0x800  }
0x91: {  	[sflag:s10] =	ssyncset.done @!p0 $0x0  }
0x92: {  	[sflag:s10] =	ssyncadd.s32 @!p0 $0xFFFFF800  }
0x93: {  	[bflag:$0x0] =	sbarrier.arrive $0xFFFF  }
0x94: {  	s21 =	rddreg [dreg:$0xc]  }
0x95: {  	s10 =	simm.s32 $0x0;
	s25 =	rddreg [dreg:$0x3]  }
0x96: {  	[tilespmem:s10], [sflag:$0x1] =	stream.linear.gather [hbm4b:s21+s10], $0x80, $0x38;
	[tilespmem:$0x1FE80] =	vst v63  }
0x97: {  	s26 =	rddreg [dreg:$0xd]  }
0x98: {  	[tilespmem:s31], [sflag:$0x2] =	stream.linear.gather [hbm4b:s25+s10], $0x4000, $0x38;
	[tilespmem:$0x1FE80] =	vst v63  }
0x99: {  	s22 =	simm.s32 $0x4080;
	s23 =	rddreg [dreg:$0x4]  }
0x9a: {  	[tilespmem:s22], [sflag:$0x3] =	stream.linear.gather [hbm4b:s26+s10], $0x80, $0x38;
	[tilespmem:$0x1FE80] =	vst v63  }
0x9b: {  	s24 =	simm.s32 $0x4100;
	s28 =	rddreg [dreg:$0x13]  }
0x9c: {  	[tilespmem:s24], [sflag:$0x4] =	stream.linear.gather [hbm4b:s23+s10], $0x4000, $0x38;
	[tilespmem:$0x1FE80] =	vst v63  }
0x9d: {  	s25 =	rddreg [dreg:$0xe]  }
0x9e: {  	[tilespmem:s0], [sflag:$0x5] =	stream.linear.gather [hbm4b:s25+s10], $0x80, $0x38;
	[tilespmem:$0x1FE80] =	vst v63  }
0x9f: {  	s26 =	rddreg [dreg:$0x5]  }
0xa0: {  	[tilespmem:s2], [sflag:$0x6] =	stream.linear.gather [hbm4b:s26+s10], $0x4000, $0x38;
	[tilespmem:$0x1FE80] =	vst v63  }
0xa1: {  	s29 =	smov.u32 s20;
	s26 =	rddreg [dreg:$0x12]  }
.LBB2_4:
0xa2: {  	_ =	swait.ge [sflag:s3], $0x80  }
0xa3: {  	[sflag:s3] =	ssyncset.done $0x0  }
0xa4: {  	[sflag:s3] =	ssyncadd.s32 $0xFFFFFF80  }
0xa5: {  	_ =	swait.ge [sflag:s4], $0x4000  }
0xa6: {  	[sflag:s4] =	ssyncset.done $0x0  }
0xa7: {  	[sflag:s4] =	ssyncadd.s32 $0xFFFFC000  }
0xa8: {  	[spmem:s12] =	stream.indirect.scatter.add.f32 [tilespmem:s31], [sflag:$0x7], $0x80, s1, s31, $0xb8;
	[tilespmem:$0x1FE80] =	vst v63  }
0xa9: {  	_ =	swait.ge [sflag:s11], $0x4000  }
0xaa: {  	p1 =	seq.s32 s10, $0x12000;
	[sflag:s11] =	ssyncset.done $0x0  }
0xab: {  	s23 =	simm.s32 @p1 $0x3;
	[sflag:s11] =	ssyncadd.s32 $0xFFFFC000  }
0xac: {  	_ =	swait.ge @p1 [sflag:s23], $0x80  }
0xad: {  	[sflag:s23] =	ssyncset.done @p1 $0x0  }
0xae: {  	[sflag:s23] =	ssyncadd.s32 @p1 $0xFFFFFF80;
	s23 =	simm.s32 @p1 $0x4  }
0xaf: {  	_ =	swait.ge @p1 [sflag:s23], $0x4000  }
0xb0: {  	s24 =	simm.s32 @p1 $0x4080;
	[sflag:s23] =	ssyncset.done @p1 $0x0  }
0xb1: {  	s25 =	simm.s32 @p1 $0x4100;
	[sflag:s23] =	ssyncadd.s32 @p1 $0xFFFFC000;
	s23 =	simm.s32 @p1 $0x80  }
0xb2: {  	[spmem:s12] =	stream.indirect.scatter.add.f32 @p1 [tilespmem:s25], [sflag:$0x7], $0x80, s24, s23, $0xb8;
	[tilespmem:$0x1FE80] =	vst v63  }
0xb3: {  	s23 =	simm.s32 @p1 $0x7  }
0xb4: {  	_ =	swait.ge @p1 [sflag:s23], $0x4000  }
0xb5: {  	s24 =	sshrl.u32 @!p1 s29, $0x3;
	[sflag:s23] =	ssyncset.done @p1 $0x0  }
0xb6: {  	[sflag:s23] =	ssyncadd.s32 @p1 $0xFFFFC000;
	s23 =	sadd.s32 @!p1 s14, s24;
	s24 =	simm.s32 @!p1 $0x0  }
0xb7: {  	[tilespmem:s24], [sflag:$0x1] =	stream.linear.gather @!p1 [hbm4b:s23+s24], $0x80, $0x38;
	[tilespmem:$0x1FE80] =	vst v63  }
0xb8: {  	s23 =	sadd.s32 @!p1 s10, s13  }
0xb9: {  	s22 =	simm.s32 @!p1 $0x80;
	s25 =	sadd.s32 @!p1 $0x1800, s23  }
0xba: {  	[tilespmem:s22], [sflag:$0x2] =	stream.linear.gather @!p1 [hbm4b:s25+s24], $0x4000, $0x38;
	[tilespmem:$0x1FE80] =	vst v63  }
0xbb: {  	s25 =	simm.s32 @!p1 $0x3  }
0xbc: {  	_ =	swait.ge @!p1 [sflag:s25], $0x80  }
0xbd: {  	[sflag:s25] =	ssyncset.done @!p1 $0x0  }
0xbe: {  	[sflag:s25] =	ssyncadd.s32 @!p1 $0xFFFFFF80;
	s25 =	simm.s32 @!p1 $0x4  }
0xbf: {  	_ =	swait.ge @!p1 [sflag:s25], $0x4000  }
0xc0: {  	[sflag:s25] =	ssyncset.done @!p1 $0x0  }
0xc1: {  	s21 =	simm.s32 @!p1 $0x4100;
	[sflag:s25] =	ssyncadd.s32 @!p1 $0xFFFFC000;
	s25 =	simm.s32 @!p1 $0x4080  }
0xc2: {  	[spmem:s12] =	stream.indirect.scatter.add.f32 @!p1 [tilespmem:s21], [sflag:$0x7], $0x80, s25, s22, $0xb8;
	[tilespmem:$0x1FE80] =	vst v63  }
0xc3: {  	s22 =	simm.s32 @!p1 $0x7  }
0xc4: {  	_ =	swait.ge @!p1 [sflag:s22], $0x4000  }
0xc5: {  	[sflag:s22] =	ssyncset.done @!p1 $0x0  }
0xc6: {  	[sflag:s22] =	ssyncadd.s32 @!p1 $0xFFFFC000  }
0xc7: {  	[tilespmem:s25], [sflag:$0x3] =	stream.linear.gather @!p1 [hbm4b:s28+s24], $0x80, $0x38;
	[tilespmem:$0x1FE80] =	vst v63  }
0xc8: {  	s22 =	sadd.s32 @!p1 $0x2000, s23  }
0xc9: {  	[tilespmem:s21], [sflag:$0x4] =	stream.linear.gather @!p1 [hbm4b:s22+s24], $0x4000, $0x38;
	[tilespmem:$0x1FE80] =	vst v63  }
0xca: {  	_ =	swait.ge [sflag:s5], $0x80  }
0xcb: {  	[sflag:s5] =	ssyncset.done $0x0  }
0xcc: {  	[sflag:s5] =	ssyncadd.s32 $0xFFFFFF80  }
0xcd: {  	_ =	swait.ge [sflag:s6], $0x4000  }
0xce: {  	[sflag:s6] =	ssyncset.done $0x0  }
.Ltmp3:
0xcf: {  	[sflag:s6] =	ssyncadd.s32 $0xFFFFC000;
	(pc) =	sbr.rel @p1 .LBB2_6-.Ltmp3, $4  }
0xd0: {  	[spmem:s12] =	stream.indirect.scatter.add.f32 [tilespmem:s2], [sflag:$0x7], $0x80, s0, s31, $0xb8;
	[tilespmem:$0x1FE80] =	vst v63  }
0xd1: {  	_ =	swait.ge [sflag:s11], $0x4000  }
0xd2: {  	[sflag:s11] =	ssyncset.done $0x0  }
0xd3: {  	[sflag:s11] =	ssyncadd.s32 $0xFFFFC000  }
.Ltmp4:
0xd4: {  	(pc) =	sbr.rel .LBB2_4-.Ltmp4, $4  }
0xd5: {  	[tilespmem:s0], [sflag:$0x5] =	stream.linear.gather [hbm4b:s26+s1], $0x80, $0x38;
	[tilespmem:$0x1FE80] =	vst v63  }
0xd6: {  	s21 =	sadd.s32 s10, s13;
	s10 =	sadd.s32 $0x1800, s10;
	s26 =	sadd.s32 $0x30, s26  }
0xd7: {  	s28 =	sadd.s32 $0x30, s28;
	s29 =	sadd.s32 $0x180, s29;
	s21 =	sadd.s32 $0x2800, s21  }
0xd8: {  	[tilespmem:s2], [sflag:$0x6] =	stream.linear.gather [hbm4b:s21+s1], $0x4000, $0x38;
	[tilespmem:$0x1FE80] =	vst v63  }
.LBB2_7:
0xd9: {  	_ =	sfence.sel $0x180000  }
0xda: {  	[bflag:$0x0] =	sbarrier.arrive $0xFFFF  }
0xdb: {  	_ =	strace $0x9000004A  }
0xdc: {  	s0 =	stileid.u32;
	[bflag:$0x2] =	sbarrier.arrive $0xFFFF  }
0xdd: {  	p0 =	sne.s32 s0, $0x0;
	s0 =	rddreg [dreg:$0x2]  }
0xde: {  	s0 =	sadd.s32 @!p0 $0x100000, s0  }
0xdf: {  	[sflag:s0] =	ssyncadd.tile.s32 @!p0 $0x1;
	_ =	shalt  }
.Lfunc_end2:
_tile_overlayer_lowered:
.L_overlay_start_2:
0xe0: {  	(tag) =	ssettag $0x2  }
0xe1: {  	s0 =	rddreg [dreg:$0x0];
	s2 =	stileid.u32  }
0xe2: {  	s1 =	rddreg [dreg:$0x1];
	p0 =	sne.s32 s2, $0x0  }
0xe3: {  	s3 =	rddreg [dreg:$0x2];
	[bflag:$0x3] =	sbarrier.arrive $0xFFFF;
	s2 =	simm.s32 @!p0 $0x1C07  }
0xe4: {  	[timem:s3], [sflag:s2] =	dma.local @!p0 [hbm:s0], s1  }
0xe5: {  	s0 =	simm.s32 @!p0 $0x7  }
0xe6: {  	_ =	swait.ge @!p0 [sflag:s0], s1  }
0xe7: {  	s1 =	ssub.s32 @!p0 $0x0, s1;
	[sflag:s0] =	ssyncset.done @!p0 $0x0  }
0xe8: {  	[sflag:s0] =	ssyncadd.s32 @!p0 s1  }
0xe9: {  	[bflag:$0x3] =	sbarrier.arrive $0xFFFF  }
0xea: {  	_ =	shalt  }

// kernel: kernel.8.cloned.1.call-start
scs
__scs_entry_jumppad:
0x0: {  	(pc) =	sbr.rel $0x88, $3  }
0x1: {  	(tag) =	ssettag $0x0;
	lr =	simm.s32 $0x1  }
0x2: {  	[smem:$0x3F8F] =	sst lr;
	_ =	strace $0xD0000000  }
0x3: {  	_ = 	snop  }
0x4: {  	_ = 	snop  }
0x5: {  	_ = 	snop  }
0x6: {  	_ = 	snop  }
0x7: {  	_ = 	snop  }
__scs_overlays_trampoline_lowered:
0x8: {  	[smem:$0x3F9E] =	sst s0  }
0x9: {  	[smem:$0x3F9F] =	sst s1  }
0xa: {  	[smem:$0x3FA0] =	sst s2  }
0xb: {  	[smem:$0x3FA1] =	sst s3  }
0xc: {  	[smem:$0x3FA2] =	sst s4  }
0xd: {  	[smem:$0x3FA3] =	sst s5  }
0xe: {  	[smem:$0x3FA4] =	sst s6  }
0xf: {  	[smem:$0x3FA5] =	sst s7  }
0x10: {  	[smem:$0x3FA6] =	sst s8  }
0x11: {  	[smem:$0x3FA7] =	sst s9;
	s0 =	simm.s32 @!p0 $0x0  }
0x12: {  	s1 =	sld [smem:$0x3F8D];
	s0 =	simm.s32 @p0 $0x1  }
0x13: {  	[smem:$0x3FA8] =	sst s0;
	s0 =	simm.s32 @!p1 $0x0  }
0x14: {  	s2 =	sld [smem:$0x3F8C];
	s0 =	simm.s32 @p1 $0x1  }
0x15: {  	[smem:$0x3FA9] =	sst s0;
	s0 =	simm.s32 @!p2 $0x0  }
0x16: {  	s3 =	sld [smem:$0x3FDB];
	s0 =	simm.s32 @p2 $0x1  }
0x17: {  	s4 =	simm.s32 $0x1BF5;
	[smem:$0x3FAB] =	sst s0  }
0x18: {  	s0 =	sld [smem:$0x3F8E];
	_ =	swait.ge [sflag:s4], $0x0  }
0x19: {  	s7 =	sld [smem:$0x3F8F]  }
0x1a: {  	s8 =	sadd.s32 $0xFFFFE003, lr  }
0x1b: {  	s9 =	sadd.s32 $0xFFFFFEF7, lr;
	s5 =	simm.s32 $0xFFFFFFFF;
	p2 =	slt.u32 s8, $0xFFFFF086  }
0x1c: {  	p1 =	slt.u32 s9, $0xF7A;
	s5 =	simm.s32 @!p2 $0x0  }
0x1d: {  	s5 =	simm.s32 @p1 $0x1;
	p0 =	seq.s32 s7, s2  }
0x1e: {  	s7 =	smul.u32 @!p0 $0xF7A, s2;
	p2 =	seq.s32 @!p0 s5, $0x0  }
0x1f: {  	s9 =	smul.u32 $0xF7A, s1;
	s8 =	simm.s32 @!p0 $0x1BF5;
	p2 =	por !p2, p0  }
0x20: {  	[sflag:s8] =	ssyncset.s32 @!p0 $0xFFFFF086;
	s6 =	sadd.s32 @!p0 s3, s7;
	s7 =	simm.s32 @!p0 $0x108  }
0x21: {  	s3 =	sadd.s32 s3, s9;
	s6 =	sadd.s32 @!p0 $0x88, s6;
	s7 =	simm.s32 @p2 $0x1082  }
0x22: {  	[simem:s7], [sflag:s8] =	dma.local @!p0 [hbm:s6], $0xF7A  }
0x23: {  	s9 =	sor.u32 $0xD0000000, s2;
	s6 =	simm.s32 $0x108;
	_ =	swait.ge @!p0 [sflag:s8], $0x0  }
0x24: {  	s3 =	sadd.s32 $0x88, s3;
	s6 =	simm.s32 @!p1 $0x1082;
	[sflag:s4] =	ssyncset.s32 $0xFFFFF086  }
0x25: {  	[simem:s6], [sflag:s4] =	dma.local [hbm:s3], $0xF7A  }
0x26: {  	[smem:$0x3F8F] =	sst s1;
	(tag) =	ssettag s2;
	_ =	strace s9  }
0x27: {  	s1 =	sld [smem:$0x3F9F]  }
0x28: {  	s2 =	sld [smem:$0x3FA0]  }
0x29: {  	s4 =	sld [smem:$0x3FA2]  }
0x2a: {  	p0 =	seq.s32 s5, $0x0;
	s5 =	sld [smem:$0x3FA3]  }
0x2b: {  	s6 =	sld [smem:$0x3FA4]  }
0x2c: {  	s7 =	sld [smem:$0x3FA5]  }
0x2d: {  	s3 =	simm.s32 $0x108;
	s8 =	sld [smem:$0x3FA6]  }
0x2e: {  	s3 =	simm.s32 @!p0 $0x1082;
	s9 =	sld [smem:$0x3FA7]  }
0x2f: {  	lr =	sadd.s32 s0, s3;
	s0 =	sld [smem:$0x3F9E]  }
0x30: {  	s3 =	sld [smem:$0x3FA1]  }
0x31: {  	[smem:$0x3FAA] =	sst s10  }
0x32: {  	s10 =	sld [smem:$0x3FA8];
	_ =	sdelay $0x3  }
0x33: {  	p0 =	seq.s32 s10, $0x1;
	s10 =	sld [smem:$0x3FAA];
	_ =	sdelay $0x3  }
0x34: {  	[smem:$0x3FAA] =	sst s10  }
0x35: {  	s10 =	sld [smem:$0x3FA9];
	_ =	sdelay $0x3  }
0x36: {  	p1 =	seq.s32 s10, $0x1;
	s10 =	sld [smem:$0x3FAA];
	_ =	sdelay $0x3  }
0x37: {  	[smem:$0x3FAA] =	sst s10  }
0x38: {  	s10 =	sld [smem:$0x3FAB]  }
0x39: {  	_ = 	snop;
	(pc) =	sbr.ind lr, $3  }
0x3a: {  	_ = 	snop  }
0x3b: {  	_ = 	snop  }
0x3c: {  	p2 =	seq.s32 s10, $0x1;
	s10 =	sld [smem:$0x3FAA]  }
0x3d: {  	_ =	shalt  }
0x3e: {  	_ =	shalt  }
0x3f: {  	_ =	shalt  }
0x40: {  	_ =	shalt  }
0x41: {  	_ =	shalt  }
0x42: {  	_ =	shalt  }
0x43: {  	_ =	shalt  }
0x44: {  	_ =	shalt  }
0x45: {  	_ =	shalt  }
0x46: {  	_ =	shalt  }
0x47: {  	_ =	shalt  }
0x48: {  	_ =	shalt  }
0x49: {  	_ =	shalt  }
0x4a: {  	_ =	shalt  }
0x4b: {  	_ =	shalt  }
0x4c: {  	_ =	shalt  }
0x4d: {  	_ =	shalt  }
0x4e: {  	_ =	shalt  }
0x4f: {  	_ =	shalt  }
0x50: {  	_ =	shalt  }
0x51: {  	_ =	shalt  }
0x52: {  	_ =	shalt  }
0x53: {  	_ =	shalt  }
0x54: {  	_ =	shalt  }
0x55: {  	_ =	shalt  }
0x56: {  	_ =	shalt  }
0x57: {  	_ =	shalt  }
0x58: {  	_ =	shalt  }
0x59: {  	_ =	shalt  }
0x5a: {  	_ =	shalt  }
0x5b: {  	_ =	shalt  }
0x5c: {  	_ =	shalt  }
0x5d: {  	_ =	shalt  }
0x5e: {  	_ =	shalt  }
0x5f: {  	_ =	shalt  }
0x60: {  	_ =	shalt  }
0x61: {  	_ =	shalt  }
0x62: {  	_ =	shalt  }
0x63: {  	_ =	shalt  }
0x64: {  	_ =	shalt  }
0x65: {  	_ =	shalt  }
0x66: {  	_ =	shalt  }
0x67: {  	_ =	shalt  }
0x68: {  	_ =	shalt  }
0x69: {  	_ =	shalt  }
0x6a: {  	_ =	shalt  }
0x6b: {  	_ =	shalt  }
0x6c: {  	_ =	shalt  }
0x6d: {  	_ =	shalt  }
0x6e: {  	_ =	shalt  }
0x6f: {  	_ =	shalt  }
0x70: {  	_ =	shalt  }
0x71: {  	_ =	shalt  }
0x72: {  	_ =	shalt  }
0x73: {  	_ =	shalt  }
0x74: {  	_ =	shalt  }
0x75: {  	_ =	shalt  }
0x76: {  	_ =	shalt  }
0x77: {  	_ =	shalt  }
0x78: {  	_ =	shalt  }
0x79: {  	_ =	shalt  }
0x7a: {  	_ =	shalt  }
0x7b: {  	_ =	shalt  }
0x7c: {  	_ =	shalt  }
0x7d: {  	_ =	shalt  }
0x7e: {  	_ =	shalt  }
0x7f: {  	_ =	shalt  }
0x80: {  	_ =	shalt  }
0x81: {  	_ =	shalt  }
0x82: {  	_ =	shalt  }
0x83: {  	_ =	shalt  }
0x84: {  	_ =	shalt  }
0x85: {  	_ =	shalt  }
0x86: {  	_ =	shalt  }
0x87: {  	_ =	shalt  }
.Lfunc_end0:
.L_simem_size_0:
called_computation_lowered:
.L_overlay_start_0:
0x88: {  	s2 =	sld [smem:$0x3FD9]  }
0x89: {  	s3 =	sld [smem:$0x3FFE];
	_ =	sdelay $0x1  }
0x8a: {  	s1 =	srdreg.scid  }
0x8b: {  	s0 =	sand.u32 $0x1, s1  }
0x8c: {  	s17 =	sshll.u32 s0, $0xA;
	s2 =	sadd.s32 s3, s2  }
0x8d: {  	s2 =	sadd.s32 s2, s17  }
0x8e: {  	[smem:$0x3FB6] =	sst s2  }
0x8f: {  	_ = 	snop  }
0x90: {  	s2 =	sld [smem:$0x3FC8];
	(tm) =	ssettm $0x1  }
0x91: {  	s18 =	sld [smem:$0x3FFB];
	_ =	sdelay $0x3  }
0x92: {  	_ =	strace s18  }
0x93: {  	s3 =	sld [smem:$0x3FFC];
	_ =	sdelay $0x3  }
0x94: {  	_ =	strace s3  }
0x95: {  	s3 =	sld [smem:$0x3FFD];
	_ =	sdelay $0x3  }
0x96: {  	_ =	strace s3  }
0x97: {  	_ =	strace $0x8FFFFFFF  }
0x98: {  	s19 =	sld [smem:$0x3FDB];
	_ =	sdelay $0x1  }
0x99: {  	s4 =	simm.s32 $_scs_section_size  }
0x9a: {  	s5 =	simm.s32 $_size__tile_overlayer_lowered;
	s6 =	simm.s32 $_tile_overlayer_lowered  }
0x9b: {  	s22 =	simm.s32 $0x1BFF;
	s21 =	sshll.u32 s6, $0x1;
	s3 =	sadd.s32 s4, s19  }
0x9c: {  	s7 =	simm.s32 $0x0;
	s20 =	sshll.u32 s5, $0x1;
	s5 =	sadd.s32 s21, s3  }
0x9d: {  	[timem:s7], [sflag:s22] =	dma.local [hbm:s5], s20  }
0x9e: {  	_ =	swait.ge [sflag:s22], s20  }
0x9f: {  	s4 =	ssub.s32 $0x0, s20;
	[sflag:s22] =	ssyncset.done $0x0  }
0xa0: {  	[sflag:s22] =	ssyncadd.s32 s4;
	_ =	sdelay $0x1  }
0xa1: {  	s23 =	simm.s32 $0x1B8B  }
0xa2: {  	_ =	swait.ge [sflag:s23], $0x1  }
0xa3: {  	[sflag:s23] =	ssyncset.done $0x0  }
0xa4: {  	s25 =	simm.s32 $0x1B8E;
	s24 =	sld [smem:$0x3FFE];
	[sflag:s23] =	ssyncadd.s32 $0xFFFFFFFF  }
0xa5: {  	s26 =	simm.s32 $execute0_lowered;
	[smem:$0x3FD2] =	sst s25  }
0xa6: {  	s5 =	sshll.u32 s26, $0x1;
	_ =	strace $0x80000046;
	[dreg:$0x1] =	wrdreg $0xFFFFFFFF  }
0xa7: {  	s28 =	simm.s32 $_size_execute0_lowered;
	s3 =	sadd.s32 s3, s5;
	[dreg:$0x0] =	wrdreg $0x0  }
0xa8: {  	s5 =	sshll.u32 s28, $0x1;
	[dreg:$0x2] =	wrdreg s3  }
0xa9: {  	[dreg:$0x3] =	wrdreg s5  }
0xaa: {  	[dreg:$0x4] =	wrdreg $0xC0  }
0xab: {  	_ =	task [dreg:s7], $0x5FFFF  }
0xac: {  	[dreg:$0x1] =	wrdreg $0xFFFFFFFF  }
0xad: {  	[dreg:$0x0] =	wrdreg $0x60  }
0xae: {  	[dreg:$0x2] =	wrdreg s24  }
0xaf: {  	[dreg:$0x3] =	wrdreg s2  }
0xb0: {  	[dreg:$0x4] =	wrdreg $0x9  }
0xb1: {  	_ =	task.clear_ibuf [dreg:s7], $0x5FFFF;
	_ =	strace $0x90000046  }
0xb2: {  	s29 =	simm.s32 $0x9;
	_ =	strace $0x80000048  }
0xb3: {  	_ =	swait.ge [sflag:s29], $0x1  }
0xb4: {  	[sflag:s29] =	ssyncadd.s32 $0xFFFFFFFF  }
0xb5: {  	_ =	strace $0x90000048  }
0xb6: {  	_ =	sfence  }
0xb7: {  	s30 =	sld [smem:$0x0];
	_ =	sdelay $0x2  }
0xb8: {  	s31 =	sshll.u32 s1, $0xD;
	s1 =	sshrl.u32 s1, $0x2  }
0xb9: {  	s3 =	sand.u32 $0x4000, s31;
	s1 =	sadd.s32 s1, s30  }
0xba: {  	s0 =	sor.u32 s3, s0;
	s1 =	sshll.u32 s1, $0x11  }
0xbb: {  	s0 =	sor.u32 s1, s0  }
0xbc: {  	s0 =	sadd.s32 $0x8F2B, s0  }
0xbd: {  	[sflag:s0] =	ssyncadd.remote.s32 $0x1  }
0xbe: {  	_ =	sfence.sel $0xFFFF  }
0xbf: {  	[dreg:$0x0] =	wrdreg $0xFFFFFFFF;
	(pc) =	sbr.abs _section_cstart, $3  }
0xc0: {  	[dreg:$0x1] =	wrdreg $0xFFFFFFFF  }
0xc1: {  	_ =	task.clear_ibuf [dreg:s7], $0x2FFFF;
	_ =	strace $0x9FFFFFFF  }
0xc2: {  	(tm) =	ssettm $0x7FFFFFFF  }
0xc3: {  	_ =	shalt  }
tec
execute0_lowered:
.L_overlay_start_1:
0x0: {  	(tag) =	ssettag $0x1  }
0x1: {  	s7 =	rddreg [dreg:$0x0]  }
0x2: {  	s2 =	rddreg [dreg:$0x1]  }
0x3: {  	s0 =	rddreg [dreg:$0x2]  }
0x4: {  	s4 =	srdreg.scid;
	s1 =	stileid.u32;
	s3 =	simm.s32 $0x0  }
0x5: {  	s12 =	simm.s32 $0x1;
	s13 =	simm.s32 $0x2780;
	s14 =	simm.s32 $0x4F00  }
0x6: {  	s15 =	simm.s32 $0x7680;
	s16 =	simm.s32 $0x9E00;
	s17 =	simm.s32 $0xC580  }
0x7: {  	s18 =	simm.s32 $0xED00;
	s6 =	sand.u32 $0x1, s4;
	s30 =	sshll.u32 s1, $0x1  }
0x8: {  	s19 =	simm.s32 $0x11480;
	s20 =	simm.s32 $0x0;
	s4 =	sor.u32 s6, s30  }
0x9: {  	[smem:$0x7FF] =	sst s3;
	s9 =	ssub.s32 $0x2, s6;
	s8 =	smul.u32 $0x4E2, s4  }
0xa: {  	s5 =	sadd.s32 $0x15800, s7;
	_ =	strace $0x80000047;
	s31 =	sshrl.u32 s9, $0x1  }
0xb: {  	s6 =	sadd.s32 $0x15200, s7;
	s11 =	ssub.s32 s9, s31;
	s10 =	sadd.s32 s8, s7  }
0xc: {  	s4 =	sadd.s32 $0x15E00, s7;
	s11 =	smax.u32 s11, $0x1;
	s7 =	sadd.s32 $0xB400, s10  }
0xd: {  	s8 =	sadd.s32 $0x1600, s10;
	s9 =	sadd.s32 $0x20400, s10;
	s10 =	sadd.s32 $0x16400, s10  }
.LBB2_1:
0xe: {  	[tilespmem:s3], [sflag:$0x1] =	stream.linear.gather [hbm4b:s7+s3], $0x2710, $0x38;
	[tilespmem:$0x13C00] =	vst v63  }
0xf: {  	_ =	swait.ge [sflag:s12], $0x2710  }
0x10: {  	[sflag:s12] =	ssyncset.done $0x0  }
0x11: {  	[sflag:s12] =	ssyncadd.s32 $0xFFFFD8F0  }
0x12: {  	[tilespmem:s13], [sflag:$0x1] =	stream.linear.gather [hbm4b:s8+s3], $0x2710, $0x38;
	[tilespmem:$0x13C00] =	vst v63  }
0x13: {  	_ =	swait.ge [sflag:s12], $0x2710  }
0x14: {  	[sflag:s12] =	ssyncset.done $0x0  }
0x15: {  	[sflag:s12] =	ssyncadd.s32 $0xFFFFD8F0  }
0x16: {  	[tilespmem:s14], [sflag:$0x1] =	stream.linear.gather [hbm4b:s2+s3], $0x2780, $0x38;
	[tilespmem:$0x13C00] =	vst v63  }
0x17: {  	_ =	swait.ge [sflag:s12], $0x2780  }
0x18: {  	[sflag:s12] =	ssyncset.done $0x0  }
0x19: {  	[sflag:s12] =	ssyncadd.s32 $0xFFFFD880  }
0x1a: {  	[tilespmem:s15], [sflag:$0x1] =	stream.linear.gather [hbm4b:s4+s3], $0x2780, $0x38;
	[tilespmem:$0x13C00] =	vst v63  }
0x1b: {  	_ =	swait.ge [sflag:s12], $0x2780  }
0x1c: {  	[sflag:s12] =	ssyncset.done $0x0  }
0x1d: {  	[sflag:s12] =	ssyncadd.s32 $0xFFFFD880  }
0x1e: {  	[tilespmem:s16], [sflag:$0x1] =	stream.linear.gather [hbm4b:s5+s3], $0x2780, $0x38;
	[tilespmem:$0x13C00] =	vst v63  }
0x1f: {  	_ =	swait.ge [sflag:s12], $0x2780  }
0x20: {  	[sflag:s12] =	ssyncset.done $0x0  }
0x21: {  	[sflag:s12] =	ssyncadd.s32 $0xFFFFD880  }
0x22: {  	[tilespmem:s17], [sflag:$0x1] =	stream.linear.gather [hbm4b:s6+s3], $0x2780, $0x38;
	[tilespmem:$0x13C00] =	vst v63  }
0x23: {  	_ =	swait.ge [sflag:s12], $0x2780  }
0x24: {  	[sflag:s12] =	ssyncset.done $0x0  }
0x25: {  	s21 =	simm.s32 $0x0;
	[sflag:s12] =	ssyncadd.s32 $0xFFFFD880  }
0x26: {  	v2 =	vld [tilespmem:s21+$0x2780]  }
0x27: {  	v0 =	vld [tilespmem:s21+$0x0];
	_ =	sdelay $0x6  }
0x28: {  	v1 =	vld.idx.msk [tilespmem:v2+s15+$0x0], $0xffff  }
0x29: {  	v3 =	vld.idx.msk [tilespmem:v0+s15+$0x0], $0xffff  }
0x2a: {  	v4 =	vld.idx.msk [tilespmem:v0+s16+$0x0], $0xffff  }
0x2b: {  	v5 =	vld.idx.msk [tilespmem:v2+s16+$0x0], $0xffff  }
0x2c: {  	v0 =	vld.idx.msk [tilespmem:v0+s17+$0x0], $0xffff  }
0x2d: {  	v6 =	vld.idx.msk [tilespmem:v2+s17+$0x0], $0xffff;
	_ =	sdelay $0x2  }
0x2e: {  	v1 =	vsub.f32 v3, v1;
	v3 =	vsub.f32 v4, v5;
	_ =	sdelay $0x1  }
0x2f: {  	v0 =	vsub.f32 v0, v6;
	v1 =	vmul.f32 v1, v1;
	v3 =	vmul.f32 v3, v3;
	_ =	sdelay $0x1  }
0x30: {  	v0 =	vmul.f32 v0, v0;
	v1 =	vadd.f32 v3, v1;
	_ =	sdelay $0x1  }
0x31: {  	s23 =	simm.s32 $0x10;
	v3 =	vadd.f32 v0, v1  }
0x32: {  	v0 =	vld [tilespmem:s23+$0x2780]  }
0x33: {  	v1 =	vld [tilespmem:s23+$0x0];
	[tilespmem:s21+$0xED00] =	vst v3  }
0x34: {  	s22 =	simm.s32 $0x80;
	v2 =	vld.idx.msk [tilespmem:v2+s14+$0x0], $0xffff  }
.LBB2_2:
0x35: {  	p0 =	sne.s32 s22, $0x9C00;
	_ =	sdelay $0x1  }
0x36: {  	v3 =	vmov v0;
	_ =	sdelay $0x1  }
0x37: {  	[tilespmem:s21+$0x11480] =	vst v2;
	s21 =	smov.u32 s23  }
0x38: {  	v0 =	vld.idx.msk [tilespmem:v0+s15+$0x0], $0xffff  }
0x39: {  	v2 =	vld.idx.msk [tilespmem:v1+s15+$0x0], $0xffff  }
0x3a: {  	v4 =	vld.idx.msk [tilespmem:v1+s16+$0x0], $0xffff  }
0x3b: {  	v5 =	vld.idx.msk [tilespmem:v3+s16+$0x0], $0xffff  }
0x3c: {  	v1 =	vld.idx.msk [tilespmem:v1+s17+$0x0], $0xffff  }
0x3d: {  	v6 =	vld.idx.msk [tilespmem:v3+s17+$0x0], $0xffff;
	_ =	sdelay $0x3  }
0x3e: {  	v0 =	vsub.f32 v2, v0;
	v2 =	vsub.f32 v4, v5;
	_ =	sdelay $0x1  }
0x3f: {  	v0 =	vmul.f32 v0, v0;
	v1 =	vsub.f32 v1, v6;
	v2 =	vmul.f32 v2, v2;
	_ =	sdelay $0x1  }
0x40: {  	v0 =	vadd.f32 v2, v0;
	v1 =	vmul.f32 v1, v1;
	_ =	sdelay $0x1  }
.Ltmp0:
0x41: {  	s23 =	sshra.s32 s22, $0x2;
	v2 =	vadd.f32 v1, v0;
	(pc) =	sbr.rel @p0 .LBB2_2-.Ltmp0, $4  }
0x42: {  	v1 =	vld [tilespmem:s23+$0x0]  }
0x43: {  	v0 =	vld [tilespmem:s23+$0x2780];
	[tilespmem:s21+$0xED00] =	vst v2  }
0x44: {  	v2 =	vld.idx.msk [tilespmem:v3+s14+$0x0], $0xffff  }
0x45: {  	s22 =	sadd.s32 $0x40, s22  }
0x46: {  	_ =	sdelay $0x4  }
0x47: {  	[tilespmem:s21+$0x11480] =	vst v2  }
0x48: {  	v2 =	vld.idx.msk [tilespmem:v0+s15+$0x0], $0xffff  }
0x49: {  	v3 =	vld.idx.msk [tilespmem:v1+s15+$0x0], $0xffff  }
0x4a: {  	v4 =	vld.idx.msk [tilespmem:v1+s16+$0x0], $0xffff  }
0x4b: {  	v5 =	vld.idx.msk [tilespmem:v0+s16+$0x0], $0xffff  }
0x4c: {  	v61 =	vld.idx.msk [tilespmem:v1+s17+$0x0], $0xffff  }
0x4d: {  	v6 =	vld.idx.msk [tilespmem:v0+s17+$0x0], $0xffff;
	_ =	sdelay $0x2  }
0x4e: {  	v2 =	vsub.f32 v3, v2;
	v62 =	vsub.f32 v4, v5;
	_ =	sdelay $0x1  }
0x4f: {  	v1 =	vsub.f32 v61, v6;
	v2 =	vmul.f32 v2, v2;
	v3 =	vmul.f32 v62, v62;
	_ =	sdelay $0x1  }
0x50: {  	v1 =	vmul.f32 v1, v1;
	v2 =	vadd.f32 v3, v2;
	_ =	sdelay $0x1  }
0x51: {  	v1 =	vadd.f32 v1, v2;
	_ =	sdelay $0x1  }
0x52: {  	[tilespmem:s23+$0xED00] =	vst v1  }
0x53: {  	v63 =	vld.idx.msk [tilespmem:v0+s14+$0x0], $0xffff;
	_ =	sdelay $0x4  }
0x54: {  	[tilespmem:s23+$0x11480] =	vst v63  }
0x55: {  	[hbm4b:s9+s3] =	stream.linear.scatter [tilespmem:s18], [sflag:$0x1], $0x2710, $0x38;
	[tilespmem:$0x13C00] =	vst v63  }
0x56: {  	s20 =	sadd.s32 $0x1, s20;
	_ =	swait.ge [sflag:s12], $0x2710  }
0x57: {  	p0 =	sne.s32 s20, s11;
	[sflag:s12] =	ssyncset.done $0x0  }
.Ltmp1:
0x58: {  	[sflag:s12] =	ssyncadd.s32 $0xFFFFD8F0;
	(pc) =	sbr.rel @p0 .LBB2_1-.Ltmp1, $4  }
0x59: {  	[hbm4b:s10+s3] =	stream.linear.scatter [tilespmem:s19], [sflag:$0x1], $0x2710, $0x38;
	[tilespmem:$0x13C00] =	vst v63  }
0x5a: {  	_ =	swait.ge [sflag:s12], $0x2710  }
0x5b: {  	[sflag:s12] =	ssyncset.done $0x0  }
0x5c: {  	[sflag:s12] =	ssyncadd.s32 $0xFFFFD8F0  }
0x5d: {  	_ =	sfence.sel $0x180000  }
0x5e: {  	[bflag:$0x0] =	sbarrier.arrive $0xFFFF  }
0x5f: {  	p0 =	sne.s32 s1, $0x0;
	_ =	strace $0x90000047  }
0x60: {  	s0 =	sadd.s32 @!p0 $0x100000, s0;
	[bflag:$0x2] =	sbarrier.arrive $0xFFFF  }
0x61: {  	[sflag:s0] =	ssyncadd.tile.s32 @!p0 $0x1;
	_ =	shalt  }
.Lfunc_end2:
_tile_overlayer_lowered:
.L_overlay_start_2:
0x62: {  	(tag) =	ssettag $0x2  }
0x63: {  	s0 =	rddreg [dreg:$0x0];
	s2 =	stileid.u32  }
0x64: {  	s1 =	rddreg [dreg:$0x1];
	p0 =	sne.s32 s2, $0x0  }
0x65: {  	s3 =	rddreg [dreg:$0x2];
	[bflag:$0x3] =	sbarrier.arrive $0xFFFF;
	s2 =	simm.s32 @!p0 $0x1C01  }
0x66: {  	[timem:s3], [sflag:s2] =	dma.local @!p0 [hbm:s0], s1  }
0x67: {  	s0 =	simm.s32 @!p0 $0x1  }
0x68: {  	_ =	swait.ge @!p0 [sflag:s0], s1  }
0x69: {  	s1 =	ssub.s32 @!p0 $0x0, s1;
	[sflag:s0] =	ssyncset.done @!p0 $0x0  }
0x6a: {  	[sflag:s0] =	ssyncadd.s32 @!p0 s1  }
0x6b: {  	[bflag:$0x3] =	sbarrier.arrive $0xFFFF  }
0x6c: {  	_ =	shalt  }

</sc_bundles>
